<compile_context>
chip_gen: v7x
topology: tpu7x:2x2x1
jax: 0.10.2.dev20260603
libtpu: 0.0.44.dev20260713+nightly
codegen_flags: <defaults>
</compile_context>

<pallas_src>
import jax
import jax.numpy as jnp
from jax import lax
from jax.experimental import pallas as pl
from jax.experimental.pallas import tpu as pltpu
from jax.experimental.pallas import tpu_sc as plsc

D = 256
HID = 256
OUT = 64

NW = 32
CHUNK = 56
SPLIT_CHUNKS = (5, 5, 4)
N_PARTS = (8960, 8960, 7168)
N_OUT = 25000
TC_BLOCK = 1792


def _make_sc_gather(chunks_per_w):
  rows_per_w = CHUNK * chunks_per_w

  def _sc_gather(imr_hbm, gr_hbm, idx_hbm, x_hbm,
                 idx_v, b1a, b1b, b2a, b2b, sem_g, sem_wa, sem_wb):
    wid = lax.axis_index("s") * 2 + lax.axis_index("c")
    base = wid * rows_per_w
    bufs1 = (b1a, b1b)
    bufs2 = (b2a, b2b)
    sem_w = (sem_wa, sem_wb)
    pltpu.sync_copy(idx_hbm.at[pl.ds(base, rows_per_w)], idx_v)
    idx0 = idx_v.at[pl.ds(0, CHUNK)]
    gcur = [pltpu.async_copy(imr_hbm.at[idx0], bufs1[0], sem_g),
            pltpu.async_copy(gr_hbm.at[idx0], bufs2[0], sem_g)]
    pending = []
    for c in range(chunks_per_w):
        cur = c % 2
        nxt = (c + 1) % 2
        for d in gcur:
            d.wait()
        row0 = base + c * CHUNK
        pending.append([
            pltpu.async_copy(
                bufs1[cur], x_hbm.at[pl.ds(row0, CHUNK), pl.ds(0, D)],
                sem_w[cur]),
            pltpu.async_copy(
                bufs2[cur], x_hbm.at[pl.ds(row0, CHUNK), pl.ds(D, D)],
                sem_w[cur]),
        ])
        if c + 1 < chunks_per_w:
            if len(pending) >= 2:
                for d in pending.pop(0):
                    d.wait()
            idx_c = idx_v.at[pl.ds((c + 1) * CHUNK, CHUNK)]
            gcur = [pltpu.async_copy(imr_hbm.at[idx_c], bufs1[nxt], sem_g),
                    pltpu.async_copy(gr_hbm.at[idx_c], bufs2[nxt], sem_g)]
    for grp in pending:
        for d in grp:
            d.wait()

  return _sc_gather


def _gather_rows(imr, gr, idx_part, chunks_per_w):
    mesh = plsc.VectorSubcoreMesh(core_axis_name="c", subcore_axis_name="s")
    f = pl.kernel(
        _make_sc_gather(chunks_per_w),
        out_type=jax.ShapeDtypeStruct(
            (NW * CHUNK * chunks_per_w, 2 * D), jnp.float32),
        mesh=mesh,
        scratch_types=[
            pltpu.VMEM((CHUNK * chunks_per_w,), jnp.int32),
            pltpu.VMEM((CHUNK, D), jnp.float32),
            pltpu.VMEM((CHUNK, D), jnp.float32),
            pltpu.VMEM((CHUNK, D), jnp.float32),
            pltpu.VMEM((CHUNK, D), jnp.float32),
            pltpu.SemaphoreType.DMA,
            pltpu.SemaphoreType.DMA,
            pltpu.SemaphoreType.DMA,
        ],
    )
    return f(imr, gr, idx_part)


def _mlp_body(*refs):
    x_ref, w1_ref, w2_ref, b1_ref, b2_ref = refs[:5]
    o_ref = refs[-1]
    h = jnp.dot(x_ref[...], w1_ref[...], preferred_element_type=jnp.float32)
    h = jnp.maximum(h + b1_ref[...], 0.0)
    o_t = jax.lax.dot_general(
        w2_ref[...], h, (((0,), (1,)), ((), ())),
        preferred_element_type=jnp.float32)
    o_ref[...] = o_t + b2_ref[...]


def _mlp(x, w1, w2, b1r, b2r, o_prev, half):
    off = sum(N_PARTS[:half]) // TC_BLOCK
    in_specs = [
        pl.BlockSpec((TC_BLOCK, 2 * D), lambda i: (i, 0)),
        pl.BlockSpec((2 * D, HID), lambda i: (0, 0)),
        pl.BlockSpec((HID, OUT), lambda i: (0, 0)),
        pl.BlockSpec((1, HID), lambda i: (0, 0)),
        pl.BlockSpec((OUT, 1), lambda i: (0, 0)),
    ]
    args = [x, w1, w2, b1r, b2r]
    aliases = {}
    if half:
        in_specs.append(pl.BlockSpec((OUT, TC_BLOCK), lambda i: (0, i + off)))
        args.append(o_prev)
        aliases = {5: 0}
    return pl.pallas_call(
        _mlp_body,
        grid=(N_PARTS[half] // TC_BLOCK,),
        in_specs=in_specs,
        out_specs=pl.BlockSpec((OUT, TC_BLOCK), lambda i: (0, i + off)),
        out_shape=jax.ShapeDtypeStruct((OUT, N_OUT), jnp.float32),
        input_output_aliases=aliases,
    )(*args)


def kernel(input_molecule_representations, graph_representations,
           graphs_requiring_node_choices, W1, b1, W2, b2):
    n_sel = graphs_requiring_node_choices.shape[0]
    idx = graphs_requiring_node_choices.astype(jnp.int32)
    idx_pad = jnp.concatenate(
        [idx, jnp.zeros((sum(N_PARTS) - n_sel,), jnp.int32)])
    b1r = b1.reshape(1, HID)
    b2r = b2.reshape(OUT, 1)
    out = None
    row = 0
    for h in range(len(N_PARTS)):
        x = _gather_rows(
            input_molecule_representations, graph_representations,
            idx_pad[row:row + N_PARTS[h]], SPLIT_CHUNKS[h])
        out = _mlp(x, W1, W2, b1r, b2r, out, h)
        row += N_PARTS[h]
    return out.T

# --- scband reference (transcript-rebuilt; emitter-appended) ---
"""Pipeline reference for scband-mlpdecoder-40905268527545 (READ-ONLY COPY).

The authoritative reference and input builder live on the scoring server;
editing this copy changes nothing except your own understanding.
"""

import jax, jax.numpy as jnp
import numpy as np

NUM_GRAPHS = 50000
D = 256
N_SEL = 25000
HID = 256
OUT = 64

def setup_inputs(seed: int = 0) -> dict:
    key = jax.random.key(seed)
    ks = jax.random.split(key, 6)
    imr = jax.random.normal(ks[0], (NUM_GRAPHS, D), dtype=jnp.float32)
    gr = jax.random.normal(ks[1], (NUM_GRAPHS, D), dtype=jnp.float32)
    idx = jax.random.randint(ks[2], (N_SEL,), 0, NUM_GRAPHS)
    W1 = jax.random.normal(ks[3], (2 * D, HID), dtype=jnp.float32) * 0.02
    b1 = jnp.zeros((HID,), dtype=jnp.float32)
    W2 = jax.random.normal(ks[4], (HID, OUT), dtype=jnp.float32) * 0.02
    b2 = jnp.zeros((OUT,), dtype=jnp.float32)
    return {
        "input_molecule_representations": imr,
        "graph_representations": gr,
        "graphs_requiring_node_choices": idx,
        "W1": W1, "b1": b1, "W2": W2, "b2": b2,
    }

def reference(input_molecule_representations, graph_representations, graphs_requiring_node_choices, W1, b1, W2, b2):
    # pick_node_type: gather rows of both representation tables for the
    # graphs that require node choices, concatenate, and run the
    # node-type-selector MLP (GenericMLP: Linear -> ReLU -> Linear).
    relevant_graph_representations = jnp.take(input_molecule_representations, graphs_requiring_node_choices, axis=0)
    relevant_input_molecule_representations = jnp.take(graph_representations, graphs_requiring_node_choices, axis=0)
    original_and_calculated = jnp.concatenate(
        [relevant_graph_representations, relevant_input_molecule_representations], axis=-1)
    h = jax.nn.relu(original_and_calculated @ W1 + b1)
    node_type_logits = h @ W2 + b2
    return node_type_logits

if __name__ == "__main__":
    import jax
    _d = setup_inputs()
    print(jax.jit(kernel)(*tuple(_d.values())))

</pallas_src>

<mosaic_0001>
#map = affine_map<(d0, d1) -> (0, 0)>
#map1 = affine_map<(d0, d1) -> (0)>
module attributes {stable_mosaic.version = 14 : i64} {
  func.func @_sc_gather(%arg0: i32, %arg1: i32, %arg2: memref<50000x256xf32, #tpu.memory_space<hbm>>, %arg3: memref<50000x256xf32, #tpu.memory_space<hbm>>, %arg4: memref<8960xi32, #tpu.memory_space<hbm>>, %arg5: memref<8960x512xf32, #tpu.memory_space<hbm>>, %arg6: memref<280xi32, #tpu.memory_space<vmem>>, %arg7: memref<56x256xf32, #tpu.memory_space<vmem>>, %arg8: memref<56x256xf32, #tpu.memory_space<vmem>>, %arg9: memref<56x256xf32, #tpu.memory_space<vmem>>, %arg10: memref<56x256xf32, #tpu.memory_space<vmem>>, %arg11: memref<!tpu.dma_semaphore, #tpu.memory_space<semaphore_mem>>, %arg12: memref<!tpu.dma_semaphore, #tpu.memory_space<semaphore_mem>>, %arg13: memref<!tpu.dma_semaphore, #tpu.memory_space<semaphore_mem>>) attributes {dimension_semantics = [#tpu.dimension_semantics<core_parallel>, #tpu.dimension_semantics<subcore_parallel>], iteration_bounds = array<i64: 2, 16>, scalar_prefetch = 0 : i64, scratch_operands = 8 : i64, tpu.core_type = #tpu.core_type<sc_vector_subcore>, window_params = [{transform_indices = #map}, {transform_indices = #map}, {transform_indices = #map1}, {transform_indices = #map}]} {
    %mul3A = arith.constant 2 : i32
    %mul3A_0 = arith.muli %arg1, %mul3A : i32
    %add3A = arith.addi %mul3A_0, %arg0 : i32
    %mul3A_1 = arith.constant 280 : i32
    %mul3A_2 = arith.muli %add3A, %mul3A_1 : i32
    "tpu.region"() ({
      %run_scoped3A = tpu.sem_alloc : memref<!tpu.dma_semaphore, #tpu.memory_space<semaphore_mem>>
      %dma_start3A_191 = tpu.memref_slice %arg4[%mul3A_2] : memref<8960xi32, #tpu.memory_space<hbm>> -> memref<280xi32, #tpu.memory_space<hbm>>
      %dma_start3A_192 = tpu.memref_slice %arg4[%mul3A_2] : memref<8960xi32, #tpu.memory_space<hbm>> -> memref<280xi32, #tpu.memory_space<hbm>>
      tpu.enqueue_dma source(%dma_start3A_192 : memref<280xi32, #tpu.memory_space<hbm>>) target(%arg6 : memref<280xi32, #tpu.memory_space<vmem>>) target_semaphore(%run_scoped3A : memref<!tpu.dma_semaphore, #tpu.memory_space<semaphore_mem>>)
      %dma_wait3A_193 = tpu.memref_slice %arg4[%mul3A_2] : memref<8960xi32, #tpu.memory_space<hbm>> -> memref<280xi32, #tpu.memory_space<hbm>>
      %dma_wait3A_194 = tpu.memref_slice %arg4[%mul3A_2] : memref<8960xi32, #tpu.memory_space<hbm>> -> memref<280xi32, #tpu.memory_space<hbm>>
      tpu.wait_dma2 semaphore(%run_scoped3A : memref<!tpu.dma_semaphore, #tpu.memory_space<semaphore_mem>>) src(%dma_wait3A_194 : memref<280xi32, #tpu.memory_space<hbm>>) dst(%arg6 : memref<280xi32, #tpu.memory_space<vmem>>)
      tpu.yield
    }) : () -> ()
    %dma_start3A = arith.constant 0 : i32
    %dma_start3A_3 = tpu.memref_slice %arg6[%dma_start3A] : memref<280xi32, #tpu.memory_space<vmem>> -> memref<56xi32, #tpu.memory_space<vmem>>
    %dma_start3A_4 = arith.constant 0 : i32
    %dma_start3A_5 = arith.constant 0 : i32
    %dma_start3A_6 = tpu.memref_slice %arg2[%dma_start3A_4, %dma_start3A_5] : memref<50000x256xf32, #tpu.memory_space<hbm>> -> memref<50000x256xf32, #tpu.memory_space<hbm>>
    tpu.enqueue_indirect_dma source(%dma_start3A_6 : memref<50000x256xf32, #tpu.memory_space<hbm>>) target(%arg7 : memref<56x256xf32, #tpu.memory_space<vmem>>) offsets(%dma_start3A_3 : memref<56xi32, #tpu.memory_space<vmem>>) semaphore(%arg11 : memref<!tpu.dma_semaphore, #tpu.memory_space<semaphore_mem>>)
    %dma_start3A_7 = arith.constant 0 : i32
    %dma_start3A_8 = tpu.memref_slice %arg6[%dma_start3A_7] : memref<280xi32, #tpu.memory_space<vmem>> -> memref<56xi32, #tpu.memory_space<vmem>>
    %dma_start3A_9 = arith.constant 0 : i32
    %dma_start3A_10 = arith.constant 0 : i32
    %dma_start3A_11 = tpu.memref_slice %arg3[%dma_start3A_9, %dma_start3A_10] : memref<50000x256xf32, #tpu.memory_space<hbm>> -> memref<50000x256xf32, #tpu.memory_space<hbm>>
    tpu.enqueue_indirect_dma source(%dma_start3A_11 : memref<50000x256xf32, #tpu.memory_space<hbm>>) target(%arg9 : memref<56x256xf32, #tpu.memory_space<vmem>>) offsets(%dma_start3A_8 : memref<56xi32, #tpu.memory_space<vmem>>) semaphore(%arg11 : memref<!tpu.dma_semaphore, #tpu.memory_space<semaphore_mem>>)
    %dma_wait3A = arith.constant 0 : i32
    %dma_wait3A_12 = tpu.memref_slice %arg6[%dma_wait3A] : memref<280xi32, #tpu.memory_space<vmem>> -> memref<56xi32, #tpu.memory_space<vmem>>
    %dma_wait3A_13 = arith.constant 0 : i32
    %dma_wait3A_14 = arith.constant 0 : i32
    %dma_wait3A_15 = tpu.memref_slice %arg2[%dma_wait3A_13, %dma_wait3A_14] : memref<50000x256xf32, #tpu.memory_space<hbm>> -> memref<50000x256xf32, #tpu.memory_space<hbm>>
    tpu.wait_indirect_dma semaphore(%arg11 : memref<!tpu.dma_semaphore, #tpu.memory_space<semaphore_mem>>) src(%dma_wait3A_15 : memref<50000x256xf32, #tpu.memory_space<hbm>>) dst(%arg7 : memref<56x256xf32, #tpu.memory_space<vmem>>)
    %dma_wait3A_16 = arith.constant 0 : i32
    %dma_wait3A_17 = tpu.memref_slice %arg6[%dma_wait3A_16] : memref<280xi32, #tpu.memory_space<vmem>> -> memref<56xi32, #tpu.memory_space<vmem>>
    %dma_wait3A_18 = arith.constant 0 : i32
    %dma_wait3A_19 = arith.constant 0 : i32
    %dma_wait3A_20 = tpu.memref_slice %arg3[%dma_wait3A_18, %dma_wait3A_19] : memref<50000x256xf32, #tpu.memory_space<hbm>> -> memref<50000x256xf32, #tpu.memory_space<hbm>>
    tpu.wait_indirect_dma semaphore(%arg11 : memref<!tpu.dma_semaphore, #tpu.memory_space<semaphore_mem>>) src(%dma_wait3A_20 : memref<50000x256xf32, #tpu.memory_space<hbm>>) dst(%arg9 : memref<56x256xf32, #tpu.memory_space<vmem>>)
    %add3A_21 = arith.constant 0 : i32
    %add3A_22 = arith.addi %mul3A_2, %add3A_21 : i32
    %dma_start3A_23 = arith.constant 0 : i32
    %dma_start3A_24 = tpu.memref_slice %arg5[%add3A_22, %dma_start3A_23] : memref<8960x512xf32, #tpu.memory_space<hbm>> -> memref<56x256xf32, #tpu.memory_space<hbm>>
    %dma_start3A_25 = arith.constant 0 : i32
    %dma_start3A_26 = tpu.memref_slice %arg5[%add3A_22, %dma_start3A_25] : memref<8960x512xf32, #tpu.memory_space<hbm>> -> memref<56x256xf32, #tpu.memory_space<hbm>>
    tpu.enqueue_dma source(%arg7 : memref<56x256xf32, #tpu.memory_space<vmem>>) target(%dma_start3A_26 : memref<56x256xf32, #tpu.memory_space<hbm>>) target_semaphore(%arg12 : memref<!tpu.dma_semaphore, #tpu.memory_space<semaphore_mem>>)
    %dma_start3A_27 = arith.constant 256 : i32
    %dma_start3A_28 = tpu.memref_slice %arg5[%add3A_22, %dma_start3A_27] : memref<8960x512xf32, #tpu.memory_space<hbm>> -> memref<56x256xf32, #tpu.memory_space<hbm>>
    %dma_start3A_29 = arith.constant 256 : i32
    %dma_start3A_30 = tpu.memref_slice %arg5[%add3A_22, %dma_start3A_29] : memref<8960x512xf32, #tpu.memory_space<hbm>> -> memref<56x256xf32, #tpu.memory_space<hbm>>
    tpu.enqueue_dma source(%arg9 : memref<56x256xf32, #tpu.memory_space<vmem>>) target(%dma_start3A_30 : memref<56x256xf32, #tpu.memory_space<hbm>>) target_semaphore(%arg12 : memref<!tpu.dma_semaphore, #tpu.memory_space<semaphore_mem>>)
    %dma_start3A_31 = arith.constant 56 : i32
    %dma_start3A_32 = tpu.memref_slice %arg6[%dma_start3A_31] : memref<280xi32, #tpu.memory_space<vmem>> -> memref<56xi32, #tpu.memory_space<vmem>>
    %dma_start3A_33 = arith.constant 0 : i32
    %dma_start3A_34 = arith.constant 0 : i32
    %dma_start3A_35 = tpu.memref_slice %arg2[%dma_start3A_33, %dma_start3A_34] : memref<50000x256xf32, #tpu.memory_space<hbm>> -> memref<50000x256xf32, #tpu.memory_space<hbm>>
    tpu.enqueue_indirect_dma source(%dma_start3A_35 : memref<50000x256xf32, #tpu.memory_space<hbm>>) target(%arg8 : memref<56x256xf32, #tpu.memory_space<vmem>>) offsets(%dma_start3A_32 : memref<56xi32, #tpu.memory_space<vmem>>) semaphore(%arg11 : memref<!tpu.dma_semaphore, #tpu.memory_space<semaphore_mem>>)
    %dma_start3A_36 = arith.constant 56 : i32
    %dma_start3A_37 = tpu.memref_slice %arg6[%dma_start3A_36] : memref<280xi32, #tpu.memory_space<vmem>> -> memref<56xi32, #tpu.memory_space<vmem>>
    %dma_start3A_38 = arith.constant 0 : i32
    %dma_start3A_39 = arith.constant 0 : i32
    %dma_start3A_40 = tpu.memref_slice %arg3[%dma_start3A_38, %dma_start3A_39] : memref<50000x256xf32, #tpu.memory_space<hbm>> -> memref<50000x256xf32, #tpu.memory_space<hbm>>
    tpu.enqueue_indirect_dma source(%dma_start3A_40 : memref<50000x256xf32, #tpu.memory_space<hbm>>) target(%arg10 : memref<56x256xf32, #tpu.memory_space<vmem>>) offsets(%dma_start3A_37 : memref<56xi32, #tpu.memory_space<vmem>>) semaphore(%arg11 : memref<!tpu.dma_semaphore, #tpu.memory_space<semaphore_mem>>)
    %dma_wait3A_41 = arith.constant 56 : i32
    %dma_wait3A_42 = tpu.memref_slice %arg6[%dma_wait3A_41] : memref<280xi32, #tpu.memory_space<vmem>> -> memref<56xi32, #tpu.memory_space<vmem>>
    %dma_wait3A_43 = arith.constant 0 : i32
    %dma_wait3A_44 = arith.constant 0 : i32
    %dma_wait3A_45 = tpu.memref_slice %arg2[%dma_wait3A_43, %dma_wait3A_44] : memref<50000x256xf32, #tpu.memory_space<hbm>> -> memref<50000x256xf32, #tpu.memory_space<hbm>>
    tpu.wait_indirect_dma semaphore(%arg11 : memref<!tpu.dma_semaphore, #tpu.memory_space<semaphore_mem>>) src(%dma_wait3A_45 : memref<50000x256xf32, #tpu.memory_space<hbm>>) dst(%arg8 : memref<56x256xf32, #tpu.memory_space<vmem>>)
    %dma_wait3A_46 = arith.constant 56 : i32
    %dma_wait3A_47 = tpu.memref_slice %arg6[%dma_wait3A_46] : memref<280xi32, #tpu.memory_space<vmem>> -> memref<56xi32, #tpu.memory_space<vmem>>
    %dma_wait3A_48 = arith.constant 0 : i32
    %dma_wait3A_49 = arith.constant 0 : i32
    %dma_wait3A_50 = tpu.memref_slice %arg3[%dma_wait3A_48, %dma_wait3A_49] : memref<50000x256xf32, #tpu.memory_space<hbm>> -> memref<50000x256xf32, #tpu.memory_space<hbm>>
    tpu.wait_indirect_dma semaphore(%arg11 : memref<!tpu.dma_semaphore, #tpu.memory_space<semaphore_mem>>) src(%dma_wait3A_50 : memref<50000x256xf32, #tpu.memory_space<hbm>>) dst(%arg10 : memref<56x256xf32, #tpu.memory_space<vmem>>)
    %add3A_51 = arith.constant 56 : i32
    %add3A_52 = arith.addi %mul3A_2, %add3A_51 : i32
    %dma_start3A_53 = arith.constant 0 : i32
    %dma_start3A_54 = tpu.memref_slice %arg5[%add3A_52, %dma_start3A_53] : memref<8960x512xf32, #tpu.memory_space<hbm>> -> memref<56x256xf32, #tpu.memory_space<hbm>>
    %dma_start3A_55 = arith.constant 0 : i32
    %dma_start3A_56 = tpu.memref_slice %arg5[%add3A_52, %dma_start3A_55] : memref<8960x512xf32, #tpu.memory_space<hbm>> -> memref<56x256xf32, #tpu.memory_space<hbm>>
    tpu.enqueue_dma source(%arg8 : memref<56x256xf32, #tpu.memory_space<vmem>>) target(%dma_start3A_56 : memref<56x256xf32, #tpu.memory_space<hbm>>) target_semaphore(%arg13 : memref<!tpu.dma_semaphore, #tpu.memory_space<semaphore_mem>>)
    %dma_start3A_57 = arith.constant 256 : i32
    %dma_start3A_58 = tpu.memref_slice %arg5[%add3A_52, %dma_start3A_57] : memref<8960x512xf32, #tpu.memory_space<hbm>> -> memref<56x256xf32, #tpu.memory_space<hbm>>
    %dma_start3A_59 = arith.constant 256 : i32
    %dma_start3A_60 = tpu.memref_slice %arg5[%add3A_52, %dma_start3A_59] : memref<8960x512xf32, #tpu.memory_space<hbm>> -> memref<56x256xf32, #tpu.memory_space<hbm>>
    tpu.enqueue_dma source(%arg10 : memref<56x256xf32, #tpu.memory_space<vmem>>) target(%dma_start3A_60 : memref<56x256xf32, #tpu.memory_space<hbm>>) target_semaphore(%arg13 : memref<!tpu.dma_semaphore, #tpu.memory_space<semaphore_mem>>)
    %dma_wait3A_61 = arith.constant 0 : i32
    %dma_wait3A_62 = tpu.memref_slice %arg5[%add3A_22, %dma_wait3A_61] : memref<8960x512xf32, #tpu.memory_space<hbm>> -> memref<56x256xf32, #tpu.memory_space<hbm>>
    %dma_wait3A_63 = arith.constant 0 : i32
    %dma_wait3A_64 = tpu.memref_slice %arg5[%add3A_22, %dma_wait3A_63] : memref<8960x512xf32, #tpu.memory_space<hbm>> -> memref<56x256xf32, #tpu.memory_space<hbm>>
    tpu.wait_dma2 semaphore(%arg12 : memref<!tpu.dma_semaphore, #tpu.memory_space<semaphore_mem>>) src(%arg7 : memref<56x256xf32, #tpu.memory_space<vmem>>) dst(%dma_wait3A_64 : memref<56x256xf32, #tpu.memory_space<hbm>>)
    %dma_wait3A_65 = arith.constant 256 : i32
    %dma_wait3A_66 = tpu.memref_slice %arg5[%add3A_22, %dma_wait3A_65] : memref<8960x512xf32, #tpu.memory_space<hbm>> -> memref<56x256xf32, #tpu.memory_space<hbm>>
    %dma_wait3A_67 = arith.constant 256 : i32
    %dma_wait3A_68 = tpu.memref_slice %arg5[%add3A_22, %dma_wait3A_67] : memref<8960x512xf32, #tpu.memory_space<hbm>> -> memref<56x256xf32, #tpu.memory_space<hbm>>
    tpu.wait_dma2 semaphore(%arg12 : memref<!tpu.dma_semaphore, #tpu.memory_space<semaphore_mem>>) src(%arg9 : memref<56x256xf32, #tpu.memory_space<vmem>>) dst(%dma_wait3A_68 : memref<56x256xf32, #tpu.memory_space<hbm>>)
    %dma_start3A_69 = arith.constant 112 : i32
    %dma_start3A_70 = tpu.memref_slice %arg6[%dma_start3A_69] : memref<280xi32, #tpu.memory_space<vmem>> -> memref<56xi32, #tpu.memory_space<vmem>>
    %dma_start3A_71 = arith.constant 0 : i32
    %dma_start3A_72 = arith.constant 0 : i32
    %dma_start3A_73 = tpu.memref_slice %arg2[%dma_start3A_71, %dma_start3A_72] : memref<50000x256xf32, #tpu.memory_space<hbm>> -> memref<50000x256xf32, #tpu.memory_space<hbm>>
    tpu.enqueue_indirect_dma source(%dma_start3A_73 : memref<50000x256xf32, #tpu.memory_space<hbm>>) target(%arg7 : memref<56x256xf32, #tpu.memory_space<vmem>>) offsets(%dma_start3A_70 : memref<56xi32, #tpu.memory_space<vmem>>) semaphore(%arg11 : memref<!tpu.dma_semaphore, #tpu.memory_space<semaphore_mem>>)
    %dma_start3A_74 = arith.constant 112 : i32
    %dma_start3A_75 = tpu.memref_slice %arg6[%dma_start3A_74] : memref<280xi32, #tpu.memory_space<vmem>> -> memref<56xi32, #tpu.memory_space<vmem>>
    %dma_start3A_76 = arith.constant 0 : i32
    %dma_start3A_77 = arith.constant 0 : i32
    %dma_start3A_78 = tpu.memref_slice %arg3[%dma_start3A_76, %dma_start3A_77] : memref<50000x256xf32, #tpu.memory_space<hbm>> -> memref<50000x256xf32, #tpu.memory_space<hbm>>
    tpu.enqueue_indirect_dma source(%dma_start3A_78 : memref<50000x256xf32, #tpu.memory_space<hbm>>) target(%arg9 : memref<56x256xf32, #tpu.memory_space<vmem>>) offsets(%dma_start3A_75 : memref<56xi32, #tpu.memory_space<vmem>>) semaphore(%arg11 : memref<!tpu.dma_semaphore, #tpu.memory_space<semaphore_mem>>)
    %dma_wait3A_79 = arith.constant 112 : i32
    %dma_wait3A_80 = tpu.memref_slice %arg6[%dma_wait3A_79] : memref<280xi32, #tpu.memory_space<vmem>> -> memref<56xi32, #tpu.memory_space<vmem>>
    %dma_wait3A_81 = arith.constant 0 : i32
    %dma_wait3A_82 = arith.constant 0 : i32
    %dma_wait3A_83 = tpu.memref_slice %arg2[%dma_wait3A_81, %dma_wait3A_82] : memref<50000x256xf32, #tpu.memory_space<hbm>> -> memref<50000x256xf32, #tpu.memory_space<hbm>>
    tpu.wait_indirect_dma semaphore(%arg11 : memref<!tpu.dma_semaphore, #tpu.memory_space<semaphore_mem>>) src(%dma_wait3A_83 : memref<50000x256xf32, #tpu.memory_space<hbm>>) dst(%arg7 : memref<56x256xf32, #tpu.memory_space<vmem>>)
    %dma_wait3A_84 = arith.constant 112 : i32
    %dma_wait3A_85 = tpu.memref_slice %arg6[%dma_wait3A_84] : memref<280xi32, #tpu.memory_space<vmem>> -> memref<56xi32, #tpu.memory_space<vmem>>
    %dma_wait3A_86 = arith.constant 0 : i32
    %dma_wait3A_87 = arith.constant 0 : i32
    %dma_wait3A_88 = tpu.memref_slice %arg3[%dma_wait3A_86, %dma_wait3A_87] : memref<50000x256xf32, #tpu.memory_space<hbm>> -> memref<50000x256xf32, #tpu.memory_space<hbm>>
    tpu.wait_indirect_dma semaphore(%arg11 : memref<!tpu.dma_semaphore, #tpu.memory_space<semaphore_mem>>) src(%dma_wait3A_88 : memref<50000x256xf32, #tpu.memory_space<hbm>>) dst(%arg9 : memref<56x256xf32, #tpu.memory_space<vmem>>)
    %add3A_89 = arith.constant 112 : i32
    %add3A_90 = arith.addi %mul3A_2, %add3A_89 : i32
    %dma_start3A_91 = arith.constant 0 : i32
    %dma_start3A_92 = tpu.memref_slice %arg5[%add3A_90, %dma_start3A_91] : memref<8960x512xf32, #tpu.memory_space<hbm>> -> memref<56x256xf32, #tpu.memory_space<hbm>>
    %dma_start3A_93 = arith.constant 0 : i32
    %dma_start3A_94 = tpu.memref_slice %arg5[%add3A_90, %dma_start3A_93] : memref<8960x512xf32, #tpu.memory_space<hbm>> -> memref<56x256xf32, #tpu.memory_space<hbm>>
    tpu.enqueue_dma source(%arg7 : memref<56x256xf32, #tpu.memory_space<vmem>>) target(%dma_start3A_94 : memref<56x256xf32, #tpu.memory_space<hbm>>) target_semaphore(%arg12 : memref<!tpu.dma_semaphore, #tpu.memory_space<semaphore_mem>>)
    %dma_start3A_95 = arith.constant 256 : i32
    %dma_start3A_96 = tpu.memref_slice %arg5[%add3A_90, %dma_start3A_95] : memref<8960x512xf32, #tpu.memory_space<hbm>> -> memref<56x256xf32, #tpu.memory_space<hbm>>
    %dma_start3A_97 = arith.constant 256 : i32
    %dma_start3A_98 = tpu.memref_slice %arg5[%add3A_90, %dma_start3A_97] : memref<8960x512xf32, #tpu.memory_space<hbm>> -> memref<56x256xf32, #tpu.memory_space<hbm>>
    tpu.enqueue_dma source(%arg9 : memref<56x256xf32, #tpu.memory_space<vmem>>) target(%dma_start3A_98 : memref<56x256xf32, #tpu.memory_space<hbm>>) target_semaphore(%arg12 : memref<!tpu.dma_semaphore, #tpu.memory_space<semaphore_mem>>)
    %dma_wait3A_99 = arith.constant 0 : i32
    %dma_wait3A_100 = tpu.memref_slice %arg5[%add3A_52, %dma_wait3A_99] : memref<8960x512xf32, #tpu.memory_space<hbm>> -> memref<56x256xf32, #tpu.memory_space<hbm>>
    %dma_wait3A_101 = arith.constant 0 : i32
    %dma_wait3A_102 = tpu.memref_slice %arg5[%add3A_52, %dma_wait3A_101] : memref<8960x512xf32, #tpu.memory_space<hbm>> -> memref<56x256xf32, #tpu.memory_space<hbm>>
    tpu.wait_dma2 semaphore(%arg13 : memref<!tpu.dma_semaphore, #tpu.memory_space<semaphore_mem>>) src(%arg8 : memref<56x256xf32, #tpu.memory_space<vmem>>) dst(%dma_wait3A_102 : memref<56x256xf32, #tpu.memory_space<hbm>>)
    %dma_wait3A_103 = arith.constant 256 : i32
    %dma_wait3A_104 = tpu.memref_slice %arg5[%add3A_52, %dma_wait3A_103] : memref<8960x512xf32, #tpu.memory_space<hbm>> -> memref<56x256xf32, #tpu.memory_space<hbm>>
    %dma_wait3A_105 = arith.constant 256 : i32
    %dma_wait3A_106 = tpu.memref_slice %arg5[%add3A_52, %dma_wait3A_105] : memref<8960x512xf32, #tpu.memory_space<hbm>> -> memref<56x256xf32, #tpu.memory_space<hbm>>
    tpu.wait_dma2 semaphore(%arg13 : memref<!tpu.dma_semaphore, #tpu.memory_space<semaphore_mem>>) src(%arg10 : memref<56x256xf32, #tpu.memory_space<vmem>>) dst(%dma_wait3A_106 : memref<56x256xf32, #tpu.memory_space<hbm>>)
    %dma_start3A_107 = arith.constant 168 : i32
    %dma_start3A_108 = tpu.memref_slice %arg6[%dma_start3A_107] : memref<280xi32, #tpu.memory_space<vmem>> -> memref<56xi32, #tpu.memory_space<vmem>>
    %dma_start3A_109 = arith.constant 0 : i32
    %dma_start3A_110 = arith.constant 0 : i32
    %dma_start3A_111 = tpu.memref_slice %arg2[%dma_start3A_109, %dma_start3A_110] : memref<50000x256xf32, #tpu.memory_space<hbm>> -> memref<50000x256xf32, #tpu.memory_space<hbm>>
    tpu.enqueue_indirect_dma source(%dma_start3A_111 : memref<50000x256xf32, #tpu.memory_space<hbm>>) target(%arg8 : memref<56x256xf32, #tpu.memory_space<vmem>>) offsets(%dma_start3A_108 : memref<56xi32, #tpu.memory_space<vmem>>) semaphore(%arg11 : memref<!tpu.dma_semaphore, #tpu.memory_space<semaphore_mem>>)
    %dma_start3A_112 = arith.constant 168 : i32
    %dma_start3A_113 = tpu.memref_slice %arg6[%dma_start3A_112] : memref<280xi32, #tpu.memory_space<vmem>> -> memref<56xi32, #tpu.memory_space<vmem>>
    %dma_start3A_114 = arith.constant 0 : i32
    %dma_start3A_115 = arith.constant 0 : i32
    %dma_start3A_116 = tpu.memref_slice %arg3[%dma_start3A_114, %dma_start3A_115] : memref<50000x256xf32, #tpu.memory_space<hbm>> -> memref<50000x256xf32, #tpu.memory_space<hbm>>
    tpu.enqueue_indirect_dma source(%dma_start3A_116 : memref<50000x256xf32, #tpu.memory_space<hbm>>) target(%arg10 : memref<56x256xf32, #tpu.memory_space<vmem>>) offsets(%dma_start3A_113 : memref<56xi32, #tpu.memory_space<vmem>>) semaphore(%arg11 : memref<!tpu.dma_semaphore, #tpu.memory_space<semaphore_mem>>)
    %dma_wait3A_117 = arith.constant 168 : i32
    %dma_wait3A_118 = tpu.memref_slice %arg6[%dma_wait3A_117] : memref<280xi32, #tpu.memory_space<vmem>> -> memref<56xi32, #tpu.memory_space<vmem>>
    %dma_wait3A_119 = arith.constant 0 : i32
    %dma_wait3A_120 = arith.constant 0 : i32
    %dma_wait3A_121 = tpu.memref_slice %arg2[%dma_wait3A_119, %dma_wait3A_120] : memref<50000x256xf32, #tpu.memory_space<hbm>> -> memref<50000x256xf32, #tpu.memory_space<hbm>>
    tpu.wait_indirect_dma semaphore(%arg11 : memref<!tpu.dma_semaphore, #tpu.memory_space<semaphore_mem>>) src(%dma_wait3A_121 : memref<50000x256xf32, #tpu.memory_space<hbm>>) dst(%arg8 : memref<56x256xf32, #tpu.memory_space<vmem>>)
    %dma_wait3A_122 = arith.constant 168 : i32
    %dma_wait3A_123 = tpu.memref_slice %arg6[%dma_wait3A_122] : memref<280xi32, #tpu.memory_space<vmem>> -> memref<56xi32, #tpu.memory_space<vmem>>
    %dma_wait3A_124 = arith.constant 0 : i32
    %dma_wait3A_125 = arith.constant 0 : i32
    %dma_wait3A_126 = tpu.memref_slice %arg3[%dma_wait3A_124, %dma_wait3A_125] : memref<50000x256xf32, #tpu.memory_space<hbm>> -> memref<50000x256xf32, #tpu.memory_space<hbm>>
    tpu.wait_indirect_dma semaphore(%arg11 : memref<!tpu.dma_semaphore, #tpu.memory_space<semaphore_mem>>) src(%dma_wait3A_126 : memref<50000x256xf32, #tpu.memory_space<hbm>>) dst(%arg10 : memref<56x256xf32, #tpu.memory_space<vmem>>)
    %add3A_127 = arith.constant 168 : i32
    %add3A_128 = arith.addi %mul3A_2, %add3A_127 : i32
    %dma_start3A_129 = arith.constant 0 : i32
    %dma_start3A_130 = tpu.memref_slice %arg5[%add3A_128, %dma_start3A_129] : memref<8960x512xf32, #tpu.memory_space<hbm>> -> memref<56x256xf32, #tpu.memory_space<hbm>>
    %dma_start3A_131 = arith.constant 0 : i32
    %dma_start3A_132 = tpu.memref_slice %arg5[%add3A_128, %dma_start3A_131] : memref<8960x512xf32, #tpu.memory_space<hbm>> -> memref<56x256xf32, #tpu.memory_space<hbm>>
    tpu.enqueue_dma source(%arg8 : memref<56x256xf32, #tpu.memory_space<vmem>>) target(%dma_start3A_132 : memref<56x256xf32, #tpu.memory_space<hbm>>) target_semaphore(%arg13 : memref<!tpu.dma_semaphore, #tpu.memory_space<semaphore_mem>>)
    %dma_start3A_133 = arith.constant 256 : i32
    %dma_start3A_134 = tpu.memref_slice %arg5[%add3A_128, %dma_start3A_133] : memref<8960x512xf32, #tpu.memory_space<hbm>> -> memref<56x256xf32, #tpu.memory_space<hbm>>
    %dma_start3A_135 = arith.constant 256 : i32
    %dma_start3A_136 = tpu.memref_slice %arg5[%add3A_128, %dma_start3A_135] : memref<8960x512xf32, #tpu.memory_space<hbm>> -> memref<56x256xf32, #tpu.memory_space<hbm>>
    tpu.enqueue_dma source(%arg10 : memref<56x256xf32, #tpu.memory_space<vmem>>) target(%dma_start3A_136 : memref<56x256xf32, #tpu.memory_space<hbm>>) target_semaphore(%arg13 : memref<!tpu.dma_semaphore, #tpu.memory_space<semaphore_mem>>)
    %dma_wait3A_137 = arith.constant 0 : i32
    %dma_wait3A_138 = tpu.memref_slice %arg5[%add3A_90, %dma_wait3A_137] : memref<8960x512xf32, #tpu.memory_space<hbm>> -> memref<56x256xf32, #tpu.memory_space<hbm>>
    %dma_wait3A_139 = arith.constant 0 : i32
    %dma_wait3A_140 = tpu.memref_slice %arg5[%add3A_90, %dma_wait3A_139] : memref<8960x512xf32, #tpu.memory_space<hbm>> -> memref<56x256xf32, #tpu.memory_space<hbm>>
    tpu.wait_dma2 semaphore(%arg12 : memref<!tpu.dma_semaphore, #tpu.memory_space<semaphore_mem>>) src(%arg7 : memref<56x256xf32, #tpu.memory_space<vmem>>) dst(%dma_wait3A_140 : memref<56x256xf32, #tpu.memory_space<hbm>>)
    %dma_wait3A_141 = arith.constant 256 : i32
    %dma_wait3A_142 = tpu.memref_slice %arg5[%add3A_90, %dma_wait3A_141] : memref<8960x512xf32, #tpu.memory_space<hbm>> -> memref<56x256xf32, #tpu.memory_space<hbm>>
    %dma_wait3A_143 = arith.constant 256 : i32
    %dma_wait3A_144 = tpu.memref_slice %arg5[%add3A_90, %dma_wait3A_143] : memref<8960x512xf32, #tpu.memory_space<hbm>> -> memref<56x256xf32, #tpu.memory_space<hbm>>
    tpu.wait_dma2 semaphore(%arg12 : memref<!tpu.dma_semaphore, #tpu.memory_space<semaphore_mem>>) src(%arg9 : memref<56x256xf32, #tpu.memory_space<vmem>>) dst(%dma_wait3A_144 : memref<56x256xf32, #tpu.memory_space<hbm>>)
    %dma_start3A_145 = arith.constant 224 : i32
    %dma_start3A_146 = tpu.memref_slice %arg6[%dma_start3A_145] : memref<280xi32, #tpu.memory_space<vmem>> -> memref<56xi32, #tpu.memory_space<vmem>>
    %dma_start3A_147 = arith.constant 0 : i32
    %dma_start3A_148 = arith.constant 0 : i32
    %dma_start3A_149 = tpu.memref_slice %arg2[%dma_start3A_147, %dma_start3A_148] : memref<50000x256xf32, #tpu.memory_space<hbm>> -> memref<50000x256xf32, #tpu.memory_space<hbm>>
    tpu.enqueue_indirect_dma source(%dma_start3A_149 : memref<50000x256xf32, #tpu.memory_space<hbm>>) target(%arg7 : memref<56x256xf32, #tpu.memory_space<vmem>>) offsets(%dma_start3A_146 : memref<56xi32, #tpu.memory_space<vmem>>) semaphore(%arg11 : memref<!tpu.dma_semaphore, #tpu.memory_space<semaphore_mem>>)
    %dma_start3A_150 = arith.constant 224 : i32
    %dma_start3A_151 = tpu.memref_slice %arg6[%dma_start3A_150] : memref<280xi32, #tpu.memory_space<vmem>> -> memref<56xi32, #tpu.memory_space<vmem>>
    %dma_start3A_152 = arith.constant 0 : i32
    %dma_start3A_153 = arith.constant 0 : i32
    %dma_start3A_154 = tpu.memref_slice %arg3[%dma_start3A_152, %dma_start3A_153] : memref<50000x256xf32, #tpu.memory_space<hbm>> -> memref<50000x256xf32, #tpu.memory_space<hbm>>
    tpu.enqueue_indirect_dma source(%dma_start3A_154 : memref<50000x256xf32, #tpu.memory_space<hbm>>) target(%arg9 : memref<56x256xf32, #tpu.memory_space<vmem>>) offsets(%dma_start3A_151 : memref<56xi32, #tpu.memory_space<vmem>>) semaphore(%arg11 : memref<!tpu.dma_semaphore, #tpu.memory_space<semaphore_mem>>)
    %dma_wait3A_155 = arith.constant 224 : i32
    %dma_wait3A_156 = tpu.memref_slice %arg6[%dma_wait3A_155] : memref<280xi32, #tpu.memory_space<vmem>> -> memref<56xi32, #tpu.memory_space<vmem>>
    %dma_wait3A_157 = arith.constant 0 : i32
    %dma_wait3A_158 = arith.constant 0 : i32
    %dma_wait3A_159 = tpu.memref_slice %arg2[%dma_wait3A_157, %dma_wait3A_158] : memref<50000x256xf32, #tpu.memory_space<hbm>> -> memref<50000x256xf32, #tpu.memory_space<hbm>>
    tpu.wait_indirect_dma semaphore(%arg11 : memref<!tpu.dma_semaphore, #tpu.memory_space<semaphore_mem>>) src(%dma_wait3A_159 : memref<50000x256xf32, #tpu.memory_space<hbm>>) dst(%arg7 : memref<56x256xf32, #tpu.memory_space<vmem>>)
    %dma_wait3A_160 = arith.constant 224 : i32
    %dma_wait3A_161 = tpu.memref_slice %arg6[%dma_wait3A_160] : memref<280xi32, #tpu.memory_space<vmem>> -> memref<56xi32, #tpu.memory_space<vmem>>
    %dma_wait3A_162 = arith.constant 0 : i32
    %dma_wait3A_163 = arith.constant 0 : i32
    %dma_wait3A_164 = tpu.memref_slice %arg3[%dma_wait3A_162, %dma_wait3A_163] : memref<50000x256xf32, #tpu.memory_space<hbm>> -> memref<50000x256xf32, #tpu.memory_space<hbm>>
    tpu.wait_indirect_dma semaphore(%arg11 : memref<!tpu.dma_semaphore, #tpu.memory_space<semaphore_mem>>) src(%dma_wait3A_164 : memref<50000x256xf32, #tpu.memory_space<hbm>>) dst(%arg9 : memref<56x256xf32, #tpu.memory_space<vmem>>)
    %add3A_165 = arith.constant 224 : i32
    %add3A_166 = arith.addi %mul3A_2, %add3A_165 : i32
    %dma_start3A_167 = arith.constant 0 : i32
    %dma_start3A_168 = tpu.memref_slice %arg5[%add3A_166, %dma_start3A_167] : memref<8960x512xf32, #tpu.memory_space<hbm>> -> memref<56x256xf32, #tpu.memory_space<hbm>>
    %dma_start3A_169 = arith.constant 0 : i32
    %dma_start3A_170 = tpu.memref_slice %arg5[%add3A_166, %dma_start3A_169] : memref<8960x512xf32, #tpu.memory_space<hbm>> -> memref<56x256xf32, #tpu.memory_space<hbm>>
    tpu.enqueue_dma source(%arg7 : memref<56x256xf32, #tpu.memory_space<vmem>>) target(%dma_start3A_170 : memref<56x256xf32, #tpu.memory_space<hbm>>) target_semaphore(%arg12 : memref<!tpu.dma_semaphore, #tpu.memory_space<semaphore_mem>>)
    %dma_start3A_171 = arith.constant 256 : i32
    %dma_start3A_172 = tpu.memref_slice %arg5[%add3A_166, %dma_start3A_171] : memref<8960x512xf32, #tpu.memory_space<hbm>> -> memref<56x256xf32, #tpu.memory_space<hbm>>
    %dma_start3A_173 = arith.constant 256 : i32
    %dma_start3A_174 = tpu.memref_slice %arg5[%add3A_166, %dma_start3A_173] : memref<8960x512xf32, #tpu.memory_space<hbm>> -> memref<56x256xf32, #tpu.memory_space<hbm>>
    tpu.enqueue_dma source(%arg9 : memref<56x256xf32, #tpu.memory_space<vmem>>) target(%dma_start3A_174 : memref<56x256xf32, #tpu.memory_space<hbm>>) target_semaphore(%arg12 : memref<!tpu.dma_semaphore, #tpu.memory_space<semaphore_mem>>)
    %dma_wait3A_175 = arith.constant 0 : i32
    %dma_wait3A_176 = tpu.memref_slice %arg5[%add3A_128, %dma_wait3A_175] : memref<8960x512xf32, #tpu.memory_space<hbm>> -> memref<56x256xf32, #tpu.memory_space<hbm>>
    %dma_wait3A_177 = arith.constant 0 : i32
    %dma_wait3A_178 = tpu.memref_slice %arg5[%add3A_128, %dma_wait3A_177] : memref<8960x512xf32, #tpu.memory_space<hbm>> -> memref<56x256xf32, #tpu.memory_space<hbm>>
    tpu.wait_dma2 semaphore(%arg13 : memref<!tpu.dma_semaphore, #tpu.memory_space<semaphore_mem>>) src(%arg8 : memref<56x256xf32, #tpu.memory_space<vmem>>) dst(%dma_wait3A_178 : memref<56x256xf32, #tpu.memory_space<hbm>>)
    %dma_wait3A_179 = arith.constant 256 : i32
    %dma_wait3A_180 = tpu.memref_slice %arg5[%add3A_128, %dma_wait3A_179] : memref<8960x512xf32, #tpu.memory_space<hbm>> -> memref<56x256xf32, #tpu.memory_space<hbm>>
    %dma_wait3A_181 = arith.constant 256 : i32
    %dma_wait3A_182 = tpu.memref_slice %arg5[%add3A_128, %dma_wait3A_181] : memref<8960x512xf32, #tpu.memory_space<hbm>> -> memref<56x256xf32, #tpu.memory_space<hbm>>
    tpu.wait_dma2 semaphore(%arg13 : memref<!tpu.dma_semaphore, #tpu.memory_space<semaphore_mem>>) src(%arg10 : memref<56x256xf32, #tpu.memory_space<vmem>>) dst(%dma_wait3A_182 : memref<56x256xf32, #tpu.memory_space<hbm>>)
    %dma_wait3A_183 = arith.constant 0 : i32
    %dma_wait3A_184 = tpu.memref_slice %arg5[%add3A_166, %dma_wait3A_183] : memref<8960x512xf32, #tpu.memory_space<hbm>> -> memref<56x256xf32, #tpu.memory_space<hbm>>
    %dma_wait3A_185 = arith.constant 0 : i32
    %dma_wait3A_186 = tpu.memref_slice %arg5[%add3A_166, %dma_wait3A_185] : memref<8960x512xf32, #tpu.memory_space<hbm>> -> memref<56x256xf32, #tpu.memory_space<hbm>>
    tpu.wait_dma2 semaphore(%arg12 : memref<!tpu.dma_semaphore, #tpu.memory_space<semaphore_mem>>) src(%arg7 : memref<56x256xf32, #tpu.memory_space<vmem>>) dst(%dma_wait3A_186 : memref<56x256xf32, #tpu.memory_space<hbm>>)
    %dma_wait3A_187 = arith.constant 256 : i32
    %dma_wait3A_188 = tpu.memref_slice %arg5[%add3A_166, %dma_wait3A_187] : memref<8960x512xf32, #tpu.memory_space<hbm>> -> memref<56x256xf32, #tpu.memory_space<hbm>>
    %dma_wait3A_189 = arith.constant 256 : i32
    %dma_wait3A_190 = tpu.memref_slice %arg5[%add3A_166, %dma_wait3A_189] : memref<8960x512xf32, #tpu.memory_space<hbm>> -> memref<56x256xf32, #tpu.memory_space<hbm>>
    tpu.wait_dma2 semaphore(%arg12 : memref<!tpu.dma_semaphore, #tpu.memory_space<semaphore_mem>>) src(%arg9 : memref<56x256xf32, #tpu.memory_space<vmem>>) dst(%dma_wait3A_190 : memref<56x256xf32, #tpu.memory_space<hbm>>)
    return
  }
}

#map = affine_map<(d0, d1) -> (0, 0)>
#map1 = affine_map<(d0, d1) -> (0)>
module attributes {stable_mosaic.version = 14 : i64} {
  func.func @_sc_gather(%arg0: i32, %arg1: i32, %arg2: memref<50000x256xf32, #tpu.memory_space<hbm>>, %arg3: memref<50000x256xf32, #tpu.memory_space<hbm>>, %arg4: memref<8960xi32, #tpu.memory_space<hbm>>, %arg5: memref<8960x512xf32, #tpu.memory_space<hbm>>, %arg6: memref<280xi32, #tpu.memory_space<vmem>>, %arg7: memref<56x256xf32, #tpu.memory_space<vmem>>, %arg8: memref<56x256xf32, #tpu.memory_space<vmem>>, %arg9: memref<56x256xf32, #tpu.memory_space<vmem>>, %arg10: memref<56x256xf32, #tpu.memory_space<vmem>>, %arg11: memref<!tpu.dma_semaphore, #tpu.memory_space<semaphore_mem>>, %arg12: memref<!tpu.dma_semaphore, #tpu.memory_space<semaphore_mem>>, %arg13: memref<!tpu.dma_semaphore, #tpu.memory_space<semaphore_mem>>) attributes {dimension_semantics = [#tpu.dimension_semantics<core_parallel>, #tpu.dimension_semantics<subcore_parallel>], iteration_bounds = array<i64: 2, 16>, scalar_prefetch = 0 : i64, scratch_operands = 8 : i64, tpu.core_type = #tpu.core_type<sc_vector_subcore>, window_params = [{transform_indices = #map}, {transform_indices = #map}, {transform_indices = #map1}, {transform_indices = #map}]} {
    %mul3A = arith.constant 2 : i32
    %mul3A_0 = arith.muli %arg1, %mul3A : i32
    %add3A = arith.addi %mul3A_0, %arg0 : i32
    %mul3A_1 = arith.constant 280 : i32
    %mul3A_2 = arith.muli %add3A, %mul3A_1 : i32
    "tpu.region"() ({
      %run_scoped3A = tpu.sem_alloc : memref<!tpu.dma_semaphore, #tpu.memory_space<semaphore_mem>>
      %dma_start3A_191 = tpu.memref_slice %arg4[%mul3A_2] : memref<8960xi32, #tpu.memory_space<hbm>> -> memref<280xi32, #tpu.memory_space<hbm>>
      %dma_start3A_192 = tpu.memref_slice %arg4[%mul3A_2] : memref<8960xi32, #tpu.memory_space<hbm>> -> memref<280xi32, #tpu.memory_space<hbm>>
      tpu.enqueue_dma source(%dma_start3A_192 : memref<280xi32, #tpu.memory_space<hbm>>) target(%arg6 : memref<280xi32, #tpu.memory_space<vmem>>) target_semaphore(%run_scoped3A : memref<!tpu.dma_semaphore, #tpu.memory_space<semaphore_mem>>)
      %dma_wait3A_193 = tpu.memref_slice %arg4[%mul3A_2] : memref<8960xi32, #tpu.memory_space<hbm>> -> memref<280xi32, #tpu.memory_space<hbm>>
      %dma_wait3A_194 = tpu.memref_slice %arg4[%mul3A_2] : memref<8960xi32, #tpu.memory_space<hbm>> -> memref<280xi32, #tpu.memory_space<hbm>>
      tpu.wait_dma2 semaphore(%run_scoped3A : memref<!tpu.dma_semaphore, #tpu.memory_space<semaphore_mem>>) src(%dma_wait3A_194 : memref<280xi32, #tpu.memory_space<hbm>>) dst(%arg6 : memref<280xi32, #tpu.memory_space<vmem>>)
      tpu.yield
    }) : () -> ()
    %dma_start3A = arith.constant 0 : i32
    %dma_start3A_3 = tpu.memref_slice %arg6[%dma_start3A] : memref<280xi32, #tpu.memory_space<vmem>> -> memref<56xi32, #tpu.memory_space<vmem>>
    %dma_start3A_4 = arith.constant 0 : i32
    %dma_start3A_5 = arith.constant 0 : i32
    %dma_start3A_6 = tpu.memref_slice %arg2[%dma_start3A_4, %dma_start3A_5] : memref<50000x256xf32, #tpu.memory_space<hbm>> -> memref<50000x256xf32, #tpu.memory_space<hbm>>
    tpu.enqueue_indirect_dma source(%dma_start3A_6 : memref<50000x256xf32, #tpu.memory_space<hbm>>) target(%arg7 : memref<56x256xf32, #tpu.memory_space<vmem>>) offsets(%dma_start3A_3 : memref<56xi32, #tpu.memory_space<vmem>>) semaphore(%arg11 : memref<!tpu.dma_semaphore, #tpu.memory_space<semaphore_mem>>)
    %dma_start3A_7 = arith.constant 0 : i32
    %dma_start3A_8 = tpu.memref_slice %arg6[%dma_start3A_7] : memref<280xi32, #tpu.memory_space<vmem>> -> memref<56xi32, #tpu.memory_space<vmem>>
    %dma_start3A_9 = arith.constant 0 : i32
    %dma_start3A_10 = arith.constant 0 : i32
    %dma_start3A_11 = tpu.memref_slice %arg3[%dma_start3A_9, %dma_start3A_10] : memref<50000x256xf32, #tpu.memory_space<hbm>> -> memref<50000x256xf32, #tpu.memory_space<hbm>>
    tpu.enqueue_indirect_dma source(%dma_start3A_11 : memref<50000x256xf32, #tpu.memory_space<hbm>>) target(%arg9 : memref<56x256xf32, #tpu.memory_space<vmem>>) offsets(%dma_start3A_8 : memref<56xi32, #tpu.memory_space<vmem>>) semaphore(%arg11 : memref<!tpu.dma_semaphore, #tpu.memory_space<semaphore_mem>>)
    %dma_wait3A = arith.constant 0 : i32
    %dma_wait3A_12 = tpu.memref_slice %arg6[%dma_wait3A] : memref<280xi32, #tpu.memory_space<vmem>> -> memref<56xi32, #tpu.memory_space<vmem>>
    %dma_wait3A_13 = arith.constant 0 : i32
    %dma_wait3A_14 = arith.constant 0 : i32
    %dma_wait3A_15 = tpu.memref_slice %arg2[%dma_wait3A_13, %dma_wait3A_14] : memref<50000x256xf32, #tpu.memory_space<hbm>> -> memref<50000x256xf32, #tpu.memory_space<hbm>>
    tpu.wait_indirect_dma semaphore(%arg11 : memref<!tpu.dma_semaphore, #tpu.memory_space<semaphore_mem>>) src(%dma_wait3A_15 : memref<50000x256xf32, #tpu.memory_space<hbm>>) dst(%arg7 : memref<56x256xf32, #tpu.memory_space<vmem>>)
    %dma_wait3A_16 = arith.constant 0 : i32
    %dma_wait3A_17 = tpu.memref_slice %arg6[%dma_wait3A_16] : memref<280xi32, #tpu.memory_space<vmem>> -> memref<56xi32, #tpu.memory_space<vmem>>
    %dma_wait3A_18 = arith.constant 0 : i32
    %dma_wait3A_19 = arith.constant 0 : i32
    %dma_wait3A_20 = tpu.memref_slice %arg3[%dma_wait3A_18, %dma_wait3A_19] : memref<50000x256xf32, #tpu.memory_space<hbm>> -> memref<50000x256xf32, #tpu.memory_space<hbm>>
    tpu.wait_indirect_dma semaphore(%arg11 : memref<!tpu.dma_semaphore, #tpu.memory_space<semaphore_mem>>) src(%dma_wait3A_20 : memref<50000x256xf32, #tpu.memory_space<hbm>>) dst(%arg9 : memref<56x256xf32, #tpu.memory_space<vmem>>)
    %add3A_21 = arith.constant 0 : i32
    %add3A_22 = arith.addi %mul3A_2, %add3A_21 : i32
    %dma_start3A_23 = arith.constant 0 : i32
    %dma_start3A_24 = tpu.memref_slice %arg5[%add3A_22, %dma_start3A_23] : memref<8960x512xf32, #tpu.memory_space<hbm>> -> memref<56x256xf32, #tpu.memory_space<hbm>>
    %dma_start3A_25 = arith.constant 0 : i32
    %dma_start3A_26 = tpu.memref_slice %arg5[%add3A_22, %dma_start3A_25] : memref<8960x512xf32, #tpu.memory_space<hbm>> -> memref<56x256xf32, #tpu.memory_space<hbm>>
    tpu.enqueue_dma source(%arg7 : memref<56x256xf32, #tpu.memory_space<vmem>>) target(%dma_start3A_26 : memref<56x256xf32, #tpu.memory_space<hbm>>) target_semaphore(%arg12 : memref<!tpu.dma_semaphore, #tpu.memory_space<semaphore_mem>>)
    %dma_start3A_27 = arith.constant 256 : i32
    %dma_start3A_28 = tpu.memref_slice %arg5[%add3A_22, %dma_start3A_27] : memref<8960x512xf32, #tpu.memory_space<hbm>> -> memref<56x256xf32, #tpu.memory_space<hbm>>
    %dma_start3A_29 = arith.constant 256 : i32
    %dma_start3A_30 = tpu.memref_slice %arg5[%add3A_22, %dma_start3A_29] : memref<8960x512xf32, #tpu.memory_space<hbm>> -> memref<56x256xf32, #tpu.memory_space<hbm>>
    tpu.enqueue_dma source(%arg9 : memref<56x256xf32, #tpu.memory_space<vmem>>) target(%dma_start3A_30 : memref<56x256xf32, #tpu.memory_space<hbm>>) target_semaphore(%arg12 : memref<!tpu.dma_semaphore, #tpu.memory_space<semaphore_mem>>)
    %dma_start3A_31 = arith.constant 56 : i32
    %dma_start3A_32 = tpu.memref_slice %arg6[%dma_start3A_31] : memref<280xi32, #tpu.memory_space<vmem>> -> memref<56xi32, #tpu.memory_space<vmem>>
    %dma_start3A_33 = arith.constant 0 : i32
    %dma_start3A_34 = arith.constant 0 : i32
    %dma_start3A_35 = tpu.memref_slice %arg2[%dma_start3A_33, %dma_start3A_34] : memref<50000x256xf32, #tpu.memory_space<hbm>> -> memref<50000x256xf32, #tpu.memory_space<hbm>>
    tpu.enqueue_indirect_dma source(%dma_start3A_35 : memref<50000x256xf32, #tpu.memory_space<hbm>>) target(%arg8 : memref<56x256xf32, #tpu.memory_space<vmem>>) offsets(%dma_start3A_32 : memref<56xi32, #tpu.memory_space<vmem>>) semaphore(%arg11 : memref<!tpu.dma_semaphore, #tpu.memory_space<semaphore_mem>>)
    %dma_start3A_36 = arith.constant 56 : i32
    %dma_start3A_37 = tpu.memref_slice %arg6[%dma_start3A_36] : memref<280xi32, #tpu.memory_space<vmem>> -> memref<56xi32, #tpu.memory_space<vmem>>
    %dma_start3A_38 = arith.constant 0 : i32
    %dma_start3A_39 = arith.constant 0 : i32
    %dma_start3A_40 = tpu.memref_slice %arg3[%dma_start3A_38, %dma_start3A_39] : memref<50000x256xf32, #tpu.memory_space<hbm>> -> memref<50000x256xf32, #tpu.memory_space<hbm>>
    tpu.enqueue_indirect_dma source(%dma_start3A_40 : memref<50000x256xf32, #tpu.memory_space<hbm>>) target(%arg10 : memref<56x256xf32, #tpu.memory_space<vmem>>) offsets(%dma_start3A_37 : memref<56xi32, #tpu.memory_space<vmem>>) semaphore(%arg11 : memref<!tpu.dma_semaphore, #tpu.memory_space<semaphore_mem>>)
    %dma_wait3A_41 = arith.constant 56 : i32
    %dma_wait3A_42 = tpu.memref_slice %arg6[%dma_wait3A_41] : memref<280xi32, #tpu.memory_space<vmem>> -> memref<56xi32, #tpu.memory_space<vmem>>
    %dma_wait3A_43 = arith.constant 0 : i32
    %dma_wait3A_44 = arith.constant 0 : i32
    %dma_wait3A_45 = tpu.memref_slice %arg2[%dma_wait3A_43, %dma_wait3A_44] : memref<50000x256xf32, #tpu.memory_space<hbm>> -> memref<50000x256xf32, #tpu.memory_space<hbm>>
    tpu.wait_indirect_dma semaphore(%arg11 : memref<!tpu.dma_semaphore, #tpu.memory_space<semaphore_mem>>) src(%dma_wait3A_45 : memref<50000x256xf32, #tpu.memory_space<hbm>>) dst(%arg8 : memref<56x256xf32, #tpu.memory_space<vmem>>)
    %dma_wait3A_46 = arith.constant 56 : i32
    %dma_wait3A_47 = tpu.memref_slice %arg6[%dma_wait3A_46] : memref<280xi32, #tpu.memory_space<vmem>> -> memref<56xi32, #tpu.memory_space<vmem>>
    %dma_wait3A_48 = arith.constant 0 : i32
    %dma_wait3A_49 = arith.constant 0 : i32
    %dma_wait3A_50 = tpu.memref_slice %arg3[%dma_wait3A_48, %dma_wait3A_49] : memref<50000x256xf32, #tpu.memory_space<hbm>> -> memref<50000x256xf32, #tpu.memory_space<hbm>>
    tpu.wait_indirect_dma semaphore(%arg11 : memref<!tpu.dma_semaphore, #tpu.memory_space<semaphore_mem>>) src(%dma_wait3A_50 : memref<50000x256xf32, #tpu.memory_space<hbm>>) dst(%arg10 : memref<56x256xf32, #tpu.memory_space<vmem>>)
    %add3A_51 = arith.constant 56 : i32
    %add3A_52 = arith.addi %mul3A_2, %add3A_51 : i32
    %dma_start3A_53 = arith.constant 0 : i32
    %dma_start3A_54 = tpu.memref_slice %arg5[%add3A_52, %dma_start3A_53] : memref<8960x512xf32, #tpu.memory_space<hbm>> -> memref<56x256xf32, #tpu.memory_space<hbm>>
    %dma_start3A_55 = arith.constant 0 : i32
    %dma_start3A_56 = tpu.memref_slice %arg5[%add3A_52, %dma_start3A_55] : memref<8960x512xf32, #tpu.memory_space<hbm>> -> memref<56x256xf32, #tpu.memory_space<hbm>>
    tpu.enqueue_dma source(%arg8 : memref<56x256xf32, #tpu.memory_space<vmem>>) target(%dma_start3A_56 : memref<56x256xf32, #tpu.memory_space<hbm>>) target_semaphore(%arg13 : memref<!tpu.dma_semaphore, #tpu.memory_space<semaphore_mem>>)
    %dma_start3A_57 = arith.constant 256 : i32
    %dma_start3A_58 = tpu.memref_slice %arg5[%add3A_52, %dma_start3A_57] : memref<8960x512xf32, #tpu.memory_space<hbm>> -> memref<56x256xf32, #tpu.memory_space<hbm>>
    %dma_start3A_59 = arith.constant 256 : i32
    %dma_start3A_60 = tpu.memref_slice %arg5[%add3A_52, %dma_start3A_59] : memref<8960x512xf32, #tpu.memory_space<hbm>> -> memref<56x256xf32, #tpu.memory_space<hbm>>
    tpu.enqueue_dma source(%arg10 : memref<56x256xf32, #tpu.memory_space<vmem>>) target(%dma_start3A_60 : memref<56x256xf32, #tpu.memory_space<hbm>>) target_semaphore(%arg13 : memref<!tpu.dma_semaphore, #tpu.memory_space<semaphore_mem>>)
    %dma_wait3A_61 = arith.constant 0 : i32
    %dma_wait3A_62 = tpu.memref_slice %arg5[%add3A_22, %dma_wait3A_61] : memref<8960x512xf32, #tpu.memory_space<hbm>> -> memref<56x256xf32, #tpu.memory_space<hbm>>
    %dma_wait3A_63 = arith.constant 0 : i32
    %dma_wait3A_64 = tpu.memref_slice %arg5[%add3A_22, %dma_wait3A_63] : memref<8960x512xf32, #tpu.memory_space<hbm>> -> memref<56x256xf32, #tpu.memory_space<hbm>>
    tpu.wait_dma2 semaphore(%arg12 : memref<!tpu.dma_semaphore, #tpu.memory_space<semaphore_mem>>) src(%arg7 : memref<56x256xf32, #tpu.memory_space<vmem>>) dst(%dma_wait3A_64 : memref<56x256xf32, #tpu.memory_space<hbm>>)
    %dma_wait3A_65 = arith.constant 256 : i32
    %dma_wait3A_66 = tpu.memref_slice %arg5[%add3A_22, %dma_wait3A_65] : memref<8960x512xf32, #tpu.memory_space<hbm>> -> memref<56x256xf32, #tpu.memory_space<hbm>>
    %dma_wait3A_67 = arith.constant 256 : i32
    %dma_wait3A_68 = tpu.memref_slice %arg5[%add3A_22, %dma_wait3A_67] : memref<8960x512xf32, #tpu.memory_space<hbm>> -> memref<56x256xf32, #tpu.memory_space<hbm>>
    tpu.wait_dma2 semaphore(%arg12 : memref<!tpu.dma_semaphore, #tpu.memory_space<semaphore_mem>>) src(%arg9 : memref<56x256xf32, #tpu.memory_space<vmem>>) dst(%dma_wait3A_68 : memref<56x256xf32, #tpu.memory_space<hbm>>)
    %dma_start3A_69 = arith.constant 112 : i32
    %dma_start3A_70 = tpu.memref_slice %arg6[%dma_start3A_69] : memref<280xi32, #tpu.memory_space<vmem>> -> memref<56xi32, #tpu.memory_space<vmem>>
    %dma_start3A_71 = arith.constant 0 : i32
    %dma_start3A_72 = arith.constant 0 : i32
    %dma_start3A_73 = tpu.memref_slice %arg2[%dma_start3A_71, %dma_start3A_72] : memref<50000x256xf32, #tpu.memory_space<hbm>> -> memref<50000x256xf32, #tpu.memory_space<hbm>>
    tpu.enqueue_indirect_dma source(%dma_start3A_73 : memref<50000x256xf32, #tpu.memory_space<hbm>>) target(%arg7 : memref<56x256xf32, #tpu.memory_space<vmem>>) offsets(%dma_start3A_70 : memref<56xi32, #tpu.memory_space<vmem>>) semaphore(%arg11 : memref<!tpu.dma_semaphore, #tpu.memory_space<semaphore_mem>>)
    %dma_start3A_74 = arith.constant 112 : i32
    %dma_start3A_75 = tpu.memref_slice %arg6[%dma_start3A_74] : memref<280xi32, #tpu.memory_space<vmem>> -> memref<56xi32, #tpu.memory_space<vmem>>
    %dma_start3A_76 = arith.constant 0 : i32
    %dma_start3A_77 = arith.constant 0 : i32
    %dma_start3A_78 = tpu.memref_slice %arg3[%dma_start3A_76, %dma_start3A_77] : memref<50000x256xf32, #tpu.memory_space<hbm>> -> memref<50000x256xf32, #tpu.memory_space<hbm>>
    tpu.enqueue_indirect_dma source(%dma_start3A_78 : memref<50000x256xf32, #tpu.memory_space<hbm>>) target(%arg9 : memref<56x256xf32, #tpu.memory_space<vmem>>) offsets(%dma_start3A_75 : memref<56xi32, #tpu.memory_space<vmem>>) semaphore(%arg11 : memref<!tpu.dma_semaphore, #tpu.memory_space<semaphore_mem>>)
    %dma_wait3A_79 = arith.constant 112 : i32
    %dma_wait3A_80 = tpu.memref_slice %arg6[%dma_wait3A_79] : memref<280xi32, #tpu.memory_space<vmem>> -> memref<56xi32, #tpu.memory_space<vmem>>
    %dma_wait3A_81 = arith.constant 0 : i32
    %dma_wait3A_82 = arith.constant 0 : i32
    %dma_wait3A_83 = tpu.memref_slice %arg2[%dma_wait3A_81, %dma_wait3A_82] : memref<50000x256xf32, #tpu.memory_space<hbm>> -> memref<50000x256xf32, #tpu.memory_space<hbm>>
    tpu.wait_indirect_dma semaphore(%arg11 : memref<!tpu.dma_semaphore, #tpu.memory_space<semaphore_mem>>) src(%dma_wait3A_83 : memref<50000x256xf32, #tpu.memory_space<hbm>>) dst(%arg7 : memref<56x256xf32, #tpu.memory_space<vmem>>)
    %dma_wait3A_84 = arith.constant 112 : i32
    %dma_wait3A_85 = tpu.memref_slice %arg6[%dma_wait3A_84] : memref<280xi32, #tpu.memory_space<vmem>> -> memref<56xi32, #tpu.memory_space<vmem>>
    %dma_wait3A_86 = arith.constant 0 : i32
    %dma_wait3A_87 = arith.constant 0 : i32
    %dma_wait3A_88 = tpu.memref_slice %arg3[%dma_wait3A_86, %dma_wait3A_87] : memref<50000x256xf32, #tpu.memory_space<hbm>> -> memref<50000x256xf32, #tpu.memory_space<hbm>>
    tpu.wait_indirect_dma semaphore(%arg11 : memref<!tpu.dma_semaphore, #tpu.memory_space<semaphore_mem>>) src(%dma_wait3A_88 : memref<50000x256xf32, #tpu.memory_space<hbm>>) dst(%arg9 : memref<56x256xf32, #tpu.memory_space<vmem>>)
    %add3A_89 = arith.constant 112 : i32
    %add3A_90 = arith.addi %mul3A_2, %add3A_89 : i32
    %dma_start3A_91 = arith.constant 0 : i32
    %dma_start3A_92 = tpu.memref_slice %arg5[%add3A_90, %dma_start3A_91] : memref<8960x512xf32, #tpu.memory_space<hbm>> -> memref<56x256xf32, #tpu.memory_space<hbm>>
    %dma_start3A_93 = arith.constant 0 : i32
    %dma_start3A_94 = tpu.memref_slice %arg5[%add3A_90, %dma_start3A_93] : memref<8960x512xf32, #tpu.memory_space<hbm>> -> memref<56x256xf32, #tpu.memory_space<hbm>>
    tpu.enqueue_dma source(%arg7 : memref<56x256xf32, #tpu.memory_space<vmem>>) target(%dma_start3A_94 : memref<56x256xf32, #tpu.memory_space<hbm>>) target_semaphore(%arg12 : memref<!tpu.dma_semaphore, #tpu.memory_space<semaphore_mem>>)
    %dma_start3A_95 = arith.constant 256 : i32
    %dma_start3A_96 = tpu.memref_slice %arg5[%add3A_90, %dma_start3A_95] : memref<8960x512xf32, #tpu.memory_space<hbm>> -> memref<56x256xf32, #tpu.memory_space<hbm>>
    %dma_start3A_97 = arith.constant 256 : i32
    %dma_start3A_98 = tpu.memref_slice %arg5[%add3A_90, %dma_start3A_97] : memref<8960x512xf32, #tpu.memory_space<hbm>> -> memref<56x256xf32, #tpu.memory_space<hbm>>
    tpu.enqueue_dma source(%arg9 : memref<56x256xf32, #tpu.memory_space<vmem>>) target(%dma_start3A_98 : memref<56x256xf32, #tpu.memory_space<hbm>>) target_semaphore(%arg12 : memref<!tpu.dma_semaphore, #tpu.memory_space<semaphore_mem>>)
    %dma_wait3A_99 = arith.constant 0 : i32
    %dma_wait3A_100 = tpu.memref_slice %arg5[%add3A_52, %dma_wait3A_99] : memref<8960x512xf32, #tpu.memory_space<hbm>> -> memref<56x256xf32, #tpu.memory_space<hbm>>
    %dma_wait3A_101 = arith.constant 0 : i32
    %dma_wait3A_102 = tpu.memref_slice %arg5[%add3A_52, %dma_wait3A_101] : memref<8960x512xf32, #tpu.memory_space<hbm>> -> memref<56x256xf32, #tpu.memory_space<hbm>>
    tpu.wait_dma2 semaphore(%arg13 : memref<!tpu.dma_semaphore, #tpu.memory_space<semaphore_mem>>) src(%arg8 : memref<56x256xf32, #tpu.memory_space<vmem>>) dst(%dma_wait3A_102 : memref<56x256xf32, #tpu.memory_space<hbm>>)
    %dma_wait3A_103 = arith.constant 256 : i32
    %dma_wait3A_104 = tpu.memref_slice %arg5[%add3A_52, %dma_wait3A_103] : memref<8960x512xf32, #tpu.memory_space<hbm>> -> memref<56x256xf32, #tpu.memory_space<hbm>>
    %dma_wait3A_105 = arith.constant 256 : i32
    %dma_wait3A_106 = tpu.memref_slice %arg5[%add3A_52, %dma_wait3A_105] : memref<8960x512xf32, #tpu.memory_space<hbm>> -> memref<56x256xf32, #tpu.memory_space<hbm>>
    tpu.wait_dma2 semaphore(%arg13 : memref<!tpu.dma_semaphore, #tpu.memory_space<semaphore_mem>>) src(%arg10 : memref<56x256xf32, #tpu.memory_space<vmem>>) dst(%dma_wait3A_106 : memref<56x256xf32, #tpu.memory_space<hbm>>)
    %dma_start3A_107 = arith.constant 168 : i32
    %dma_start3A_108 = tpu.memref_slice %arg6[%dma_start3A_107] : memref<280xi32, #tpu.memory_space<vmem>> -> memref<56xi32, #tpu.memory_space<vmem>>
    %dma_start3A_109 = arith.constant 0 : i32
    %dma_start3A_110 = arith.constant 0 : i32
    %dma_start3A_111 = tpu.memref_slice %arg2[%dma_start3A_109, %dma_start3A_110] : memref<50000x256xf32, #tpu.memory_space<hbm>> -> memref<50000x256xf32, #tpu.memory_space<hbm>>
    tpu.enqueue_indirect_dma source(%dma_start3A_111 : memref<50000x256xf32, #tpu.memory_space<hbm>>) target(%arg8 : memref<56x256xf32, #tpu.memory_space<vmem>>) offsets(%dma_start3A_108 : memref<56xi32, #tpu.memory_space<vmem>>) semaphore(%arg11 : memref<!tpu.dma_semaphore, #tpu.memory_space<semaphore_mem>>)
    %dma_start3A_112 = arith.constant 168 : i32
    %dma_start3A_113 = tpu.memref_slice %arg6[%dma_start3A_112] : memref<280xi32, #tpu.memory_space<vmem>> -> memref<56xi32, #tpu.memory_space<vmem>>
    %dma_start3A_114 = arith.constant 0 : i32
    %dma_start3A_115 = arith.constant 0 : i32
    %dma_start3A_116 = tpu.memref_slice %arg3[%dma_start3A_114, %dma_start3A_115] : memref<50000x256xf32, #tpu.memory_space<hbm>> -> memref<50000x256xf32, #tpu.memory_space<hbm>>
    tpu.enqueue_indirect_dma source(%dma_start3A_116 : memref<50000x256xf32, #tpu.memory_space<hbm>>) target(%arg10 : memref<56x256xf32, #tpu.memory_space<vmem>>) offsets(%dma_start3A_113 : memref<56xi32, #tpu.memory_space<vmem>>) semaphore(%arg11 : memref<!tpu.dma_semaphore, #tpu.memory_space<semaphore_mem>>)
    %dma_wait3A_117 = arith.constant 168 : i32
    %dma_wait3A_118 = tpu.memref_slice %arg6[%dma_wait3A_117] : memref<280xi32, #tpu.memory_space<vmem>> -> memref<56xi32, #tpu.memory_space<vmem>>
    %dma_wait3A_119 = arith.constant 0 : i32
    %dma_wait3A_120 = arith.constant 0 : i32
    %dma_wait3A_121 = tpu.memref_slice %arg2[%dma_wait3A_119, %dma_wait3A_120] : memref<50000x256xf32, #tpu.memory_space<hbm>> -> memref<50000x256xf32, #tpu.memory_space<hbm>>
    tpu.wait_indirect_dma semaphore(%arg11 : memref<!tpu.dma_semaphore, #tpu.memory_space<semaphore_mem>>) src(%dma_wait3A_121 : memref<50000x256xf32, #tpu.memory_space<hbm>>) dst(%arg8 : memref<56x256xf32, #tpu.memory_space<vmem>>)
    %dma_wait3A_122 = arith.constant 168 : i32
    %dma_wait3A_123 = tpu.memref_slice %arg6[%dma_wait3A_122] : memref<280xi32, #tpu.memory_space<vmem>> -> memref<56xi32, #tpu.memory_space<vmem>>
    %dma_wait3A_124 = arith.constant 0 : i32
    %dma_wait3A_125 = arith.constant 0 : i32
    %dma_wait3A_126 = tpu.memref_slice %arg3[%dma_wait3A_124, %dma_wait3A_125] : memref<50000x256xf32, #tpu.memory_space<hbm>> -> memref<50000x256xf32, #tpu.memory_space<hbm>>
    tpu.wait_indirect_dma semaphore(%arg11 : memref<!tpu.dma_semaphore, #tpu.memory_space<semaphore_mem>>) src(%dma_wait3A_126 : memref<50000x256xf32, #tpu.memory_space<hbm>>) dst(%arg10 : memref<56x256xf32, #tpu.memory_space<vmem>>)
    %add3A_127 = arith.constant 168 : i32
    %add3A_128 = arith.addi %mul3A_2, %add3A_127 : i32
    %dma_start3A_129 = arith.constant 0 : i32
    %dma_start3A_130 = tpu.memref_slice %arg5[%add3A_128, %dma_start3A_129] : memref<8960x512xf32, #tpu.memory_space<hbm>> -> memref<56x256xf32, #tpu.memory_space<hbm>>
    %dma_start3A_131 = arith.constant 0 : i32
    %dma_start3A_132 = tpu.memref_slice %arg5[%add3A_128, %dma_start3A_131] : memref<8960x512xf32, #tpu.memory_space<hbm>> -> memref<56x256xf32, #tpu.memory_space<hbm>>
    tpu.enqueue_dma source(%arg8 : memref<56x256xf32, #tpu.memory_space<vmem>>) target(%dma_start3A_132 : memref<56x256xf32, #tpu.memory_space<hbm>>) target_semaphore(%arg13 : memref<!tpu.dma_semaphore, #tpu.memory_space<semaphore_mem>>)
    %dma_start3A_133 = arith.constant 256 : i32
    %dma_start3A_134 = tpu.memref_slice %arg5[%add3A_128, %dma_start3A_133] : memref<8960x512xf32, #tpu.memory_space<hbm>> -> memref<56x256xf32, #tpu.memory_space<hbm>>
    %dma_start3A_135 = arith.constant 256 : i32
    %dma_start3A_136 = tpu.memref_slice %arg5[%add3A_128, %dma_start3A_135] : memref<8960x512xf32, #tpu.memory_space<hbm>> -> memref<56x256xf32, #tpu.memory_space<hbm>>
    tpu.enqueue_dma source(%arg10 : memref<56x256xf32, #tpu.memory_space<vmem>>) target(%dma_start3A_136 : memref<56x256xf32, #tpu.memory_space<hbm>>) target_semaphore(%arg13 : memref<!tpu.dma_semaphore, #tpu.memory_space<semaphore_mem>>)
    %dma_wait3A_137 = arith.constant 0 : i32
    %dma_wait3A_138 = tpu.memref_slice %arg5[%add3A_90, %dma_wait3A_137] : memref<8960x512xf32, #tpu.memory_space<hbm>> -> memref<56x256xf32, #tpu.memory_space<hbm>>
    %dma_wait3A_139 = arith.constant 0 : i32
    %dma_wait3A_140 = tpu.memref_slice %arg5[%add3A_90, %dma_wait3A_139] : memref<8960x512xf32, #tpu.memory_space<hbm>> -> memref<56x256xf32, #tpu.memory_space<hbm>>
    tpu.wait_dma2 semaphore(%arg12 : memref<!tpu.dma_semaphore, #tpu.memory_space<semaphore_mem>>) src(%arg7 : memref<56x256xf32, #tpu.memory_space<vmem>>) dst(%dma_wait3A_140 : memref<56x256xf32, #tpu.memory_space<hbm>>)
    %dma_wait3A_141 = arith.constant 256 : i32
    %dma_wait3A_142 = tpu.memref_slice %arg5[%add3A_90, %dma_wait3A_141] : memref<8960x512xf32, #tpu.memory_space<hbm>> -> memref<56x256xf32, #tpu.memory_space<hbm>>
    %dma_wait3A_143 = arith.constant 256 : i32
    %dma_wait3A_144 = tpu.memref_slice %arg5[%add3A_90, %dma_wait3A_143] : memref<8960x512xf32, #tpu.memory_space<hbm>> -> memref<56x256xf32, #tpu.memory_space<hbm>>
    tpu.wait_dma2 semaphore(%arg12 : memref<!tpu.dma_semaphore, #tpu.memory_space<semaphore_mem>>) src(%arg9 : memref<56x256xf32, #tpu.memory_space<vmem>>) dst(%dma_wait3A_144 : memref<56x256xf32, #tpu.memory_space<hbm>>)
    %dma_start3A_145 = arith.constant 224 : i32
    %dma_start3A_146 = tpu.memref_slice %arg6[%dma_start3A_145] : memref<280xi32, #tpu.memory_space<vmem>> -> memref<56xi32, #tpu.memory_space<vmem>>
    %dma_start3A_147 = arith.constant 0 : i32
    %dma_start3A_148 = arith.constant 0 : i32
    %dma_start3A_149 = tpu.memref_slice %arg2[%dma_start3A_147, %dma_start3A_148] : memref<50000x256xf32, #tpu.memory_space<hbm>> -> memref<50000x256xf32, #tpu.memory_space<hbm>>
    tpu.enqueue_indirect_dma source(%dma_start3A_149 : memref<50000x256xf32, #tpu.memory_space<hbm>>) target(%arg7 : memref<56x256xf32, #tpu.memory_space<vmem>>) offsets(%dma_start3A_146 : memref<56xi32, #tpu.memory_space<vmem>>) semaphore(%arg11 : memref<!tpu.dma_semaphore, #tpu.memory_space<semaphore_mem>>)
    %dma_start3A_150 = arith.constant 224 : i32
    %dma_start3A_151 = tpu.memref_slice %arg6[%dma_start3A_150] : memref<280xi32, #tpu.memory_space<vmem>> -> memref<56xi32, #tpu.memory_space<vmem>>
    %dma_start3A_152 = arith.constant 0 : i32
    %dma_start3A_153 = arith.constant 0 : i32
    %dma_start3A_154 = tpu.memref_slice %arg3[%dma_start3A_152, %dma_start3A_153] : memref<50000x256xf32, #tpu.memory_space<hbm>> -> memref<50000x256xf32, #tpu.memory_space<hbm>>
    tpu.enqueue_indirect_dma source(%dma_start3A_154 : memref<50000x256xf32, #tpu.memory_space<hbm>>) target(%arg9 : memref<56x256xf32, #tpu.memory_space<vmem>>) offsets(%dma_start3A_151 : memref<56xi32, #tpu.memory_space<vmem>>) semaphore(%arg11 : memref<!tpu.dma_semaphore, #tpu.memory_space<semaphore_mem>>)
    %dma_wait3A_155 = arith.constant 224 : i32
    %dma_wait3A_156 = tpu.memref_slice %arg6[%dma_wait3A_155] : memref<280xi32, #tpu.memory_space<vmem>> -> memref<56xi32, #tpu.memory_space<vmem>>
    %dma_wait3A_157 = arith.constant 0 : i32
    %dma_wait3A_158 = arith.constant 0 : i32
    %dma_wait3A_159 = tpu.memref_slice %arg2[%dma_wait3A_157, %dma_wait3A_158] : memref<50000x256xf32, #tpu.memory_space<hbm>> -> memref<50000x256xf32, #tpu.memory_space<hbm>>
    tpu.wait_indirect_dma semaphore(%arg11 : memref<!tpu.dma_semaphore, #tpu.memory_space<semaphore_mem>>) src(%dma_wait3A_159 : memref<50000x256xf32, #tpu.memory_space<hbm>>) dst(%arg7 : memref<56x256xf32, #tpu.memory_space<vmem>>)
    %dma_wait3A_160 = arith.constant 224 : i32
    %dma_wait3A_161 = tpu.memref_slice %arg6[%dma_wait3A_160] : memref<280xi32, #tpu.memory_space<vmem>> -> memref<56xi32, #tpu.memory_space<vmem>>
    %dma_wait3A_162 = arith.constant 0 : i32
    %dma_wait3A_163 = arith.constant 0 : i32
    %dma_wait3A_164 = tpu.memref_slice %arg3[%dma_wait3A_162, %dma_wait3A_163] : memref<50000x256xf32, #tpu.memory_space<hbm>> -> memref<50000x256xf32, #tpu.memory_space<hbm>>
    tpu.wait_indirect_dma semaphore(%arg11 : memref<!tpu.dma_semaphore, #tpu.memory_space<semaphore_mem>>) src(%dma_wait3A_164 : memref<50000x256xf32, #tpu.memory_space<hbm>>) dst(%arg9 : memref<56x256xf32, #tpu.memory_space<vmem>>)
    %add3A_165 = arith.constant 224 : i32
    %add3A_166 = arith.addi %mul3A_2, %add3A_165 : i32
    %dma_start3A_167 = arith.constant 0 : i32
    %dma_start3A_168 = tpu.memref_slice %arg5[%add3A_166, %dma_start3A_167] : memref<8960x512xf32, #tpu.memory_space<hbm>> -> memref<56x256xf32, #tpu.memory_space<hbm>>
    %dma_start3A_169 = arith.constant 0 : i32
    %dma_start3A_170 = tpu.memref_slice %arg5[%add3A_166, %dma_start3A_169] : memref<8960x512xf32, #tpu.memory_space<hbm>> -> memref<56x256xf32, #tpu.memory_space<hbm>>
    tpu.enqueue_dma source(%arg7 : memref<56x256xf32, #tpu.memory_space<vmem>>) target(%dma_start3A_170 : memref<56x256xf32, #tpu.memory_space<hbm>>) target_semaphore(%arg12 : memref<!tpu.dma_semaphore, #tpu.memory_space<semaphore_mem>>)
    %dma_start3A_171 = arith.constant 256 : i32
    %dma_start3A_172 = tpu.memref_slice %arg5[%add3A_166, %dma_start3A_171] : memref<8960x512xf32, #tpu.memory_space<hbm>> -> memref<56x256xf32, #tpu.memory_space<hbm>>
    %dma_start3A_173 = arith.constant 256 : i32
    %dma_start3A_174 = tpu.memref_slice %arg5[%add3A_166, %dma_start3A_173] : memref<8960x512xf32, #tpu.memory_space<hbm>> -> memref<56x256xf32, #tpu.memory_space<hbm>>
    tpu.enqueue_dma source(%arg9 : memref<56x256xf32, #tpu.memory_space<vmem>>) target(%dma_start3A_174 : memref<56x256xf32, #tpu.memory_space<hbm>>) target_semaphore(%arg12 : memref<!tpu.dma_semaphore, #tpu.memory_space<semaphore_mem>>)
    %dma_wait3A_175 = arith.constant 0 : i32
    %dma_wait3A_176 = tpu.memref_slice %arg5[%add3A_128, %dma_wait3A_175] : memref<8960x512xf32, #tpu.memory_space<hbm>> -> memref<56x256xf32, #tpu.memory_space<hbm>>
    %dma_wait3A_177 = arith.constant 0 : i32
    %dma_wait3A_178 = tpu.memref_slice %arg5[%add3A_128, %dma_wait3A_177] : memref<8960x512xf32, #tpu.memory_space<hbm>> -> memref<56x256xf32, #tpu.memory_space<hbm>>
    tpu.wait_dma2 semaphore(%arg13 : memref<!tpu.dma_semaphore, #tpu.memory_space<semaphore_mem>>) src(%arg8 : memref<56x256xf32, #tpu.memory_space<vmem>>) dst(%dma_wait3A_178 : memref<56x256xf32, #tpu.memory_space<hbm>>)
    %dma_wait3A_179 = arith.constant 256 : i32
    %dma_wait3A_180 = tpu.memref_slice %arg5[%add3A_128, %dma_wait3A_179] : memref<8960x512xf32, #tpu.memory_space<hbm>> -> memref<56x256xf32, #tpu.memory_space<hbm>>
    %dma_wait3A_181 = arith.constant 256 : i32
    %dma_wait3A_182 = tpu.memref_slice %arg5[%add3A_128, %dma_wait3A_181] : memref<8960x512xf32, #tpu.memory_space<hbm>> -> memref<56x256xf32, #tpu.memory_space<hbm>>
    tpu.wait_dma2 semaphore(%arg13 : memref<!tpu.dma_semaphore, #tpu.memory_space<semaphore_mem>>) src(%arg10 : memref<56x256xf32, #tpu.memory_space<vmem>>) dst(%dma_wait3A_182 : memref<56x256xf32, #tpu.memory_space<hbm>>)
    %dma_wait3A_183 = arith.constant 0 : i32
    %dma_wait3A_184 = tpu.memref_slice %arg5[%add3A_166, %dma_wait3A_183] : memref<8960x512xf32, #tpu.memory_space<hbm>> -> memref<56x256xf32, #tpu.memory_space<hbm>>
    %dma_wait3A_185 = arith.constant 0 : i32
    %dma_wait3A_186 = tpu.memref_slice %arg5[%add3A_166, %dma_wait3A_185] : memref<8960x512xf32, #tpu.memory_space<hbm>> -> memref<56x256xf32, #tpu.memory_space<hbm>>
    tpu.wait_dma2 semaphore(%arg12 : memref<!tpu.dma_semaphore, #tpu.memory_space<semaphore_mem>>) src(%arg7 : memref<56x256xf32, #tpu.memory_space<vmem>>) dst(%dma_wait3A_186 : memref<56x256xf32, #tpu.memory_space<hbm>>)
    %dma_wait3A_187 = arith.constant 256 : i32
    %dma_wait3A_188 = tpu.memref_slice %arg5[%add3A_166, %dma_wait3A_187] : memref<8960x512xf32, #tpu.memory_space<hbm>> -> memref<56x256xf32, #tpu.memory_space<hbm>>
    %dma_wait3A_189 = arith.constant 256 : i32
    %dma_wait3A_190 = tpu.memref_slice %arg5[%add3A_166, %dma_wait3A_189] : memref<8960x512xf32, #tpu.memory_space<hbm>> -> memref<56x256xf32, #tpu.memory_space<hbm>>
    tpu.wait_dma2 semaphore(%arg12 : memref<!tpu.dma_semaphore, #tpu.memory_space<semaphore_mem>>) src(%arg9 : memref<56x256xf32, #tpu.memory_space<vmem>>) dst(%dma_wait3A_190 : memref<56x256xf32, #tpu.memory_space<hbm>>)
    return
  }
}

#map = affine_map<(d0, d1) -> (0, 0)>
#map1 = affine_map<(d0, d1) -> (0)>
module attributes {stable_mosaic.version = 14 : i64} {
  func.func @_sc_gather(%arg0: i32, %arg1: i32, %arg2: memref<50000x256xf32, #tpu.memory_space<hbm>>, %arg3: memref<50000x256xf32, #tpu.memory_space<hbm>>, %arg4: memref<7168xi32, #tpu.memory_space<hbm>>, %arg5: memref<7168x512xf32, #tpu.memory_space<hbm>>, %arg6: memref<224xi32, #tpu.memory_space<vmem>>, %arg7: memref<56x256xf32, #tpu.memory_space<vmem>>, %arg8: memref<56x256xf32, #tpu.memory_space<vmem>>, %arg9: memref<56x256xf32, #tpu.memory_space<vmem>>, %arg10: memref<56x256xf32, #tpu.memory_space<vmem>>, %arg11: memref<!tpu.dma_semaphore, #tpu.memory_space<semaphore_mem>>, %arg12: memref<!tpu.dma_semaphore, #tpu.memory_space<semaphore_mem>>, %arg13: memref<!tpu.dma_semaphore, #tpu.memory_space<semaphore_mem>>) attributes {dimension_semantics = [#tpu.dimension_semantics<core_parallel>, #tpu.dimension_semantics<subcore_parallel>], iteration_bounds = array<i64: 2, 16>, scalar_prefetch = 0 : i64, scratch_operands = 8 : i64, tpu.core_type = #tpu.core_type<sc_vector_subcore>, window_params = [{transform_indices = #map}, {transform_indices = #map}, {transform_indices = #map1}, {transform_indices = #map}]} {
    %mul3A = arith.constant 2 : i32
    %mul3A_0 = arith.muli %arg1, %mul3A : i32
    %add3A = arith.addi %mul3A_0, %arg0 : i32
    %mul3A_1 = arith.constant 224 : i32
    %mul3A_2 = arith.muli %add3A, %mul3A_1 : i32
    "tpu.region"() ({
      %run_scoped3A = tpu.sem_alloc : memref<!tpu.dma_semaphore, #tpu.memory_space<semaphore_mem>>
      %dma_start3A_153 = tpu.memref_slice %arg4[%mul3A_2] : memref<7168xi32, #tpu.memory_space<hbm>> -> memref<224xi32, #tpu.memory_space<hbm>>
      %dma_start3A_154 = tpu.memref_slice %arg4[%mul3A_2] : memref<7168xi32, #tpu.memory_space<hbm>> -> memref<224xi32, #tpu.memory_space<hbm>>
      tpu.enqueue_dma source(%dma_start3A_154 : memref<224xi32, #tpu.memory_space<hbm>>) target(%arg6 : memref<224xi32, #tpu.memory_space<vmem>>) target_semaphore(%run_scoped3A : memref<!tpu.dma_semaphore, #tpu.memory_space<semaphore_mem>>)
      %dma_wait3A_155 = tpu.memref_slice %arg4[%mul3A_2] : memref<7168xi32, #tpu.memory_space<hbm>> -> memref<224xi32, #tpu.memory_space<hbm>>
      %dma_wait3A_156 = tpu.memref_slice %arg4[%mul3A_2] : memref<7168xi32, #tpu.memory_space<hbm>> -> memref<224xi32, #tpu.memory_space<hbm>>
      tpu.wait_dma2 semaphore(%run_scoped3A : memref<!tpu.dma_semaphore, #tpu.memory_space<semaphore_mem>>) src(%dma_wait3A_156 : memref<224xi32, #tpu.memory_space<hbm>>) dst(%arg6 : memref<224xi32, #tpu.memory_space<vmem>>)
      tpu.yield
    }) : () -> ()
    %dma_start3A = arith.constant 0 : i32
    %dma_start3A_3 = tpu.memref_slice %arg6[%dma_start3A] : memref<224xi32, #tpu.memory_space<vmem>> -> memref<56xi32, #tpu.memory_space<vmem>>
    %dma_start3A_4 = arith.constant 0 : i32
    %dma_start3A_5 = arith.constant 0 : i32
    %dma_start3A_6 = tpu.memref_slice %arg2[%dma_start3A_4, %dma_start3A_5] : memref<50000x256xf32, #tpu.memory_space<hbm>> -> memref<50000x256xf32, #tpu.memory_space<hbm>>
    tpu.enqueue_indirect_dma source(%dma_start3A_6 : memref<50000x256xf32, #tpu.memory_space<hbm>>) target(%arg7 : memref<56x256xf32, #tpu.memory_space<vmem>>) offsets(%dma_start3A_3 : memref<56xi32, #tpu.memory_space<vmem>>) semaphore(%arg11 : memref<!tpu.dma_semaphore, #tpu.memory_space<semaphore_mem>>)
    %dma_start3A_7 = arith.constant 0 : i32
    %dma_start3A_8 = tpu.memref_slice %arg6[%dma_start3A_7] : memref<224xi32, #tpu.memory_space<vmem>> -> memref<56xi32, #tpu.memory_space<vmem>>
    %dma_start3A_9 = arith.constant 0 : i32
    %dma_start3A_10 = arith.constant 0 : i32
    %dma_start3A_11 = tpu.memref_slice %arg3[%dma_start3A_9, %dma_start3A_10] : memref<50000x256xf32, #tpu.memory_space<hbm>> -> memref<50000x256xf32, #tpu.memory_space<hbm>>
    tpu.enqueue_indirect_dma source(%dma_start3A_11 : memref<50000x256xf32, #tpu.memory_space<hbm>>) target(%arg9 : memref<56x256xf32, #tpu.memory_space<vmem>>) offsets(%dma_start3A_8 : memref<56xi32, #tpu.memory_space<vmem>>) semaphore(%arg11 : memref<!tpu.dma_semaphore, #tpu.memory_space<semaphore_mem>>)
    %dma_wait3A = arith.constant 0 : i32
    %dma_wait3A_12 = tpu.memref_slice %arg6[%dma_wait3A] : memref<224xi32, #tpu.memory_space<vmem>> -> memref<56xi32, #tpu.memory_space<vmem>>
    %dma_wait3A_13 = arith.constant 0 : i32
    %dma_wait3A_14 = arith.constant 0 : i32
    %dma_wait3A_15 = tpu.memref_slice %arg2[%dma_wait3A_13, %dma_wait3A_14] : memref<50000x256xf32, #tpu.memory_space<hbm>> -> memref<50000x256xf32, #tpu.memory_space<hbm>>
    tpu.wait_indirect_dma semaphore(%arg11 : memref<!tpu.dma_semaphore, #tpu.memory_space<semaphore_mem>>) src(%dma_wait3A_15 : memref<50000x256xf32, #tpu.memory_space<hbm>>) dst(%arg7 : memref<56x256xf32, #tpu.memory_space<vmem>>)
    %dma_wait3A_16 = arith.constant 0 : i32
    %dma_wait3A_17 = tpu.memref_slice %arg6[%dma_wait3A_16] : memref<224xi32, #tpu.memory_space<vmem>> -> memref<56xi32, #tpu.memory_space<vmem>>
    %dma_wait3A_18 = arith.constant 0 : i32
    %dma_wait3A_19 = arith.constant 0 : i32
    %dma_wait3A_20 = tpu.memref_slice %arg3[%dma_wait3A_18, %dma_wait3A_19] : memref<50000x256xf32, #tpu.memory_space<hbm>> -> memref<50000x256xf32, #tpu.memory_space<hbm>>
    tpu.wait_indirect_dma semaphore(%arg11 : memref<!tpu.dma_semaphore, #tpu.memory_space<semaphore_mem>>) src(%dma_wait3A_20 : memref<50000x256xf32, #tpu.memory_space<hbm>>) dst(%arg9 : memref<56x256xf32, #tpu.memory_space<vmem>>)
    %add3A_21 = arith.constant 0 : i32
    %add3A_22 = arith.addi %mul3A_2, %add3A_21 : i32
    %dma_start3A_23 = arith.constant 0 : i32
    %dma_start3A_24 = tpu.memref_slice %arg5[%add3A_22, %dma_start3A_23] : memref<7168x512xf32, #tpu.memory_space<hbm>> -> memref<56x256xf32, #tpu.memory_space<hbm>>
    %dma_start3A_25 = arith.constant 0 : i32
    %dma_start3A_26 = tpu.memref_slice %arg5[%add3A_22, %dma_start3A_25] : memref<7168x512xf32, #tpu.memory_space<hbm>> -> memref<56x256xf32, #tpu.memory_space<hbm>>
    tpu.enqueue_dma source(%arg7 : memref<56x256xf32, #tpu.memory_space<vmem>>) target(%dma_start3A_26 : memref<56x256xf32, #tpu.memory_space<hbm>>) target_semaphore(%arg12 : memref<!tpu.dma_semaphore, #tpu.memory_space<semaphore_mem>>)
    %dma_start3A_27 = arith.constant 256 : i32
    %dma_start3A_28 = tpu.memref_slice %arg5[%add3A_22, %dma_start3A_27] : memref<7168x512xf32, #tpu.memory_space<hbm>> -> memref<56x256xf32, #tpu.memory_space<hbm>>
    %dma_start3A_29 = arith.constant 256 : i32
    %dma_start3A_30 = tpu.memref_slice %arg5[%add3A_22, %dma_start3A_29] : memref<7168x512xf32, #tpu.memory_space<hbm>> -> memref<56x256xf32, #tpu.memory_space<hbm>>
    tpu.enqueue_dma source(%arg9 : memref<56x256xf32, #tpu.memory_space<vmem>>) target(%dma_start3A_30 : memref<56x256xf32, #tpu.memory_space<hbm>>) target_semaphore(%arg12 : memref<!tpu.dma_semaphore, #tpu.memory_space<semaphore_mem>>)
    %dma_start3A_31 = arith.constant 56 : i32
    %dma_start3A_32 = tpu.memref_slice %arg6[%dma_start3A_31] : memref<224xi32, #tpu.memory_space<vmem>> -> memref<56xi32, #tpu.memory_space<vmem>>
    %dma_start3A_33 = arith.constant 0 : i32
    %dma_start3A_34 = arith.constant 0 : i32
    %dma_start3A_35 = tpu.memref_slice %arg2[%dma_start3A_33, %dma_start3A_34] : memref<50000x256xf32, #tpu.memory_space<hbm>> -> memref<50000x256xf32, #tpu.memory_space<hbm>>
    tpu.enqueue_indirect_dma source(%dma_start3A_35 : memref<50000x256xf32, #tpu.memory_space<hbm>>) target(%arg8 : memref<56x256xf32, #tpu.memory_space<vmem>>) offsets(%dma_start3A_32 : memref<56xi32, #tpu.memory_space<vmem>>) semaphore(%arg11 : memref<!tpu.dma_semaphore, #tpu.memory_space<semaphore_mem>>)
    %dma_start3A_36 = arith.constant 56 : i32
    %dma_start3A_37 = tpu.memref_slice %arg6[%dma_start3A_36] : memref<224xi32, #tpu.memory_space<vmem>> -> memref<56xi32, #tpu.memory_space<vmem>>
    %dma_start3A_38 = arith.constant 0 : i32
    %dma_start3A_39 = arith.constant 0 : i32
    %dma_start3A_40 = tpu.memref_slice %arg3[%dma_start3A_38, %dma_start3A_39] : memref<50000x256xf32, #tpu.memory_space<hbm>> -> memref<50000x256xf32, #tpu.memory_space<hbm>>
    tpu.enqueue_indirect_dma source(%dma_start3A_40 : memref<50000x256xf32, #tpu.memory_space<hbm>>) target(%arg10 : memref<56x256xf32, #tpu.memory_space<vmem>>) offsets(%dma_start3A_37 : memref<56xi32, #tpu.memory_space<vmem>>) semaphore(%arg11 : memref<!tpu.dma_semaphore, #tpu.memory_space<semaphore_mem>>)
    %dma_wait3A_41 = arith.constant 56 : i32
    %dma_wait3A_42 = tpu.memref_slice %arg6[%dma_wait3A_41] : memref<224xi32, #tpu.memory_space<vmem>> -> memref<56xi32, #tpu.memory_space<vmem>>
    %dma_wait3A_43 = arith.constant 0 : i32
    %dma_wait3A_44 = arith.constant 0 : i32
    %dma_wait3A_45 = tpu.memref_slice %arg2[%dma_wait3A_43, %dma_wait3A_44] : memref<50000x256xf32, #tpu.memory_space<hbm>> -> memref<50000x256xf32, #tpu.memory_space<hbm>>
    tpu.wait_indirect_dma semaphore(%arg11 : memref<!tpu.dma_semaphore, #tpu.memory_space<semaphore_mem>>) src(%dma_wait3A_45 : memref<50000x256xf32, #tpu.memory_space<hbm>>) dst(%arg8 : memref<56x256xf32, #tpu.memory_space<vmem>>)
    %dma_wait3A_46 = arith.constant 56 : i32
    %dma_wait3A_47 = tpu.memref_slice %arg6[%dma_wait3A_46] : memref<224xi32, #tpu.memory_space<vmem>> -> memref<56xi32, #tpu.memory_space<vmem>>
    %dma_wait3A_48 = arith.constant 0 : i32
    %dma_wait3A_49 = arith.constant 0 : i32
    %dma_wait3A_50 = tpu.memref_slice %arg3[%dma_wait3A_48, %dma_wait3A_49] : memref<50000x256xf32, #tpu.memory_space<hbm>> -> memref<50000x256xf32, #tpu.memory_space<hbm>>
    tpu.wait_indirect_dma semaphore(%arg11 : memref<!tpu.dma_semaphore, #tpu.memory_space<semaphore_mem>>) src(%dma_wait3A_50 : memref<50000x256xf32, #tpu.memory_space<hbm>>) dst(%arg10 : memref<56x256xf32, #tpu.memory_space<vmem>>)
    %add3A_51 = arith.constant 56 : i32
    %add3A_52 = arith.addi %mul3A_2, %add3A_51 : i32
    %dma_start3A_53 = arith.constant 0 : i32
    %dma_start3A_54 = tpu.memref_slice %arg5[%add3A_52, %dma_start3A_53] : memref<7168x512xf32, #tpu.memory_space<hbm>> -> memref<56x256xf32, #tpu.memory_space<hbm>>
    %dma_start3A_55 = arith.constant 0 : i32
    %dma_start3A_56 = tpu.memref_slice %arg5[%add3A_52, %dma_start3A_55] : memref<7168x512xf32, #tpu.memory_space<hbm>> -> memref<56x256xf32, #tpu.memory_space<hbm>>
    tpu.enqueue_dma source(%arg8 : memref<56x256xf32, #tpu.memory_space<vmem>>) target(%dma_start3A_56 : memref<56x256xf32, #tpu.memory_space<hbm>>) target_semaphore(%arg13 : memref<!tpu.dma_semaphore, #tpu.memory_space<semaphore_mem>>)
    %dma_start3A_57 = arith.constant 256 : i32
    %dma_start3A_58 = tpu.memref_slice %arg5[%add3A_52, %dma_start3A_57] : memref<7168x512xf32, #tpu.memory_space<hbm>> -> memref<56x256xf32, #tpu.memory_space<hbm>>
    %dma_start3A_59 = arith.constant 256 : i32
    %dma_start3A_60 = tpu.memref_slice %arg5[%add3A_52, %dma_start3A_59] : memref<7168x512xf32, #tpu.memory_space<hbm>> -> memref<56x256xf32, #tpu.memory_space<hbm>>
    tpu.enqueue_dma source(%arg10 : memref<56x256xf32, #tpu.memory_space<vmem>>) target(%dma_start3A_60 : memref<56x256xf32, #tpu.memory_space<hbm>>) target_semaphore(%arg13 : memref<!tpu.dma_semaphore, #tpu.memory_space<semaphore_mem>>)
    %dma_wait3A_61 = arith.constant 0 : i32
    %dma_wait3A_62 = tpu.memref_slice %arg5[%add3A_22, %dma_wait3A_61] : memref<7168x512xf32, #tpu.memory_space<hbm>> -> memref<56x256xf32, #tpu.memory_space<hbm>>
    %dma_wait3A_63 = arith.constant 0 : i32
    %dma_wait3A_64 = tpu.memref_slice %arg5[%add3A_22, %dma_wait3A_63] : memref<7168x512xf32, #tpu.memory_space<hbm>> -> memref<56x256xf32, #tpu.memory_space<hbm>>
    tpu.wait_dma2 semaphore(%arg12 : memref<!tpu.dma_semaphore, #tpu.memory_space<semaphore_mem>>) src(%arg7 : memref<56x256xf32, #tpu.memory_space<vmem>>) dst(%dma_wait3A_64 : memref<56x256xf32, #tpu.memory_space<hbm>>)
    %dma_wait3A_65 = arith.constant 256 : i32
    %dma_wait3A_66 = tpu.memref_slice %arg5[%add3A_22, %dma_wait3A_65] : memref<7168x512xf32, #tpu.memory_space<hbm>> -> memref<56x256xf32, #tpu.memory_space<hbm>>
    %dma_wait3A_67 = arith.constant 256 : i32
    %dma_wait3A_68 = tpu.memref_slice %arg5[%add3A_22, %dma_wait3A_67] : memref<7168x512xf32, #tpu.memory_space<hbm>> -> memref<56x256xf32, #tpu.memory_space<hbm>>
    tpu.wait_dma2 semaphore(%arg12 : memref<!tpu.dma_semaphore, #tpu.memory_space<semaphore_mem>>) src(%arg9 : memref<56x256xf32, #tpu.memory_space<vmem>>) dst(%dma_wait3A_68 : memref<56x256xf32, #tpu.memory_space<hbm>>)
    %dma_start3A_69 = arith.constant 112 : i32
    %dma_start3A_70 = tpu.memref_slice %arg6[%dma_start3A_69] : memref<224xi32, #tpu.memory_space<vmem>> -> memref<56xi32, #tpu.memory_space<vmem>>
    %dma_start3A_71 = arith.constant 0 : i32
    %dma_start3A_72 = arith.constant 0 : i32
    %dma_start3A_73 = tpu.memref_slice %arg2[%dma_start3A_71, %dma_start3A_72] : memref<50000x256xf32, #tpu.memory_space<hbm>> -> memref<50000x256xf32, #tpu.memory_space<hbm>>
    tpu.enqueue_indirect_dma source(%dma_start3A_73 : memref<50000x256xf32, #tpu.memory_space<hbm>>) target(%arg7 : memref<56x256xf32, #tpu.memory_space<vmem>>) offsets(%dma_start3A_70 : memref<56xi32, #tpu.memory_space<vmem>>) semaphore(%arg11 : memref<!tpu.dma_semaphore, #tpu.memory_space<semaphore_mem>>)
    %dma_start3A_74 = arith.constant 112 : i32
    %dma_start3A_75 = tpu.memref_slice %arg6[%dma_start3A_74] : memref<224xi32, #tpu.memory_space<vmem>> -> memref<56xi32, #tpu.memory_space<vmem>>
    %dma_start3A_76 = arith.constant 0 : i32
    %dma_start3A_77 = arith.constant 0 : i32
    %dma_start3A_78 = tpu.memref_slice %arg3[%dma_start3A_76, %dma_start3A_77] : memref<50000x256xf32, #tpu.memory_space<hbm>> -> memref<50000x256xf32, #tpu.memory_space<hbm>>
    tpu.enqueue_indirect_dma source(%dma_start3A_78 : memref<50000x256xf32, #tpu.memory_space<hbm>>) target(%arg9 : memref<56x256xf32, #tpu.memory_space<vmem>>) offsets(%dma_start3A_75 : memref<56xi32, #tpu.memory_space<vmem>>) semaphore(%arg11 : memref<!tpu.dma_semaphore, #tpu.memory_space<semaphore_mem>>)
    %dma_wait3A_79 = arith.constant 112 : i32
    %dma_wait3A_80 = tpu.memref_slice %arg6[%dma_wait3A_79] : memref<224xi32, #tpu.memory_space<vmem>> -> memref<56xi32, #tpu.memory_space<vmem>>
    %dma_wait3A_81 = arith.constant 0 : i32
    %dma_wait3A_82 = arith.constant 0 : i32
    %dma_wait3A_83 = tpu.memref_slice %arg2[%dma_wait3A_81, %dma_wait3A_82] : memref<50000x256xf32, #tpu.memory_space<hbm>> -> memref<50000x256xf32, #tpu.memory_space<hbm>>
    tpu.wait_indirect_dma semaphore(%arg11 : memref<!tpu.dma_semaphore, #tpu.memory_space<semaphore_mem>>) src(%dma_wait3A_83 : memref<50000x256xf32, #tpu.memory_space<hbm>>) dst(%arg7 : memref<56x256xf32, #tpu.memory_space<vmem>>)
    %dma_wait3A_84 = arith.constant 112 : i32
    %dma_wait3A_85 = tpu.memref_slice %arg6[%dma_wait3A_84] : memref<224xi32, #tpu.memory_space<vmem>> -> memref<56xi32, #tpu.memory_space<vmem>>
    %dma_wait3A_86 = arith.constant 0 : i32
    %dma_wait3A_87 = arith.constant 0 : i32
    %dma_wait3A_88 = tpu.memref_slice %arg3[%dma_wait3A_86, %dma_wait3A_87] : memref<50000x256xf32, #tpu.memory_space<hbm>> -> memref<50000x256xf32, #tpu.memory_space<hbm>>
    tpu.wait_indirect_dma semaphore(%arg11 : memref<!tpu.dma_semaphore, #tpu.memory_space<semaphore_mem>>) src(%dma_wait3A_88 : memref<50000x256xf32, #tpu.memory_space<hbm>>) dst(%arg9 : memref<56x256xf32, #tpu.memory_space<vmem>>)
    %add3A_89 = arith.constant 112 : i32
    %add3A_90 = arith.addi %mul3A_2, %add3A_89 : i32
    %dma_start3A_91 = arith.constant 0 : i32
    %dma_start3A_92 = tpu.memref_slice %arg5[%add3A_90, %dma_start3A_91] : memref<7168x512xf32, #tpu.memory_space<hbm>> -> memref<56x256xf32, #tpu.memory_space<hbm>>
    %dma_start3A_93 = arith.constant 0 : i32
    %dma_start3A_94 = tpu.memref_slice %arg5[%add3A_90, %dma_start3A_93] : memref<7168x512xf32, #tpu.memory_space<hbm>> -> memref<56x256xf32, #tpu.memory_space<hbm>>
    tpu.enqueue_dma source(%arg7 : memref<56x256xf32, #tpu.memory_space<vmem>>) target(%dma_start3A_94 : memref<56x256xf32, #tpu.memory_space<hbm>>) target_semaphore(%arg12 : memref<!tpu.dma_semaphore, #tpu.memory_space<semaphore_mem>>)
    %dma_start3A_95 = arith.constant 256 : i32
    %dma_start3A_96 = tpu.memref_slice %arg5[%add3A_90, %dma_start3A_95] : memref<7168x512xf32, #tpu.memory_space<hbm>> -> memref<56x256xf32, #tpu.memory_space<hbm>>
    %dma_start3A_97 = arith.constant 256 : i32
    %dma_start3A_98 = tpu.memref_slice %arg5[%add3A_90, %dma_start3A_97] : memref<7168x512xf32, #tpu.memory_space<hbm>> -> memref<56x256xf32, #tpu.memory_space<hbm>>
    tpu.enqueue_dma source(%arg9 : memref<56x256xf32, #tpu.memory_space<vmem>>) target(%dma_start3A_98 : memref<56x256xf32, #tpu.memory_space<hbm>>) target_semaphore(%arg12 : memref<!tpu.dma_semaphore, #tpu.memory_space<semaphore_mem>>)
    %dma_wait3A_99 = arith.constant 0 : i32
    %dma_wait3A_100 = tpu.memref_slice %arg5[%add3A_52, %dma_wait3A_99] : memref<7168x512xf32, #tpu.memory_space<hbm>> -> memref<56x256xf32, #tpu.memory_space<hbm>>
    %dma_wait3A_101 = arith.constant 0 : i32
    %dma_wait3A_102 = tpu.memref_slice %arg5[%add3A_52, %dma_wait3A_101] : memref<7168x512xf32, #tpu.memory_space<hbm>> -> memref<56x256xf32, #tpu.memory_space<hbm>>
    tpu.wait_dma2 semaphore(%arg13 : memref<!tpu.dma_semaphore, #tpu.memory_space<semaphore_mem>>) src(%arg8 : memref<56x256xf32, #tpu.memory_space<vmem>>) dst(%dma_wait3A_102 : memref<56x256xf32, #tpu.memory_space<hbm>>)
    %dma_wait3A_103 = arith.constant 256 : i32
    %dma_wait3A_104 = tpu.memref_slice %arg5[%add3A_52, %dma_wait3A_103] : memref<7168x512xf32, #tpu.memory_space<hbm>> -> memref<56x256xf32, #tpu.memory_space<hbm>>
    %dma_wait3A_105 = arith.constant 256 : i32
    %dma_wait3A_106 = tpu.memref_slice %arg5[%add3A_52, %dma_wait3A_105] : memref<7168x512xf32, #tpu.memory_space<hbm>> -> memref<56x256xf32, #tpu.memory_space<hbm>>
    tpu.wait_dma2 semaphore(%arg13 : memref<!tpu.dma_semaphore, #tpu.memory_space<semaphore_mem>>) src(%arg10 : memref<56x256xf32, #tpu.memory_space<vmem>>) dst(%dma_wait3A_106 : memref<56x256xf32, #tpu.memory_space<hbm>>)
    %dma_start3A_107 = arith.constant 168 : i32
    %dma_start3A_108 = tpu.memref_slice %arg6[%dma_start3A_107] : memref<224xi32, #tpu.memory_space<vmem>> -> memref<56xi32, #tpu.memory_space<vmem>>
    %dma_start3A_109 = arith.constant 0 : i32
    %dma_start3A_110 = arith.constant 0 : i32
    %dma_start3A_111 = tpu.memref_slice %arg2[%dma_start3A_109, %dma_start3A_110] : memref<50000x256xf32, #tpu.memory_space<hbm>> -> memref<50000x256xf32, #tpu.memory_space<hbm>>
    tpu.enqueue_indirect_dma source(%dma_start3A_111 : memref<50000x256xf32, #tpu.memory_space<hbm>>) target(%arg8 : memref<56x256xf32, #tpu.memory_space<vmem>>) offsets(%dma_start3A_108 : memref<56xi32, #tpu.memory_space<vmem>>) semaphore(%arg11 : memref<!tpu.dma_semaphore, #tpu.memory_space<semaphore_mem>>)
    %dma_start3A_112 = arith.constant 168 : i32
    %dma_start3A_113 = tpu.memref_slice %arg6[%dma_start3A_112] : memref<224xi32, #tpu.memory_space<vmem>> -> memref<56xi32, #tpu.memory_space<vmem>>
    %dma_start3A_114 = arith.constant 0 : i32
    %dma_start3A_115 = arith.constant 0 : i32
    %dma_start3A_116 = tpu.memref_slice %arg3[%dma_start3A_114, %dma_start3A_115] : memref<50000x256xf32, #tpu.memory_space<hbm>> -> memref<50000x256xf32, #tpu.memory_space<hbm>>
    tpu.enqueue_indirect_dma source(%dma_start3A_116 : memref<50000x256xf32, #tpu.memory_space<hbm>>) target(%arg10 : memref<56x256xf32, #tpu.memory_space<vmem>>) offsets(%dma_start3A_113 : memref<56xi32, #tpu.memory_space<vmem>>) semaphore(%arg11 : memref<!tpu.dma_semaphore, #tpu.memory_space<semaphore_mem>>)
    %dma_wait3A_117 = arith.constant 168 : i32
    %dma_wait3A_118 = tpu.memref_slice %arg6[%dma_wait3A_117] : memref<224xi32, #tpu.memory_space<vmem>> -> memref<56xi32, #tpu.memory_space<vmem>>
    %dma_wait3A_119 = arith.constant 0 : i32
    %dma_wait3A_120 = arith.constant 0 : i32
    %dma_wait3A_121 = tpu.memref_slice %arg2[%dma_wait3A_119, %dma_wait3A_120] : memref<50000x256xf32, #tpu.memory_space<hbm>> -> memref<50000x256xf32, #tpu.memory_space<hbm>>
    tpu.wait_indirect_dma semaphore(%arg11 : memref<!tpu.dma_semaphore, #tpu.memory_space<semaphore_mem>>) src(%dma_wait3A_121 : memref<50000x256xf32, #tpu.memory_space<hbm>>) dst(%arg8 : memref<56x256xf32, #tpu.memory_space<vmem>>)
    %dma_wait3A_122 = arith.constant 168 : i32
    %dma_wait3A_123 = tpu.memref_slice %arg6[%dma_wait3A_122] : memref<224xi32, #tpu.memory_space<vmem>> -> memref<56xi32, #tpu.memory_space<vmem>>
    %dma_wait3A_124 = arith.constant 0 : i32
    %dma_wait3A_125 = arith.constant 0 : i32
    %dma_wait3A_126 = tpu.memref_slice %arg3[%dma_wait3A_124, %dma_wait3A_125] : memref<50000x256xf32, #tpu.memory_space<hbm>> -> memref<50000x256xf32, #tpu.memory_space<hbm>>
    tpu.wait_indirect_dma semaphore(%arg11 : memref<!tpu.dma_semaphore, #tpu.memory_space<semaphore_mem>>) src(%dma_wait3A_126 : memref<50000x256xf32, #tpu.memory_space<hbm>>) dst(%arg10 : memref<56x256xf32, #tpu.memory_space<vmem>>)
    %add3A_127 = arith.constant 168 : i32
    %add3A_128 = arith.addi %mul3A_2, %add3A_127 : i32
    %dma_start3A_129 = arith.constant 0 : i32
    %dma_start3A_130 = tpu.memref_slice %arg5[%add3A_128, %dma_start3A_129] : memref<7168x512xf32, #tpu.memory_space<hbm>> -> memref<56x256xf32, #tpu.memory_space<hbm>>
    %dma_start3A_131 = arith.constant 0 : i32
    %dma_start3A_132 = tpu.memref_slice %arg5[%add3A_128, %dma_start3A_131] : memref<7168x512xf32, #tpu.memory_space<hbm>> -> memref<56x256xf32, #tpu.memory_space<hbm>>
    tpu.enqueue_dma source(%arg8 : memref<56x256xf32, #tpu.memory_space<vmem>>) target(%dma_start3A_132 : memref<56x256xf32, #tpu.memory_space<hbm>>) target_semaphore(%arg13 : memref<!tpu.dma_semaphore, #tpu.memory_space<semaphore_mem>>)
    %dma_start3A_133 = arith.constant 256 : i32
    %dma_start3A_134 = tpu.memref_slice %arg5[%add3A_128, %dma_start3A_133] : memref<7168x512xf32, #tpu.memory_space<hbm>> -> memref<56x256xf32, #tpu.memory_space<hbm>>
    %dma_start3A_135 = arith.constant 256 : i32
    %dma_start3A_136 = tpu.memref_slice %arg5[%add3A_128, %dma_start3A_135] : memref<7168x512xf32, #tpu.memory_space<hbm>> -> memref<56x256xf32, #tpu.memory_space<hbm>>
    tpu.enqueue_dma source(%arg10 : memref<56x256xf32, #tpu.memory_space<vmem>>) target(%dma_start3A_136 : memref<56x256xf32, #tpu.memory_space<hbm>>) target_semaphore(%arg13 : memref<!tpu.dma_semaphore, #tpu.memory_space<semaphore_mem>>)
    %dma_wait3A_137 = arith.constant 0 : i32
    %dma_wait3A_138 = tpu.memref_slice %arg5[%add3A_90, %dma_wait3A_137] : memref<7168x512xf32, #tpu.memory_space<hbm>> -> memref<56x256xf32, #tpu.memory_space<hbm>>
    %dma_wait3A_139 = arith.constant 0 : i32
    %dma_wait3A_140 = tpu.memref_slice %arg5[%add3A_90, %dma_wait3A_139] : memref<7168x512xf32, #tpu.memory_space<hbm>> -> memref<56x256xf32, #tpu.memory_space<hbm>>
    tpu.wait_dma2 semaphore(%arg12 : memref<!tpu.dma_semaphore, #tpu.memory_space<semaphore_mem>>) src(%arg7 : memref<56x256xf32, #tpu.memory_space<vmem>>) dst(%dma_wait3A_140 : memref<56x256xf32, #tpu.memory_space<hbm>>)
    %dma_wait3A_141 = arith.constant 256 : i32
    %dma_wait3A_142 = tpu.memref_slice %arg5[%add3A_90, %dma_wait3A_141] : memref<7168x512xf32, #tpu.memory_space<hbm>> -> memref<56x256xf32, #tpu.memory_space<hbm>>
    %dma_wait3A_143 = arith.constant 256 : i32
    %dma_wait3A_144 = tpu.memref_slice %arg5[%add3A_90, %dma_wait3A_143] : memref<7168x512xf32, #tpu.memory_space<hbm>> -> memref<56x256xf32, #tpu.memory_space<hbm>>
    tpu.wait_dma2 semaphore(%arg12 : memref<!tpu.dma_semaphore, #tpu.memory_space<semaphore_mem>>) src(%arg9 : memref<56x256xf32, #tpu.memory_space<vmem>>) dst(%dma_wait3A_144 : memref<56x256xf32, #tpu.memory_space<hbm>>)
    %dma_wait3A_145 = arith.constant 0 : i32
    %dma_wait3A_146 = tpu.memref_slice %arg5[%add3A_128, %dma_wait3A_145] : memref<7168x512xf32, #tpu.memory_space<hbm>> -> memref<56x256xf32, #tpu.memory_space<hbm>>
    %dma_wait3A_147 = arith.constant 0 : i32
    %dma_wait3A_148 = tpu.memref_slice %arg5[%add3A_128, %dma_wait3A_147] : memref<7168x512xf32, #tpu.memory_space<hbm>> -> memref<56x256xf32, #tpu.memory_space<hbm>>
    tpu.wait_dma2 semaphore(%arg13 : memref<!tpu.dma_semaphore, #tpu.memory_space<semaphore_mem>>) src(%arg8 : memref<56x256xf32, #tpu.memory_space<vmem>>) dst(%dma_wait3A_148 : memref<56x256xf32, #tpu.memory_space<hbm>>)
    %dma_wait3A_149 = arith.constant 256 : i32
    %dma_wait3A_150 = tpu.memref_slice %arg5[%add3A_128, %dma_wait3A_149] : memref<7168x512xf32, #tpu.memory_space<hbm>> -> memref<56x256xf32, #tpu.memory_space<hbm>>
    %dma_wait3A_151 = arith.constant 256 : i32
    %dma_wait3A_152 = tpu.memref_slice %arg5[%add3A_128, %dma_wait3A_151] : memref<7168x512xf32, #tpu.memory_space<hbm>> -> memref<56x256xf32, #tpu.memory_space<hbm>>
    tpu.wait_dma2 semaphore(%arg13 : memref<!tpu.dma_semaphore, #tpu.memory_space<semaphore_mem>>) src(%arg10 : memref<56x256xf32, #tpu.memory_space<vmem>>) dst(%dma_wait3A_152 : memref<56x256xf32, #tpu.memory_space<hbm>>)
    return
  }
}

module attributes {stable_mosaic.version = 14 : i64} {
  func.func @_mlp_body(%arg0: i32, %arg1: memref<1792x512xf32, #tpu.memory_space<vmem>>, %arg2: memref<512x256xf32, #tpu.memory_space<vmem>>, %arg3: memref<256x64xf32, #tpu.memory_space<vmem>>, %arg4: memref<1x256xf32, #tpu.memory_space<vmem>>, %arg5: memref<64x1xf32, #tpu.memory_space<vmem>>, %arg6: memref<64x1792xf32, #tpu.memory_space<vmem>>, %arg7: memref<64x1792xf32, #tpu.memory_space<vmem>>) attributes {dimension_semantics = [#tpu.dimension_semantics<arbitrary>], iteration_bounds = array<i64: 5>, scalar_prefetch = 0 : i64, scratch_operands = 0 : i64, tpu.core_type = #tpu.core_type<tc>, window_params = [{transform_indices = @transform_0, window_bounds = array<i64: 1792, 512>}, {pipeline_mode = #tpu.pipeline_mode<synchronous>, transform_indices = @transform_1, window_bounds = array<i64: 512, 256>}, {pipeline_mode = #tpu.pipeline_mode<synchronous>, transform_indices = @transform_2, window_bounds = array<i64: 256, 64>}, {pipeline_mode = #tpu.pipeline_mode<synchronous>, transform_indices = @transform_3, window_bounds = array<i64: 1, 256>}, {pipeline_mode = #tpu.pipeline_mode<synchronous>, transform_indices = @transform_4, window_bounds = array<i64: 64, 1>}, {transform_indices = @transform_5, window_bounds = array<i64: 64, 1792>}, {transform_indices = @transform_6, window_bounds = array<i64: 64, 1792>}]} {
    %get3A = arith.constant 0 : index
    %get3A_0 = arith.constant 0 : index
    %get3A_1 = vector.load %arg1[%get3A, %get3A_0] : memref<1792x512xf32, #tpu.memory_space<vmem>>, vector<1792x512xf32>
    %get3A_2 = arith.constant 0 : index
    %get3A_3 = arith.constant 0 : index
    %get3A_4 = vector.load %arg2[%get3A_2, %get3A_3] : memref<512x256xf32, #tpu.memory_space<vmem>>, vector<512x256xf32>
    %dot_general3A = arith.constant dense<0.000000e+00> : vector<1792x256xf32>
    %dot_general3A_5 = tpu.matmul %get3A_1, %get3A_4, %dot_general3A {dimension_numbers = #tpu.dot_dimension_numbers<[1], [0], [0], [1], [0, 0, 1, 1], [], []>, transpose_lhs_hint = false} : vector<1792x512xf32>, vector<512x256xf32>, vector<1792x256xf32> -> vector<1792x256xf32>
    %get3A_6 = arith.constant 0 : index
    %get3A_7 = arith.constant 0 : index
    %get3A_8 = vector.load %arg4[%get3A_6, %get3A_7] : memref<1x256xf32, #tpu.memory_space<vmem>>, vector<1x256xf32>
    %add3A = vector.broadcast %get3A_8 : vector<1x256xf32> to vector<1792x256xf32>
    %add3A_9 = arith.addf %dot_general3A_5, %add3A : vector<1792x256xf32>
    %max3A = arith.constant 0.000000e+00 : f32
    %max3A_10 = vector.broadcast %max3A : f32 to vector<1792x256xf32>
    %max3A_11 = arith.maximumf %add3A_9, %max3A_10 : vector<1792x256xf32>
    %get3A_12 = arith.constant 0 : index
    %get3A_13 = arith.constant 0 : index
    %get3A_14 = vector.load %arg3[%get3A_12, %get3A_13] : memref<256x64xf32, #tpu.memory_space<vmem>>, vector<256x64xf32>
    %dot_general3A_15 = arith.constant dense<0.000000e+00> : vector<64x1792xf32>
    %dot_general3A_16 = tpu.matmul %get3A_14, %max3A_11, %dot_general3A_15 {dimension_numbers = #tpu.dot_dimension_numbers<[0], [1], [1], [0], [0, 1, 1, 0], [], []>, transpose_lhs_hint = false} : vector<256x64xf32>, vector<1792x256xf32>, vector<64x1792xf32> -> vector<64x1792xf32>
    %get3A_17 = arith.constant 0 : index
    %get3A_18 = arith.constant 0 : index
    %get3A_19 = vector.load %arg5[%get3A_17, %get3A_18] : memref<64x1xf32, #tpu.memory_space<vmem>>, vector<64x1xf32>
    %add3A_20 = vector.broadcast %get3A_19 : vector<64x1xf32> to vector<64x1792xf32>
    %add3A_21 = arith.addf %dot_general3A_16, %add3A_20 : vector<64x1792xf32>
    %swap3A = arith.constant 0 : index
    %swap3A_22 = arith.constant 0 : index
    %swap3A_23 = vector.load %arg7[%swap3A, %swap3A_22] : memref<64x1792xf32, #tpu.memory_space<vmem>>, vector<64x1792xf32>
    tpu.vector_store %arg7[%swap3A, %swap3A_22], %add3A_21 {strides = array<i32>} : memref<64x1792xf32, #tpu.memory_space<vmem>>, vector<64x1792xf32>,
    return
  }
  func.func @transform_0(%arg0: i32) -> (i32, i32) {
    %c0_i32 = arith.constant 0 : i32
    %c0_i32_0 = arith.constant 0 : i32
    return %arg0, %c0_i32 : i32, i32
  }
  func.func @transform_1(%arg0: i32) -> (i32, i32) {
    %c0_i32 = arith.constant 0 : i32
    %c0_i32_0 = arith.constant 0 : i32
    %c0_i32_1 = arith.constant 0 : i32
    return %c0_i32, %c0_i32_0 : i32, i32
  }
  func.func @transform_2(%arg0: i32) -> (i32, i32) {
    %c0_i32 = arith.constant 0 : i32
    %c0_i32_0 = arith.constant 0 : i32
    %c0_i32_1 = arith.constant 0 : i32
    return %c0_i32, %c0_i32_0 : i32, i32
  }
  func.func @transform_3(%arg0: i32) -> (i32, i32) {
    %c0_i32 = arith.constant 0 : i32
    %c0_i32_0 = arith.constant 0 : i32
    %c0_i32_1 = arith.constant 0 : i32
    return %c0_i32, %c0_i32_0 : i32, i32
  }
  func.func @transform_4(%arg0: i32) -> (i32, i32) {
    %c0_i32 = arith.constant 0 : i32
    %c0_i32_0 = arith.constant 0 : i32
    %c0_i32_1 = arith.constant 0 : i32
    return %c0_i32, %c0_i32_0 : i32, i32
  }
  func.func @transform_5(%arg0: i32) -> (i32, i32) {
    %add3A = arith.constant 5 : i32
    %add3A_0 = arith.addi %arg0, %add3A : i32
    %c0_i32 = arith.constant 0 : i32
    %c0_i32_1 = arith.constant 0 : i32
    return %c0_i32, %add3A_0 : i32, i32
  }
  func.func @transform_6(%arg0: i32) -> (i32, i32) {
    %add3A = arith.constant 5 : i32
    %add3A_0 = arith.addi %arg0, %add3A : i32
    %c0_i32 = arith.constant 0 : i32
    %c0_i32_1 = arith.constant 0 : i32
    return %c0_i32, %add3A_0 : i32, i32
  }
}

module attributes {stable_mosaic.version = 14 : i64} {
  func.func @_mlp_body(%arg0: i32, %arg1: memref<1792x512xf32, #tpu.memory_space<vmem>>, %arg2: memref<512x256xf32, #tpu.memory_space<vmem>>, %arg3: memref<256x64xf32, #tpu.memory_space<vmem>>, %arg4: memref<1x256xf32, #tpu.memory_space<vmem>>, %arg5: memref<64x1xf32, #tpu.memory_space<vmem>>, %arg6: memref<64x1792xf32, #tpu.memory_space<vmem>>) attributes {dimension_semantics = [#tpu.dimension_semantics<arbitrary>], iteration_bounds = array<i64: 5>, scalar_prefetch = 0 : i64, scratch_operands = 0 : i64, tpu.core_type = #tpu.core_type<tc>, window_params = [{transform_indices = @transform_0, window_bounds = array<i64: 1792, 512>}, {pipeline_mode = #tpu.pipeline_mode<synchronous>, transform_indices = @transform_1, window_bounds = array<i64: 512, 256>}, {pipeline_mode = #tpu.pipeline_mode<synchronous>, transform_indices = @transform_2, window_bounds = array<i64: 256, 64>}, {pipeline_mode = #tpu.pipeline_mode<synchronous>, transform_indices = @transform_3, window_bounds = array<i64: 1, 256>}, {pipeline_mode = #tpu.pipeline_mode<synchronous>, transform_indices = @transform_4, window_bounds = array<i64: 64, 1>}, {transform_indices = @transform_5, window_bounds = array<i64: 64, 1792>}]} {
    %get3A = arith.constant 0 : index
    %get3A_0 = arith.constant 0 : index
    %get3A_1 = vector.load %arg1[%get3A, %get3A_0] : memref<1792x512xf32, #tpu.memory_space<vmem>>, vector<1792x512xf32>
    %get3A_2 = arith.constant 0 : index
    %get3A_3 = arith.constant 0 : index
    %get3A_4 = vector.load %arg2[%get3A_2, %get3A_3] : memref<512x256xf32, #tpu.memory_space<vmem>>, vector<512x256xf32>
    %dot_general3A = arith.constant dense<0.000000e+00> : vector<1792x256xf32>
    %dot_general3A_5 = tpu.matmul %get3A_1, %get3A_4, %dot_general3A {dimension_numbers = #tpu.dot_dimension_numbers<[1], [0], [0], [1], [0, 0, 1, 1], [], []>, transpose_lhs_hint = false} : vector<1792x512xf32>, vector<512x256xf32>, vector<1792x256xf32> -> vector<1792x256xf32>
    %get3A_6 = arith.constant 0 : index
    %get3A_7 = arith.constant 0 : index
    %get3A_8 = vector.load %arg4[%get3A_6, %get3A_7] : memref<1x256xf32, #tpu.memory_space<vmem>>, vector<1x256xf32>
    %add3A = vector.broadcast %get3A_8 : vector<1x256xf32> to vector<1792x256xf32>
    %add3A_9 = arith.addf %dot_general3A_5, %add3A : vector<1792x256xf32>
    %max3A = arith.constant 0.000000e+00 : f32
    %max3A_10 = vector.broadcast %max3A : f32 to vector<1792x256xf32>
    %max3A_11 = arith.maximumf %add3A_9, %max3A_10 : vector<1792x256xf32>
    %get3A_12 = arith.constant 0 : index
    %get3A_13 = arith.constant 0 : index
    %get3A_14 = vector.load %arg3[%get3A_12, %get3A_13] : memref<256x64xf32, #tpu.memory_space<vmem>>, vector<256x64xf32>
    %dot_general3A_15 = arith.constant dense<0.000000e+00> : vector<64x1792xf32>
    %dot_general3A_16 = tpu.matmul %get3A_14, %max3A_11, %dot_general3A_15 {dimension_numbers = #tpu.dot_dimension_numbers<[0], [1], [1], [0], [0, 1, 1, 0], [], []>, transpose_lhs_hint = false} : vector<256x64xf32>, vector<1792x256xf32>, vector<64x1792xf32> -> vector<64x1792xf32>
    %get3A_17 = arith.constant 0 : index
    %get3A_18 = arith.constant 0 : index
    %get3A_19 = vector.load %arg5[%get3A_17, %get3A_18] : memref<64x1xf32, #tpu.memory_space<vmem>>, vector<64x1xf32>
    %add3A_20 = vector.broadcast %get3A_19 : vector<64x1xf32> to vector<64x1792xf32>
    %add3A_21 = arith.addf %dot_general3A_16, %add3A_20 : vector<64x1792xf32>
    %swap3A = arith.constant 0 : index
    %swap3A_22 = arith.constant 0 : index
    %swap3A_23 = vector.load %arg6[%swap3A, %swap3A_22] : memref<64x1792xf32, #tpu.memory_space<vmem>>, vector<64x1792xf32>
    tpu.vector_store %arg6[%swap3A, %swap3A_22], %add3A_21 {strides = array<i32>} : memref<64x1792xf32, #tpu.memory_space<vmem>>, vector<64x1792xf32>,
    return
  }
  func.func @transform_0(%arg0: i32) -> (i32, i32) {
    %c0_i32 = arith.constant 0 : i32
    %c0_i32_0 = arith.constant 0 : i32
    return %arg0, %c0_i32 : i32, i32
  }
  func.func @transform_1(%arg0: i32) -> (i32, i32) {
    %c0_i32 = arith.constant 0 : i32
    %c0_i32_0 = arith.constant 0 : i32
    %c0_i32_1 = arith.constant 0 : i32
    return %c0_i32, %c0_i32_0 : i32, i32
  }
  func.func @transform_2(%arg0: i32) -> (i32, i32) {
    %c0_i32 = arith.constant 0 : i32
    %c0_i32_0 = arith.constant 0 : i32
    %c0_i32_1 = arith.constant 0 : i32
    return %c0_i32, %c0_i32_0 : i32, i32
  }
  func.func @transform_3(%arg0: i32) -> (i32, i32) {
    %c0_i32 = arith.constant 0 : i32
    %c0_i32_0 = arith.constant 0 : i32
    %c0_i32_1 = arith.constant 0 : i32
    return %c0_i32, %c0_i32_0 : i32, i32
  }
  func.func @transform_4(%arg0: i32) -> (i32, i32) {
    %c0_i32 = arith.constant 0 : i32
    %c0_i32_0 = arith.constant 0 : i32
    %c0_i32_1 = arith.constant 0 : i32
    return %c0_i32, %c0_i32_0 : i32, i32
  }
  func.func @transform_5(%arg0: i32) -> (i32, i32) {
    %add3A = arith.constant 0 : i32
    %add3A_0 = arith.addi %arg0, %add3A : i32
    %c0_i32 = arith.constant 0 : i32
    %c0_i32_1 = arith.constant 0 : i32
    return %c0_i32, %add3A_0 : i32, i32
  }
}

module attributes {stable_mosaic.version = 14 : i64} {
  func.func @_mlp_body(%arg0: i32, %arg1: memref<1792x512xf32, #tpu.memory_space<vmem>>, %arg2: memref<512x256xf32, #tpu.memory_space<vmem>>, %arg3: memref<256x64xf32, #tpu.memory_space<vmem>>, %arg4: memref<1x256xf32, #tpu.memory_space<vmem>>, %arg5: memref<64x1xf32, #tpu.memory_space<vmem>>, %arg6: memref<64x1792xf32, #tpu.memory_space<vmem>>, %arg7: memref<64x1792xf32, #tpu.memory_space<vmem>>) attributes {dimension_semantics = [#tpu.dimension_semantics<arbitrary>], iteration_bounds = array<i64: 4>, scalar_prefetch = 0 : i64, scratch_operands = 0 : i64, tpu.core_type = #tpu.core_type<tc>, window_params = [{transform_indices = @transform_0, window_bounds = array<i64: 1792, 512>}, {pipeline_mode = #tpu.pipeline_mode<synchronous>, transform_indices = @transform_1, window_bounds = array<i64: 512, 256>}, {pipeline_mode = #tpu.pipeline_mode<synchronous>, transform_indices = @transform_2, window_bounds = array<i64: 256, 64>}, {pipeline_mode = #tpu.pipeline_mode<synchronous>, transform_indices = @transform_3, window_bounds = array<i64: 1, 256>}, {pipeline_mode = #tpu.pipeline_mode<synchronous>, transform_indices = @transform_4, window_bounds = array<i64: 64, 1>}, {transform_indices = @transform_5, window_bounds = array<i64: 64, 1792>}, {transform_indices = @transform_6, window_bounds = array<i64: 64, 1792>}]} {
    %get3A = arith.constant 0 : index
    %get3A_0 = arith.constant 0 : index
    %get3A_1 = vector.load %arg1[%get3A, %get3A_0] : memref<1792x512xf32, #tpu.memory_space<vmem>>, vector<1792x512xf32>
    %get3A_2 = arith.constant 0 : index
    %get3A_3 = arith.constant 0 : index
    %get3A_4 = vector.load %arg2[%get3A_2, %get3A_3] : memref<512x256xf32, #tpu.memory_space<vmem>>, vector<512x256xf32>
    %dot_general3A = arith.constant dense<0.000000e+00> : vector<1792x256xf32>
    %dot_general3A_5 = tpu.matmul %get3A_1, %get3A_4, %dot_general3A {dimension_numbers = #tpu.dot_dimension_numbers<[1], [0], [0], [1], [0, 0, 1, 1], [], []>, transpose_lhs_hint = false} : vector<1792x512xf32>, vector<512x256xf32>, vector<1792x256xf32> -> vector<1792x256xf32>
    %get3A_6 = arith.constant 0 : index
    %get3A_7 = arith.constant 0 : index
    %get3A_8 = vector.load %arg4[%get3A_6, %get3A_7] : memref<1x256xf32, #tpu.memory_space<vmem>>, vector<1x256xf32>
    %add3A = vector.broadcast %get3A_8 : vector<1x256xf32> to vector<1792x256xf32>
    %add3A_9 = arith.addf %dot_general3A_5, %add3A : vector<1792x256xf32>
    %max3A = arith.constant 0.000000e+00 : f32
    %max3A_10 = vector.broadcast %max3A : f32 to vector<1792x256xf32>
    %max3A_11 = arith.maximumf %add3A_9, %max3A_10 : vector<1792x256xf32>
    %get3A_12 = arith.constant 0 : index
    %get3A_13 = arith.constant 0 : index
    %get3A_14 = vector.load %arg3[%get3A_12, %get3A_13] : memref<256x64xf32, #tpu.memory_space<vmem>>, vector<256x64xf32>
    %dot_general3A_15 = arith.constant dense<0.000000e+00> : vector<64x1792xf32>
    %dot_general3A_16 = tpu.matmul %get3A_14, %max3A_11, %dot_general3A_15 {dimension_numbers = #tpu.dot_dimension_numbers<[0], [1], [1], [0], [0, 1, 1, 0], [], []>, transpose_lhs_hint = false} : vector<256x64xf32>, vector<1792x256xf32>, vector<64x1792xf32> -> vector<64x1792xf32>
    %get3A_17 = arith.constant 0 : index
    %get3A_18 = arith.constant 0 : index
    %get3A_19 = vector.load %arg5[%get3A_17, %get3A_18] : memref<64x1xf32, #tpu.memory_space<vmem>>, vector<64x1xf32>
    %add3A_20 = vector.broadcast %get3A_19 : vector<64x1xf32> to vector<64x1792xf32>
    %add3A_21 = arith.addf %dot_general3A_16, %add3A_20 : vector<64x1792xf32>
    %swap3A = arith.constant 0 : index
    %swap3A_22 = arith.constant 0 : index
    %swap3A_23 = vector.load %arg7[%swap3A, %swap3A_22] : memref<64x1792xf32, #tpu.memory_space<vmem>>, vector<64x1792xf32>
    tpu.vector_store %arg7[%swap3A, %swap3A_22], %add3A_21 {strides = array<i32>} : memref<64x1792xf32, #tpu.memory_space<vmem>>, vector<64x1792xf32>,
    return
  }
  func.func @transform_0(%arg0: i32) -> (i32, i32) {
    %c0_i32 = arith.constant 0 : i32
    %c0_i32_0 = arith.constant 0 : i32
    return %arg0, %c0_i32 : i32, i32
  }
  func.func @transform_1(%arg0: i32) -> (i32, i32) {
    %c0_i32 = arith.constant 0 : i32
    %c0_i32_0 = arith.constant 0 : i32
    %c0_i32_1 = arith.constant 0 : i32
    return %c0_i32, %c0_i32_0 : i32, i32
  }
  func.func @transform_2(%arg0: i32) -> (i32, i32) {
    %c0_i32 = arith.constant 0 : i32
    %c0_i32_0 = arith.constant 0 : i32
    %c0_i32_1 = arith.constant 0 : i32
    return %c0_i32, %c0_i32_0 : i32, i32
  }
  func.func @transform_3(%arg0: i32) -> (i32, i32) {
    %c0_i32 = arith.constant 0 : i32
    %c0_i32_0 = arith.constant 0 : i32
    %c0_i32_1 = arith.constant 0 : i32
    return %c0_i32, %c0_i32_0 : i32, i32
  }
  func.func @transform_4(%arg0: i32) -> (i32, i32) {
    %c0_i32 = arith.constant 0 : i32
    %c0_i32_0 = arith.constant 0 : i32
    %c0_i32_1 = arith.constant 0 : i32
    return %c0_i32, %c0_i32_0 : i32, i32
  }
  func.func @transform_5(%arg0: i32) -> (i32, i32) {
    %add3A = arith.constant 10 : i32
    %add3A_0 = arith.addi %arg0, %add3A : i32
    %c0_i32 = arith.constant 0 : i32
    %c0_i32_1 = arith.constant 0 : i32
    return %c0_i32, %add3A_0 : i32, i32
  }
  func.func @transform_6(%arg0: i32) -> (i32, i32) {
    %add3A = arith.constant 10 : i32
    %add3A_0 = arith.addi %arg0, %add3A : i32
    %c0_i32 = arith.constant 0 : i32
    %c0_i32_1 = arith.constant 0 : i32
    return %c0_i32, %add3A_0 : i32, i32
  }
}

</mosaic_0001>

<sc_bundles>
// kernel: kernel.11.cloned.1.call-start
scs
__scs_entry_jumppad:
0x0: {  	(pc) =	sbr.rel $0x88, $3  }
0x1: {  	(tag) =	ssettag $0x0;
	lr =	simm.s32 $0x1  }
0x2: {  	[smem:$0x3F9A] =	sst lr;
	_ =	strace $0xD0000000  }
0x3: {  	_ = 	snop  }
0x4: {  	_ = 	snop  }
0x5: {  	_ = 	snop  }
0x6: {  	_ = 	snop  }
0x7: {  	_ = 	snop  }
__scs_overlays_trampoline_lowered:
0x8: {  	[smem:$0x3FA9] =	sst s0  }
0x9: {  	[smem:$0x3FAA] =	sst s1  }
0xa: {  	[smem:$0x3FAB] =	sst s2  }
0xb: {  	[smem:$0x3FAC] =	sst s3  }
0xc: {  	[smem:$0x3FAD] =	sst s4  }
0xd: {  	[smem:$0x3FAE] =	sst s5  }
0xe: {  	[smem:$0x3FAF] =	sst s6  }
0xf: {  	[smem:$0x3FB0] =	sst s7  }
0x10: {  	[smem:$0x3FB1] =	sst s8  }
0x11: {  	[smem:$0x3FB2] =	sst s9;
	s0 =	simm.s32 @!p0 $0x0  }
0x12: {  	s1 =	sld [smem:$0x3F98];
	s0 =	simm.s32 @p0 $0x1  }
0x13: {  	[smem:$0x3FB3] =	sst s0;
	s0 =	simm.s32 @!p1 $0x0  }
0x14: {  	s2 =	sld [smem:$0x3F97];
	s0 =	simm.s32 @p1 $0x1  }
0x15: {  	[smem:$0x3FB4] =	sst s0;
	s0 =	simm.s32 @!p2 $0x0  }
0x16: {  	s3 =	sld [smem:$0x3FDB];
	s0 =	simm.s32 @p2 $0x1  }
0x17: {  	s4 =	simm.s32 $0x1BF5;
	[smem:$0x3FB6] =	sst s0  }
0x18: {  	s0 =	sld [smem:$0x3F99];
	_ =	swait.ge [sflag:s4], $0x0  }
0x19: {  	s7 =	sld [smem:$0x3F9A]  }
0x1a: {  	s8 =	sadd.s32 $0xFFFFE003, lr  }
0x1b: {  	s9 =	sadd.s32 $0xFFFFFEF7, lr;
	s5 =	simm.s32 $0xFFFFFFFF;
	p2 =	slt.u32 s8, $0xFFFFF086  }
0x1c: {  	p1 =	slt.u32 s9, $0xF7A;
	s5 =	simm.s32 @!p2 $0x0  }
0x1d: {  	s5 =	simm.s32 @p1 $0x1;
	p0 =	seq.s32 s7, s2  }
0x1e: {  	s7 =	smul.u32 @!p0 $0xF7A, s2;
	p2 =	seq.s32 @!p0 s5, $0x0  }
0x1f: {  	s9 =	smul.u32 $0xF7A, s1;
	s8 =	simm.s32 @!p0 $0x1BF5;
	p2 =	por !p2, p0  }
0x20: {  	[sflag:s8] =	ssyncset.s32 @!p0 $0xFFFFF086;
	s6 =	sadd.s32 @!p0 s3, s7;
	s7 =	simm.s32 @!p0 $0x108  }
0x21: {  	s3 =	sadd.s32 s3, s9;
	s6 =	sadd.s32 @!p0 $0x88, s6;
	s7 =	simm.s32 @p2 $0x1082  }
0x22: {  	[simem:s7], [sflag:s8] =	dma.local @!p0 [hbm:s6], $0xF7A  }
0x23: {  	s9 =	sor.u32 $0xD0000000, s2;
	s6 =	simm.s32 $0x108;
	_ =	swait.ge @!p0 [sflag:s8], $0x0  }
0x24: {  	s3 =	sadd.s32 $0x88, s3;
	s6 =	simm.s32 @!p1 $0x1082;
	[sflag:s4] =	ssyncset.s32 $0xFFFFF086  }
0x25: {  	[simem:s6], [sflag:s4] =	dma.local [hbm:s3], $0xF7A  }
0x26: {  	[smem:$0x3F9A] =	sst s1;
	(tag) =	ssettag s2;
	_ =	strace s9  }
0x27: {  	s1 =	sld [smem:$0x3FAA]  }
0x28: {  	s2 =	sld [smem:$0x3FAB]  }
0x29: {  	s4 =	sld [smem:$0x3FAD]  }
0x2a: {  	p0 =	seq.s32 s5, $0x0;
	s5 =	sld [smem:$0x3FAE]  }
0x2b: {  	s6 =	sld [smem:$0x3FAF]  }
0x2c: {  	s7 =	sld [smem:$0x3FB0]  }
0x2d: {  	s3 =	simm.s32 $0x108;
	s8 =	sld [smem:$0x3FB1]  }
0x2e: {  	s3 =	simm.s32 @!p0 $0x1082;
	s9 =	sld [smem:$0x3FB2]  }
0x2f: {  	lr =	sadd.s32 s0, s3;
	s0 =	sld [smem:$0x3FA9]  }
0x30: {  	s3 =	sld [smem:$0x3FAC]  }
0x31: {  	[smem:$0x3FB5] =	sst s10  }
0x32: {  	s10 =	sld [smem:$0x3FB3];
	_ =	sdelay $0x3  }
0x33: {  	p0 =	seq.s32 s10, $0x1;
	s10 =	sld [smem:$0x3FB5];
	_ =	sdelay $0x3  }
0x34: {  	[smem:$0x3FB5] =	sst s10  }
0x35: {  	s10 =	sld [smem:$0x3FB4];
	_ =	sdelay $0x3  }
0x36: {  	p1 =	seq.s32 s10, $0x1;
	s10 =	sld [smem:$0x3FB5];
	_ =	sdelay $0x3  }
0x37: {  	[smem:$0x3FB5] =	sst s10  }
0x38: {  	s10 =	sld [smem:$0x3FB6]  }
0x39: {  	_ = 	snop;
	(pc) =	sbr.ind lr, $3  }
0x3a: {  	_ = 	snop  }
0x3b: {  	_ = 	snop  }
0x3c: {  	p2 =	seq.s32 s10, $0x1;
	s10 =	sld [smem:$0x3FB5]  }
0x3d: {  	_ =	shalt  }
0x3e: {  	_ =	shalt  }
0x3f: {  	_ =	shalt  }
0x40: {  	_ =	shalt  }
0x41: {  	_ =	shalt  }
0x42: {  	_ =	shalt  }
0x43: {  	_ =	shalt  }
0x44: {  	_ =	shalt  }
0x45: {  	_ =	shalt  }
0x46: {  	_ =	shalt  }
0x47: {  	_ =	shalt  }
0x48: {  	_ =	shalt  }
0x49: {  	_ =	shalt  }
0x4a: {  	_ =	shalt  }
0x4b: {  	_ =	shalt  }
0x4c: {  	_ =	shalt  }
0x4d: {  	_ =	shalt  }
0x4e: {  	_ =	shalt  }
0x4f: {  	_ =	shalt  }
0x50: {  	_ =	shalt  }
0x51: {  	_ =	shalt  }
0x52: {  	_ =	shalt  }
0x53: {  	_ =	shalt  }
0x54: {  	_ =	shalt  }
0x55: {  	_ =	shalt  }
0x56: {  	_ =	shalt  }
0x57: {  	_ =	shalt  }
0x58: {  	_ =	shalt  }
0x59: {  	_ =	shalt  }
0x5a: {  	_ =	shalt  }
0x5b: {  	_ =	shalt  }
0x5c: {  	_ =	shalt  }
0x5d: {  	_ =	shalt  }
0x5e: {  	_ =	shalt  }
0x5f: {  	_ =	shalt  }
0x60: {  	_ =	shalt  }
0x61: {  	_ =	shalt  }
0x62: {  	_ =	shalt  }
0x63: {  	_ =	shalt  }
0x64: {  	_ =	shalt  }
0x65: {  	_ =	shalt  }
0x66: {  	_ =	shalt  }
0x67: {  	_ =	shalt  }
0x68: {  	_ =	shalt  }
0x69: {  	_ =	shalt  }
0x6a: {  	_ =	shalt  }
0x6b: {  	_ =	shalt  }
0x6c: {  	_ =	shalt  }
0x6d: {  	_ =	shalt  }
0x6e: {  	_ =	shalt  }
0x6f: {  	_ =	shalt  }
0x70: {  	_ =	shalt  }
0x71: {  	_ =	shalt  }
0x72: {  	_ =	shalt  }
0x73: {  	_ =	shalt  }
0x74: {  	_ =	shalt  }
0x75: {  	_ =	shalt  }
0x76: {  	_ =	shalt  }
0x77: {  	_ =	shalt  }
0x78: {  	_ =	shalt  }
0x79: {  	_ =	shalt  }
0x7a: {  	_ =	shalt  }
0x7b: {  	_ =	shalt  }
0x7c: {  	_ =	shalt  }
0x7d: {  	_ =	shalt  }
0x7e: {  	_ =	shalt  }
0x7f: {  	_ =	shalt  }
0x80: {  	_ =	shalt  }
0x81: {  	_ =	shalt  }
0x82: {  	_ =	shalt  }
0x83: {  	_ =	shalt  }
0x84: {  	_ =	shalt  }
0x85: {  	_ =	shalt  }
0x86: {  	_ =	shalt  }
0x87: {  	_ =	shalt  }
.Lfunc_end0:
.L_simem_size_0:
called_computation.1_lowered:
.L_overlay_start_0:
0x88: {  	s2 =	sld [smem:$0x3FD9]  }
0x89: {  	s3 =	sld [smem:$0x3FFE];
	_ =	sdelay $0x1  }
0x8a: {  	s1 =	srdreg.scid  }
0x8b: {  	s0 =	sand.u32 $0x1, s1  }
0x8c: {  	s17 =	sshll.u32 s0, $0xA;
	s2 =	sadd.s32 s3, s2  }
0x8d: {  	s2 =	sadd.s32 s2, s17  }
0x8e: {  	[smem:$0x3FC1] =	sst s2  }
0x8f: {  	_ = 	snop  }
0x90: {  	s18 =	sld [smem:$0x3FC9]  }
0x91: {  	s4 =	sld [smem:$0x3FC8];
	(tm) =	ssettm $0x1  }
0x92: {  	s19 =	sld [smem:$0x3FFB];
	_ =	sdelay $0x3  }
0x93: {  	_ =	strace s19  }
0x94: {  	s2 =	sld [smem:$0x3FFC];
	_ =	sdelay $0x3  }
0x95: {  	_ =	strace s2  }
0x96: {  	s2 =	sld [smem:$0x3FFD];
	_ =	sdelay $0x3  }
0x97: {  	_ =	strace s2  }
0x98: {  	_ =	strace $0x8FFFFFFF  }
0x99: {  	s20 =	sld [smem:$0x3FDB];
	_ =	sdelay $0x1  }
0x9a: {  	s5 =	simm.s32 $_scs_section_size  }
0x9b: {  	s6 =	simm.s32 $_size__tile_overlayer_lowered;
	s7 =	simm.s32 $_tile_overlayer_lowered  }
0x9c: {  	s8 =	simm.s32 $0x1BFF;
	s21 =	sshll.u32 s7, $0x1;
	s5 =	sadd.s32 s5, s20  }
0x9d: {  	s22 =	simm.s32 $0x0;
	s6 =	sshll.u32 s6, $0x1;
	s7 =	sadd.s32 s21, s5  }
0x9e: {  	[timem:s22], [sflag:s8] =	dma.local [hbm:s7], s6  }
0x9f: {  	_ =	swait.ge [sflag:s8], s6  }
0xa0: {  	s6 =	ssub.s32 $0x0, s6;
	[sflag:s8] =	ssyncset.done $0x0  }
0xa1: {  	[sflag:s8] =	ssyncadd.s32 s6;
	_ =	sdelay $0x1  }
0xa2: {  	s23 =	simm.s32 $0x1B8B  }
0xa3: {  	_ =	swait.ge [sflag:s23], $0x1  }
0xa4: {  	[sflag:s23] =	ssyncset.done $0x0  }
0xa5: {  	[sflag:s23] =	ssyncadd.s32 $0xFFFFFFFF  }
0xa6: {  	s6 =	sld [smem:$0x0]  }
0xa7: {  	s7 =	sand.u32 $0xFFFFFFFE, s1  }
0xa8: {  	p0 =	sne.s32 s1, s7  }
0xa9: {  	s7 =	sshll.u32 @p0 s7, $0xE  }
0xaa: {  	s7 =	sadd.s32 @p0 $0x11B8D, s7;
	s8 =	sshll.u32 @p0 s6, $0x11  }
0xab: {  	s7 =	sor.u32 @p0 s8, s7  }
0xac: {  	[sflag:s7] =	ssyncadd.remote.s32 @p0 $0x1;
	_ =	sdelay $0x1  }
0xad: {  	s7 =	simm.s32 @p0 $0x1B8D  }
0xae: {  	_ =	swait.eq @p0 [sflag:s7], $0x1  }
0xaf: {  	[sflag:s7] =	ssyncadd.s32 @p0 $0xFFFFFFFF  }
0xb0: {  	s8 =	sshll.u32 @!p0 s1, $0xE  }
0xb1: {  	s8 =	sor.u32 @!p0 $0x4000, s8;
	s7 =	simm.s32 @!p0 $0x1B8D  }
0xb2: {  	s6 =	sshll.u32 @!p0 s6, $0x11;
	s8 =	sadd.s32 @!p0 $0x11B8D, s8;
	_ =	swait.eq @!p0 [sflag:s7], $0x1  }
0xb3: {  	s6 =	sor.u32 @!p0 s6, s8;
	[sflag:s7] =	ssyncadd.s32 @!p0 $0xFFFFFFFF  }
0xb4: {  	s25 =	simm.s32 $0x1B8E;
	s24 =	sld [smem:$0x3FFE];
	[sflag:s6] =	ssyncadd.remote.s32 @!p0 $0x1  }
0xb5: {  	s26 =	simm.s32 $execute0_lowered;
	[smem:$0x3FD2] =	sst s25  }
0xb6: {  	s7 =	sshll.u32 s26, $0x1;
	_ =	strace $0x80000049;
	[dreg:$0x1] =	wrdreg $0xFFFFFFFF  }
0xb7: {  	s28 =	simm.s32 $_size_execute0_lowered;
	s5 =	sadd.s32 s5, s7;
	[dreg:$0x0] =	wrdreg $0x0  }
0xb8: {  	s7 =	sshll.u32 s28, $0x1;
	[dreg:$0x2] =	wrdreg s5  }
0xb9: {  	[dreg:$0x3] =	wrdreg s7  }
0xba: {  	[dreg:$0x4] =	wrdreg $0xC0  }
0xbb: {  	_ =	task [dreg:s22], $0x5FFFF  }
0xbc: {  	[dreg:$0x1] =	wrdreg $0xFFFFFFFF  }
0xbd: {  	[dreg:$0x0] =	wrdreg $0x60  }
0xbe: {  	[dreg:$0x2] =	wrdreg s18  }
0xbf: {  	[dreg:$0x3] =	wrdreg s4  }
0xc0: {  	[dreg:$0x4] =	wrdreg s24  }
0xc1: {  	[dreg:$0x5] =	wrdreg $0xA  }
0xc2: {  	_ =	task.clear_ibuf [dreg:s22], $0x6FFFF;
	_ =	strace $0x90000049  }
0xc3: {  	s29 =	simm.s32 $0xA;
	_ =	strace $0x8000004B  }
0xc4: {  	_ =	swait.ge [sflag:s29], $0x1  }
0xc5: {  	[sflag:s29] =	ssyncadd.s32 $0xFFFFFFFF  }
0xc6: {  	_ =	strace $0x9000004B  }
0xc7: {  	_ =	sfence  }
0xc8: {  	s30 =	sld [smem:$0x0];
	_ =	sdelay $0x2  }
0xc9: {  	s31 =	sshll.u32 s1, $0xD;
	s1 =	sshrl.u32 s1, $0x2  }
0xca: {  	s4 =	sand.u32 $0x4000, s31;
	s1 =	sadd.s32 s1, s30  }
0xcb: {  	s0 =	sor.u32 s4, s0;
	s1 =	sshll.u32 s1, $0x11  }
0xcc: {  	s0 =	sor.u32 s1, s0  }
0xcd: {  	s0 =	sadd.s32 $0x8F2B, s0  }
0xce: {  	[sflag:s0] =	ssyncadd.remote.s32 $0x1  }
0xcf: {  	_ =	sfence.sel $0xFFFF  }
0xd0: {  	[dreg:$0x0] =	wrdreg $0xFFFFFFFF;
	(pc) =	sbr.abs _section_cstart, $3  }
0xd1: {  	[dreg:$0x1] =	wrdreg $0xFFFFFFFF  }
0xd2: {  	_ =	task.clear_ibuf [dreg:s22], $0x2FFFF;
	_ =	strace $0x9FFFFFFF  }
0xd3: {  	(tm) =	ssettm $0x7FFFFFFF  }
tec
execute0_lowered:
.L_overlay_start_1:
0x0: {  	(tag) =	ssettag $0x1  }
0x1: {  	s2 =	rddreg [dreg:$0x0]  }
0x2: {  	s0 =	srdreg.scid;
	s3 =	rddreg [dreg:$0x1]  }
0x3: {  	s1 =	stileid.u32;
	s6 =	rddreg [dreg:$0x2]  }
0x4: {  	s4 =	simm.s32 $0x0;
	s0 =	sand.u32 $0x1, s0;
	s1 =	sshll.u32 s1, $0x1  }
0x5: {  	s14 =	simm.s32 $0x7180;
	s31 =	simm.s32 $0x2;
	s1 =	sor.u32 s0, s1  }
0x6: {  	s28 =	simm.s32 $0x4180;
	s29 =	simm.s32 $0x4980;
	s5 =	smul.u32 $0x23, s1  }
0x7: {  	s30 =	simm.s32 $0x5180;
	s8 =	simm.s32 $0x6180;
	s1 =	smul.u32 $0x23000, s1  }
0x8: {  	s7 =	simm.s32 $0x6980;
	s9 =	simm.s32 $0xA980;
	s10 =	simm.s32 $0xB180  }
0x9: {  	s11 =	simm.s32 $0xB980;
	s5 =	sadd.s32 s5, s6;
	s1 =	sshrl.u32 s1, $0x3  }
0xa: {  	[smem:$0x7FF] =	sst s4;
	s1 =	sadd.s32 s1, s6;
	s5 =	sadd.s32 $0x1E00, s5  }
0xb: {  	_ =	strace $0x8000004A;
	[dreg:$0x4] =	wrdreg s5;
	s17 =	sadd.s32 $0x8E400, s1  }
0xc: {  	s12 =	simm.s32 $0xC180;
	s18 =	sadd.s32 $0x8E500, s1;
	[dreg:$0x5] =	wrdreg s17  }
0xd: {  	s13 =	simm.s32 $0xC980;
	s19 =	sadd.s32 $0x8F200, s1;
	[dreg:$0x6] =	wrdreg s18  }
0xe: {  	s15 =	simm.s32 $0xD180;
	s20 =	sadd.s32 $0x8F300, s1;
	[dreg:$0x7] =	wrdreg s19  }
0xf: {  	s16 =	simm.s32 $0xD980;
	s21 =	sadd.s32 $0x90000, s1;
	[dreg:$0x8] =	wrdreg s20  }
0x10: {  	s0 =	ssub.s32 $0x2, s0;
	s22 =	sadd.s32 $0x90100, s1;
	[dreg:$0x9] =	wrdreg s21  }
0x11: {  	s25 =	sshrl.u32 s0, $0x1;
	s23 =	sadd.s32 $0x90E00, s1;
	[dreg:$0xa] =	wrdreg s22  }
0x12: {  	s0 =	ssub.s32 s0, s25;
	s24 =	sadd.s32 $0x90F00, s1;
	[dreg:$0xb] =	wrdreg s23  }
0x13: {  	s26 =	sadd.s32 $0x91C00, s1;
	s1 =	sadd.s32 $0x91D00, s1;
	[dreg:$0xc] =	wrdreg s24  }
0x14: {  	s5 =	smax.u32 s0, $0x1;
	s0 =	simm.s32 $0x3;
	[dreg:$0xd] =	wrdreg s26  }
0x15: {  	v2 =	vlaneseq.u32;
	[dreg:$0xe] =	wrdreg s1;
	s17 =	simm.s32 $0x180;
	s21 =	simm.s32 $0x1  }
0x16: {  	vm0 =	vmmov $0xffff;
	v1 =	vshrl.u32 v2, $0x3;
	s22 =	simm.s32 $0x800;
	s23 =	simm.s32 $0x1000;
	s18 =	simm.s32 $0x8980  }
0x17: {  	v0 =	vand.u32 $0x7, v2;
	v2 =	vor.u32 $0x8, v2;
	v1 =	vmul.u32 $0x8, v1;
	s19 =	simm.s32 $0x9180;
	s20 =	simm.s32 $0x9980;
	s24 =	simm.s32 $0xA180  }
.LBB2_1:
0x18: {  	s25 =	rddreg [dreg:$0x4];
	s6 =	simm.s32 $0x4  }
0x19: {  	[tilespmem:s4], [sflag:$0x4] =	stream.linear.gather [hbm4b:s25+s4], $0x118, $0x38;
	[tilespmem:$0xE180] =	vst v63  }
0x1a: {  	_ =	swait.ge [sflag:s6], $0x118  }
0x1b: {  	[sflag:s6] =	ssyncset.done $0x0  }
0x1c: {  	[sflag:s6] =	ssyncadd.s32 $0xFFFFFEE8  }
0x1d: {  	v3 =	vld [tilespmem:$0x0];
	_ =	sdelay $0x4  }
0x1e: {  	v4 =	vshll.u32 v3, $0x1  }
0x1f: {  	v3 =	vand.u32 $0x7, v3;
	v4 =	vand.u32 $0xFFFFFFF0, v4  }
0x20: {  	v3 =	vor.u32 v3, v4  }
0x21: {  	v4 =	vperm.xlane v3, v0;
	_ =	sdelay $0x1  }
0x22: {  	v3 =	vperm.xlane v3, v2;
	v4 =	vadd.s32 v1, v4;
	_ =	sdelay $0x1  }
0x23: {  	v3 =	vadd.s32 v1, v3;
	_ =	sdelay $0x2  }
0x24: {  	[tilespmem:s17], [sflag:$0x1] =	stream.indirect_vreg.gather [hbm4b:s2+s4], $0x80, v4, vm0, $0xb8;
	[tilespmem:$0xE180] =	vst v63  }
0x25: {  	s1 =	simm.s32 $0x980  }
0x26: {  	[tilespmem:s1], [sflag:$0x1] =	stream.indirect_vreg.gather [hbm4b:s2+s4], $0x80, v3, vm0, $0xb8;
	[tilespmem:$0xE180] =	vst v63  }
0x27: {  	v3 =	vld [tilespmem:$0x10];
	_ =	sdelay $0x4  }
0x28: {  	v25 =	vshll.u32 v3, $0x1  }
0x29: {  	v3 =	vand.u32 $0x7, v3;
	v4 =	vand.u32 $0xFFFFFFF0, v25  }
0x2a: {  	v3 =	vor.u32 v3, v4  }
0x2b: {  	v4 =	vperm.xlane v3, v0;
	_ =	sdelay $0x1  }
0x2c: {  	v3 =	vperm.xlane v3, v2;
	v4 =	vadd.s32 v1, v4;
	_ =	sdelay $0x1  }
0x2d: {  	v3 =	vadd.s32 v1, v3;
	_ =	sdelay $0x1  }
0x2e: {  	s26 =	simm.s32 $0x1180  }
0x2f: {  	[tilespmem:s26], [sflag:$0x1] =	stream.indirect_vreg.gather [hbm4b:s2+s4], $0x80, v4, vm0, $0xb8;
	[tilespmem:$0xE180] =	vst v63  }
0x30: {  	s6 =	simm.s32 $0x1980  }
0x31: {  	[tilespmem:s6], [sflag:$0x1] =	stream.indirect_vreg.gather [hbm4b:s2+s4], $0x80, v3, vm0, $0xb8;
	[tilespmem:$0xE180] =	vst v63  }
0x32: {  	v3 =	vld [tilespmem:$0x20];
	_ =	sdelay $0x4  }
0x33: {  	v26 =	vshll.u32 v3, $0x1  }
0x34: {  	v3 =	vand.u32 $0x7, v3;
	v4 =	vand.u32 $0xFFFFFFF0, v26  }
0x35: {  	v3 =	vor.u32 v3, v4  }
0x36: {  	v4 =	vperm.xlane v3, v0;
	_ =	sdelay $0x1  }
0x37: {  	v3 =	vperm.xlane v3, v2;
	v4 =	vadd.s32 v1, v4;
	_ =	sdelay $0x1  }
0x38: {  	v3 =	vadd.s32 v1, v3;
	_ =	sdelay $0x1  }
0x39: {  	s25 =	simm.s32 $0x2180  }
0x3a: {  	[tilespmem:s25], [sflag:$0x1] =	stream.indirect_vreg.gather [hbm4b:s2+s4], $0x80, v4, vm0, $0xb8;
	[tilespmem:$0xE180] =	vst v63  }
0x3b: {  	s26 =	simm.s32 $0x2980  }
0x3c: {  	[tilespmem:s26], [sflag:$0x1] =	stream.indirect_vreg.gather [hbm4b:s2+s4], $0x80, v3, vm0, $0xb8;
	[tilespmem:$0xE180] =	vst v63  }
0x3d: {  	v3 =	vld.msk [tilespmem:$0x30], $0xff;
	_ =	sdelay $0x4  }
0x3e: {  	v27 =	vshll.u32 v3, $0x1  }
0x3f: {  	v3 =	vand.u32 $0x7, v3;
	v4 =	vand.u32 $0xFFFFFFF0, v27  }
0x40: {  	v3 =	vor.u32 v3, v4  }
0x41: {  	v3 =	vperm.xlane v3, v0;
	_ =	sdelay $0x1  }
0x42: {  	v3 =	vadd.s32 v1, v3;
	_ =	sdelay $0x3  }
0x43: {  	s6 =	simm.s32 $0x3180  }
0x44: {  	[tilespmem:s6], [sflag:$0x1] =	stream.indirect_vreg.gather [hbm4b:s2+s4], $0x80, v3, vm0, $0xb8;
	[tilespmem:$0xE180] =	vst v63  }
0x45: {  	v3 =	vld [tilespmem:$0x0];
	_ =	sdelay $0x4  }
0x46: {  	v28 =	vshll.u32 v3, $0x1  }
0x47: {  	v3 =	vand.u32 $0x7, v3;
	v4 =	vand.u32 $0xFFFFFFF0, v28  }
0x48: {  	v3 =	vor.u32 v3, v4  }
0x49: {  	v4 =	vperm.xlane v3, v0;
	_ =	sdelay $0x1  }
0x4a: {  	v3 =	vperm.xlane v3, v2;
	v4 =	vadd.s32 v1, v4;
	_ =	sdelay $0x1  }
0x4b: {  	v3 =	vadd.s32 v1, v3;
	_ =	sdelay $0x2  }
0x4c: {  	[tilespmem:s14], [sflag:$0x1] =	stream.indirect_vreg.gather [hbm4b:s3+s4], $0x80, v4, vm0, $0xb8;
	[tilespmem:$0xE180] =	vst v63  }
0x4d: {  	s25 =	simm.s32 $0x7980  }
0x4e: {  	[tilespmem:s25], [sflag:$0x1] =	stream.indirect_vreg.gather [hbm4b:s3+s4], $0x80, v3, vm0, $0xb8;
	[tilespmem:$0xE180] =	vst v63  }
0x4f: {  	v3 =	vld [tilespmem:$0x10];
	_ =	sdelay $0x4  }
0x50: {  	v29 =	vshll.u32 v3, $0x1  }
0x51: {  	v3 =	vand.u32 $0x7, v3;
	v4 =	vand.u32 $0xFFFFFFF0, v29  }
0x52: {  	v3 =	vor.u32 v3, v4  }
0x53: {  	v4 =	vperm.xlane v3, v0;
	_ =	sdelay $0x1  }
0x54: {  	v3 =	vperm.xlane v3, v2;
	v4 =	vadd.s32 v1, v4;
	_ =	sdelay $0x1  }
0x55: {  	v3 =	vadd.s32 v1, v3;
	_ =	sdelay $0x1  }
0x56: {  	s26 =	simm.s32 $0x8180  }
0x57: {  	[tilespmem:s26], [sflag:$0x1] =	stream.indirect_vreg.gather [hbm4b:s3+s4], $0x80, v4, vm0, $0xb8;
	[tilespmem:$0xE180] =	vst v63  }
0x58: {  	_ = 	snop  }
0x59: {  	[tilespmem:s18], [sflag:$0x1] =	stream.indirect_vreg.gather [hbm4b:s3+s4], $0x80, v3, vm0, $0xb8;
	[tilespmem:$0xE180] =	vst v63  }
0x5a: {  	v3 =	vld [tilespmem:$0x20];
	_ =	sdelay $0x4  }
0x5b: {  	v30 =	vshll.u32 v3, $0x1  }
0x5c: {  	v3 =	vand.u32 $0x7, v3;
	v4 =	vand.u32 $0xFFFFFFF0, v30  }
0x5d: {  	v3 =	vor.u32 v3, v4  }
0x5e: {  	v4 =	vperm.xlane v3, v0;
	_ =	sdelay $0x1  }
0x5f: {  	v3 =	vperm.xlane v3, v2;
	v4 =	vadd.s32 v1, v4;
	_ =	sdelay $0x1  }
0x60: {  	v3 =	vadd.s32 v1, v3;
	_ =	sdelay $0x2  }
0x61: {  	[tilespmem:s19], [sflag:$0x1] =	stream.indirect_vreg.gather [hbm4b:s3+s4], $0x80, v4, vm0, $0xb8;
	[tilespmem:$0xE180] =	vst v63  }
0x62: {  	_ = 	snop  }
0x63: {  	[tilespmem:s20], [sflag:$0x1] =	stream.indirect_vreg.gather [hbm4b:s3+s4], $0x80, v3, vm0, $0xb8;
	[tilespmem:$0xE180] =	vst v63  }
0x64: {  	v3 =	vld.msk [tilespmem:$0x30], $0xff;
	_ =	sdelay $0x4  }
0x65: {  	v31 =	vshll.u32 v3, $0x1  }
0x66: {  	v3 =	vand.u32 $0x7, v3;
	v4 =	vand.u32 $0xFFFFFFF0, v31  }
0x67: {  	v3 =	vor.u32 v3, v4  }
0x68: {  	v3 =	vperm.xlane v3, v0;
	_ =	sdelay $0x1  }
0x69: {  	v3 =	vadd.s32 v1, v3;
	_ =	sdelay $0x4  }
0x6a: {  	[tilespmem:s24], [sflag:$0x1] =	stream.indirect_vreg.gather [hbm4b:s3+s4], $0x80, v3, vm0, $0xb8;
	[tilespmem:$0xE180] =	vst v63  }
0x6b: {  	_ =	swait.ge [sflag:s21], $0x3800  }
0x6c: {  	[sflag:s21] =	ssyncset.done $0x0  }
0x6d: {  	[sflag:s21] =	ssyncadd.s32 $0xFFFFC800  }
0x6e: {  	_ =	swait.ge [sflag:s21], $0x3800  }
0x6f: {  	[sflag:s21] =	ssyncset.done $0x0  }
0x70: {  	s6 =	rddreg [dreg:$0x5];
	[sflag:s21] =	ssyncadd.s32 $0xFFFFC800  }
0x71: {  	[hbm4b:s6+s22] =	stream.strided.scatter [tilespmem:s17], [sflag:$0x2], $0x3800, s23, s22, $0x38;
	[tilespmem:$0xE180] =	vst v63  }
0x72: {  	s26 =	rddreg [dreg:$0x6]  }
0x73: {  	[hbm4b:s26+s22] =	stream.strided.scatter [tilespmem:s14], [sflag:$0x2], $0x3800, s23, s22, $0x38;
	[tilespmem:$0xE180] =	vst v63  }
0x74: {  	v3 =	vld [tilespmem:$0x38];
	_ =	sdelay $0x4  }
0x75: {  	v32 =	vshll.u32 v3, $0x1  }
0x76: {  	v3 =	vand.u32 $0x7, v3;
	v4 =	vand.u32 $0xFFFFFFF0, v32  }
0x77: {  	v3 =	vor.u32 v3, v4  }
0x78: {  	v4 =	vperm.xlane v3, v0;
	_ =	sdelay $0x1  }
0x79: {  	v3 =	vperm.xlane v3, v2;
	v4 =	vadd.s32 v1, v4;
	_ =	sdelay $0x1  }
0x7a: {  	v3 =	vadd.s32 v1, v3;
	_ =	sdelay $0x1  }
0x7b: {  	s1 =	simm.s32 $0x3980  }
0x7c: {  	[tilespmem:s1], [sflag:$0x1] =	stream.indirect_vreg.gather [hbm4b:s2+s4], $0x80, v4, vm0, $0xb8;
	[tilespmem:$0xE180] =	vst v63  }
0x7d: {  	_ = 	snop  }
0x7e: {  	[tilespmem:s28], [sflag:$0x1] =	stream.indirect_vreg.gather [hbm4b:s2+s4], $0x80, v3, vm0, $0xb8;
	[tilespmem:$0xE180] =	vst v63  }
0x7f: {  	v3 =	vld [tilespmem:$0x48];
	_ =	sdelay $0x4  }
0x80: {  	v33 =	vshll.u32 v3, $0x1  }
0x81: {  	v3 =	vand.u32 $0x7, v3;
	v4 =	vand.u32 $0xFFFFFFF0, v33  }
0x82: {  	v3 =	vor.u32 v3, v4  }
0x83: {  	v4 =	vperm.xlane v3, v0;
	_ =	sdelay $0x1  }
0x84: {  	v3 =	vperm.xlane v3, v2;
	v4 =	vadd.s32 v1, v4;
	_ =	sdelay $0x1  }
0x85: {  	v3 =	vadd.s32 v1, v3;
	_ =	sdelay $0x2  }
0x86: {  	[tilespmem:s29], [sflag:$0x1] =	stream.indirect_vreg.gather [hbm4b:s2+s4], $0x80, v4, vm0, $0xb8;
	[tilespmem:$0xE180] =	vst v63  }
0x87: {  	_ = 	snop  }
0x88: {  	[tilespmem:s30], [sflag:$0x1] =	stream.indirect_vreg.gather [hbm4b:s2+s4], $0x80, v3, vm0, $0xb8;
	[tilespmem:$0xE180] =	vst v63  }
0x89: {  	v3 =	vld [tilespmem:$0x58];
	_ =	sdelay $0x4  }
0x8a: {  	v34 =	vshll.u32 v3, $0x1  }
0x8b: {  	v3 =	vand.u32 $0x7, v3;
	v4 =	vand.u32 $0xFFFFFFF0, v34  }
0x8c: {  	v3 =	vor.u32 v3, v4  }
0x8d: {  	v4 =	vperm.xlane v3, v0;
	_ =	sdelay $0x1  }
0x8e: {  	v3 =	vperm.xlane v3, v2;
	v4 =	vadd.s32 v1, v4;
	_ =	sdelay $0x1  }
0x8f: {  	v3 =	vadd.s32 v1, v3;
	_ =	sdelay $0x1  }
0x90: {  	s6 =	simm.s32 $0x5980  }
0x91: {  	[tilespmem:s6], [sflag:$0x1] =	stream.indirect_vreg.gather [hbm4b:s2+s4], $0x80, v4, vm0, $0xb8;
	[tilespmem:$0xE180] =	vst v63  }
0x92: {  	_ = 	snop  }
0x93: {  	[tilespmem:s8], [sflag:$0x1] =	stream.indirect_vreg.gather [hbm4b:s2+s4], $0x80, v3, vm0, $0xb8;
	[tilespmem:$0xE180] =	vst v63  }
0x94: {  	v3 =	vld.msk [tilespmem:$0x68], $0xff;
	_ =	sdelay $0x4  }
0x95: {  	v35 =	vshll.u32 v3, $0x1  }
0x96: {  	v3 =	vand.u32 $0x7, v3;
	v4 =	vand.u32 $0xFFFFFFF0, v35  }
0x97: {  	v3 =	vor.u32 v3, v4  }
0x98: {  	v3 =	vperm.xlane v3, v0;
	_ =	sdelay $0x1  }
0x99: {  	v3 =	vadd.s32 v1, v3;
	_ =	sdelay $0x4  }
0x9a: {  	[tilespmem:s7], [sflag:$0x1] =	stream.indirect_vreg.gather [hbm4b:s2+s4], $0x80, v3, vm0, $0xb8;
	[tilespmem:$0xE180] =	vst v63  }
0x9b: {  	v3 =	vld [tilespmem:$0x38];
	_ =	sdelay $0x4  }
0x9c: {  	v36 =	vshll.u32 v3, $0x1  }
0x9d: {  	v3 =	vand.u32 $0x7, v3;
	v4 =	vand.u32 $0xFFFFFFF0, v36  }
0x9e: {  	v3 =	vor.u32 v3, v4  }
0x9f: {  	v4 =	vperm.xlane v3, v0;
	_ =	sdelay $0x1  }
0xa0: {  	v3 =	vperm.xlane v3, v2;
	v4 =	vadd.s32 v1, v4;
	_ =	sdelay $0x1  }
0xa1: {  	v3 =	vadd.s32 v1, v3;
	_ =	sdelay $0x2  }
0xa2: {  	[tilespmem:s9], [sflag:$0x1] =	stream.indirect_vreg.gather [hbm4b:s3+s4], $0x80, v4, vm0, $0xb8;
	[tilespmem:$0xE180] =	vst v63  }
0xa3: {  	_ = 	snop  }
0xa4: {  	[tilespmem:s10], [sflag:$0x1] =	stream.indirect_vreg.gather [hbm4b:s3+s4], $0x80, v3, vm0, $0xb8;
	[tilespmem:$0xE180] =	vst v63  }
0xa5: {  	v3 =	vld [tilespmem:$0x48];
	_ =	sdelay $0x4  }
0xa6: {  	v37 =	vshll.u32 v3, $0x1  }
0xa7: {  	v3 =	vand.u32 $0x7, v3;
	v4 =	vand.u32 $0xFFFFFFF0, v37  }
0xa8: {  	v3 =	vor.u32 v3, v4  }
0xa9: {  	v4 =	vperm.xlane v3, v0;
	_ =	sdelay $0x1  }
0xaa: {  	v3 =	vperm.xlane v3, v2;
	v4 =	vadd.s32 v1, v4;
	_ =	sdelay $0x1  }
0xab: {  	v3 =	vadd.s32 v1, v3;
	_ =	sdelay $0x2  }
0xac: {  	[tilespmem:s11], [sflag:$0x1] =	stream.indirect_vreg.gather [hbm4b:s3+s4], $0x80, v4, vm0, $0xb8;
	[tilespmem:$0xE180] =	vst v63  }
0xad: {  	_ = 	snop  }
0xae: {  	[tilespmem:s12], [sflag:$0x1] =	stream.indirect_vreg.gather [hbm4b:s3+s4], $0x80, v3, vm0, $0xb8;
	[tilespmem:$0xE180] =	vst v63  }
0xaf: {  	v3 =	vld [tilespmem:$0x58];
	_ =	sdelay $0x4  }
0xb0: {  	v38 =	vshll.u32 v3, $0x1  }
0xb1: {  	v3 =	vand.u32 $0x7, v3;
	v4 =	vand.u32 $0xFFFFFFF0, v38  }
0xb2: {  	v3 =	vor.u32 v3, v4  }
0xb3: {  	v4 =	vperm.xlane v3, v0;
	_ =	sdelay $0x1  }
0xb4: {  	v3 =	vperm.xlane v3, v2;
	v4 =	vadd.s32 v1, v4;
	_ =	sdelay $0x1  }
0xb5: {  	v3 =	vadd.s32 v1, v3;
	_ =	sdelay $0x2  }
0xb6: {  	[tilespmem:s13], [sflag:$0x1] =	stream.indirect_vreg.gather [hbm4b:s3+s4], $0x80, v4, vm0, $0xb8;
	[tilespmem:$0xE180] =	vst v63  }
0xb7: {  	_ = 	snop  }
0xb8: {  	[tilespmem:s15], [sflag:$0x1] =	stream.indirect_vreg.gather [hbm4b:s3+s4], $0x80, v3, vm0, $0xb8;
	[tilespmem:$0xE180] =	vst v63  }
0xb9: {  	v3 =	vld.msk [tilespmem:$0x68], $0xff;
	_ =	sdelay $0x4  }
0xba: {  	v39 =	vshll.u32 v3, $0x1  }
0xbb: {  	v3 =	vand.u32 $0x7, v3;
	v4 =	vand.u32 $0xFFFFFFF0, v39  }
0xbc: {  	v3 =	vor.u32 v3, v4  }
0xbd: {  	v3 =	vperm.xlane v3, v0;
	_ =	sdelay $0x1  }
0xbe: {  	v3 =	vadd.s32 v1, v3;
	_ =	sdelay $0x4  }
0xbf: {  	[tilespmem:s16], [sflag:$0x1] =	stream.indirect_vreg.gather [hbm4b:s3+s4], $0x80, v3, vm0, $0xb8;
	[tilespmem:$0xE180] =	vst v63  }
0xc0: {  	_ =	swait.ge [sflag:s21], $0x3800  }
0xc1: {  	[sflag:s21] =	ssyncset.done $0x0  }
0xc2: {  	[sflag:s21] =	ssyncadd.s32 $0xFFFFC800  }
0xc3: {  	_ =	swait.ge [sflag:s21], $0x3800  }
0xc4: {  	[sflag:s21] =	ssyncset.done $0x0  }
0xc5: {  	s25 =	rddreg [dreg:$0x7];
	[sflag:s21] =	ssyncadd.s32 $0xFFFFC800  }
0xc6: {  	[hbm4b:s25+s22] =	stream.strided.scatter [tilespmem:s1], [sflag:$0x3], $0x3800, s23, s22, $0x38;
	[tilespmem:$0xE180] =	vst v63  }
0xc7: {  	s26 =	rddreg [dreg:$0x8]  }
0xc8: {  	[hbm4b:s26+s22] =	stream.strided.scatter [tilespmem:s9], [sflag:$0x3], $0x3800, s23, s22, $0x38;
	[tilespmem:$0xE180] =	vst v63  }
0xc9: {  	_ =	swait.ge [sflag:s31], $0x3800  }
0xca: {  	[sflag:s31] =	ssyncset.done $0x0  }
0xcb: {  	[sflag:s31] =	ssyncadd.s32 $0xFFFFC800  }
0xcc: {  	_ =	swait.ge [sflag:s31], $0x3800  }
0xcd: {  	[sflag:s31] =	ssyncset.done $0x0  }
0xce: {  	[sflag:s31] =	ssyncadd.s32 $0xFFFFC800  }
0xcf: {  	v3 =	vld [tilespmem:$0x70];
	_ =	sdelay $0x4  }
0xd0: {  	v40 =	vshll.u32 v3, $0x1  }
0xd1: {  	v3 =	vand.u32 $0x7, v3;
	v4 =	vand.u32 $0xFFFFFFF0, v40  }
0xd2: {  	v3 =	vor.u32 v3, v4  }
0xd3: {  	v4 =	vperm.xlane v3, v0;
	_ =	sdelay $0x1  }
0xd4: {  	v3 =	vperm.xlane v3, v2;
	v4 =	vadd.s32 v1, v4;
	_ =	sdelay $0x1  }
0xd5: {  	v3 =	vadd.s32 v1, v3;
	_ =	sdelay $0x2  }
0xd6: {  	[tilespmem:s17], [sflag:$0x1] =	stream.indirect_vreg.gather [hbm4b:s2+s4], $0x80, v4, vm0, $0xb8;
	[tilespmem:$0xE180] =	vst v63  }
0xd7: {  	s26 =	simm.s32 $0x980  }
0xd8: {  	[tilespmem:s26], [sflag:$0x1] =	stream.indirect_vreg.gather [hbm4b:s2+s4], $0x80, v3, vm0, $0xb8;
	[tilespmem:$0xE180] =	vst v63  }
0xd9: {  	v3 =	vld [tilespmem:$0x80];
	_ =	sdelay $0x4  }
0xda: {  	v41 =	vshll.u32 v3, $0x1  }
0xdb: {  	v3 =	vand.u32 $0x7, v3;
	v4 =	vand.u32 $0xFFFFFFF0, v41  }
0xdc: {  	v3 =	vor.u32 v3, v4  }
0xdd: {  	v4 =	vperm.xlane v3, v0;
	_ =	sdelay $0x1  }
0xde: {  	v3 =	vperm.xlane v3, v2;
	v4 =	vadd.s32 v1, v4;
	_ =	sdelay $0x1  }
0xdf: {  	v3 =	vadd.s32 v1, v3;
	_ =	sdelay $0x1  }
0xe0: {  	s26 =	simm.s32 $0x1180  }
0xe1: {  	[tilespmem:s26], [sflag:$0x1] =	stream.indirect_vreg.gather [hbm4b:s2+s4], $0x80, v4, vm0, $0xb8;
	[tilespmem:$0xE180] =	vst v63  }
0xe2: {  	s26 =	simm.s32 $0x1980  }
0xe3: {  	[tilespmem:s26], [sflag:$0x1] =	stream.indirect_vreg.gather [hbm4b:s2+s4], $0x80, v3, vm0, $0xb8;
	[tilespmem:$0xE180] =	vst v63  }
0xe4: {  	v3 =	vld [tilespmem:$0x90];
	_ =	sdelay $0x4  }
0xe5: {  	v42 =	vshll.u32 v3, $0x1  }
0xe6: {  	v3 =	vand.u32 $0x7, v3;
	v4 =	vand.u32 $0xFFFFFFF0, v42  }
0xe7: {  	v3 =	vor.u32 v3, v4  }
0xe8: {  	v4 =	vperm.xlane v3, v0;
	_ =	sdelay $0x1  }
0xe9: {  	v3 =	vperm.xlane v3, v2;
	v4 =	vadd.s32 v1, v4;
	_ =	sdelay $0x1  }
0xea: {  	v3 =	vadd.s32 v1, v3;
	_ =	sdelay $0x1  }
0xeb: {  	s26 =	simm.s32 $0x2180  }
0xec: {  	[tilespmem:s26], [sflag:$0x1] =	stream.indirect_vreg.gather [hbm4b:s2+s4], $0x80, v4, vm0, $0xb8;
	[tilespmem:$0xE180] =	vst v63  }
0xed: {  	s26 =	simm.s32 $0x2980  }
0xee: {  	[tilespmem:s26], [sflag:$0x1] =	stream.indirect_vreg.gather [hbm4b:s2+s4], $0x80, v3, vm0, $0xb8;
	[tilespmem:$0xE180] =	vst v63  }
0xef: {  	v3 =	vld.msk [tilespmem:$0xA0], $0xff;
	_ =	sdelay $0x4  }
0xf0: {  	v43 =	vshll.u32 v3, $0x1  }
0xf1: {  	v3 =	vand.u32 $0x7, v3;
	v4 =	vand.u32 $0xFFFFFFF0, v43  }
0xf2: {  	v3 =	vor.u32 v3, v4  }
0xf3: {  	v3 =	vperm.xlane v3, v0;
	_ =	sdelay $0x1  }
0xf4: {  	v3 =	vadd.s32 v1, v3;
	_ =	sdelay $0x3  }
0xf5: {  	s26 =	simm.s32 $0x3180  }
0xf6: {  	[tilespmem:s26], [sflag:$0x1] =	stream.indirect_vreg.gather [hbm4b:s2+s4], $0x80, v3, vm0, $0xb8;
	[tilespmem:$0xE180] =	vst v63  }
0xf7: {  	v3 =	vld [tilespmem:$0x70];
	_ =	sdelay $0x4  }
0xf8: {  	v44 =	vshll.u32 v3, $0x1  }
0xf9: {  	v3 =	vand.u32 $0x7, v3;
	v4 =	vand.u32 $0xFFFFFFF0, v44  }
0xfa: {  	v3 =	vor.u32 v3, v4  }
0xfb: {  	v4 =	vperm.xlane v3, v0;
	_ =	sdelay $0x1  }
0xfc: {  	v3 =	vperm.xlane v3, v2;
	v4 =	vadd.s32 v1, v4;
	_ =	sdelay $0x1  }
0xfd: {  	v3 =	vadd.s32 v1, v3;
	_ =	sdelay $0x2  }
0xfe: {  	[tilespmem:s14], [sflag:$0x1] =	stream.indirect_vreg.gather [hbm4b:s3+s4], $0x80, v4, vm0, $0xb8;
	[tilespmem:$0xE180] =	vst v63  }
0xff: {  	s26 =	simm.s32 $0x7980  }
0x100: {  	[tilespmem:s26], [sflag:$0x1] =	stream.indirect_vreg.gather [hbm4b:s3+s4], $0x80, v3, vm0, $0xb8;
	[tilespmem:$0xE180] =	vst v63  }
0x101: {  	v3 =	vld [tilespmem:$0x80];
	_ =	sdelay $0x4  }
0x102: {  	v45 =	vshll.u32 v3, $0x1  }
0x103: {  	v3 =	vand.u32 $0x7, v3;
	v4 =	vand.u32 $0xFFFFFFF0, v45  }
0x104: {  	v3 =	vor.u32 v3, v4  }
0x105: {  	v4 =	vperm.xlane v3, v0;
	_ =	sdelay $0x1  }
0x106: {  	v3 =	vperm.xlane v3, v2;
	v4 =	vadd.s32 v1, v4;
	_ =	sdelay $0x1  }
0x107: {  	v3 =	vadd.s32 v1, v3;
	_ =	sdelay $0x1  }
0x108: {  	s26 =	simm.s32 $0x8180  }
0x109: {  	[tilespmem:s26], [sflag:$0x1] =	stream.indirect_vreg.gather [hbm4b:s3+s4], $0x80, v4, vm0, $0xb8;
	[tilespmem:$0xE180] =	vst v63  }
0x10a: {  	_ = 	snop  }
0x10b: {  	[tilespmem:s18], [sflag:$0x1] =	stream.indirect_vreg.gather [hbm4b:s3+s4], $0x80, v3, vm0, $0xb8;
	[tilespmem:$0xE180] =	vst v63  }
0x10c: {  	v3 =	vld [tilespmem:$0x90];
	_ =	sdelay $0x4  }
0x10d: {  	v46 =	vshll.u32 v3, $0x1  }
0x10e: {  	v3 =	vand.u32 $0x7, v3;
	v4 =	vand.u32 $0xFFFFFFF0, v46  }
0x10f: {  	v3 =	vor.u32 v3, v4  }
0x110: {  	v4 =	vperm.xlane v3, v0;
	_ =	sdelay $0x1  }
0x111: {  	v3 =	vperm.xlane v3, v2;
	v4 =	vadd.s32 v1, v4;
	_ =	sdelay $0x1  }
0x112: {  	v3 =	vadd.s32 v1, v3;
	_ =	sdelay $0x2  }
0x113: {  	[tilespmem:s19], [sflag:$0x1] =	stream.indirect_vreg.gather [hbm4b:s3+s4], $0x80, v4, vm0, $0xb8;
	[tilespmem:$0xE180] =	vst v63  }
0x114: {  	_ = 	snop  }
0x115: {  	[tilespmem:s20], [sflag:$0x1] =	stream.indirect_vreg.gather [hbm4b:s3+s4], $0x80, v3, vm0, $0xb8;
	[tilespmem:$0xE180] =	vst v63  }
0x116: {  	v3 =	vld.msk [tilespmem:$0xA0], $0xff;
	_ =	sdelay $0x4  }
0x117: {  	v47 =	vshll.u32 v3, $0x1  }
0x118: {  	v3 =	vand.u32 $0x7, v3;
	v4 =	vand.u32 $0xFFFFFFF0, v47  }
0x119: {  	v3 =	vor.u32 v3, v4  }
0x11a: {  	v3 =	vperm.xlane v3, v0;
	_ =	sdelay $0x1  }
0x11b: {  	v3 =	vadd.s32 v1, v3;
	_ =	sdelay $0x4  }
0x11c: {  	[tilespmem:s24], [sflag:$0x1] =	stream.indirect_vreg.gather [hbm4b:s3+s4], $0x80, v3, vm0, $0xb8;
	[tilespmem:$0xE180] =	vst v63  }
0x11d: {  	_ =	swait.ge [sflag:s21], $0x3800  }
0x11e: {  	[sflag:s21] =	ssyncset.done $0x0  }
0x11f: {  	[sflag:s21] =	ssyncadd.s32 $0xFFFFC800  }
0x120: {  	_ =	swait.ge [sflag:s21], $0x3800  }
0x121: {  	[sflag:s21] =	ssyncset.done $0x0  }
0x122: {  	s25 =	rddreg [dreg:$0x9];
	[sflag:s21] =	ssyncadd.s32 $0xFFFFC800  }
0x123: {  	[hbm4b:s25+s22] =	stream.strided.scatter [tilespmem:s17], [sflag:$0x2], $0x3800, s23, s22, $0x38;
	[tilespmem:$0xE180] =	vst v63  }
0x124: {  	s26 =	rddreg [dreg:$0xa]  }
0x125: {  	[hbm4b:s26+s22] =	stream.strided.scatter [tilespmem:s14], [sflag:$0x2], $0x3800, s23, s22, $0x38;
	[tilespmem:$0xE180] =	vst v63  }
0x126: {  	_ =	swait.ge [sflag:s0], $0x3800  }
0x127: {  	[sflag:s0] =	ssyncset.done $0x0  }
0x128: {  	[sflag:s0] =	ssyncadd.s32 $0xFFFFC800  }
0x129: {  	_ =	swait.ge [sflag:s0], $0x3800  }
0x12a: {  	[sflag:s0] =	ssyncset.done $0x0  }
0x12b: {  	[sflag:s0] =	ssyncadd.s32 $0xFFFFC800  }
0x12c: {  	v3 =	vld [tilespmem:$0xA8];
	_ =	sdelay $0x4  }
0x12d: {  	v48 =	vshll.u32 v3, $0x1  }
0x12e: {  	v3 =	vand.u32 $0x7, v3;
	v4 =	vand.u32 $0xFFFFFFF0, v48  }
0x12f: {  	v3 =	vor.u32 v3, v4  }
0x130: {  	v4 =	vperm.xlane v3, v0;
	_ =	sdelay $0x1  }
0x131: {  	v3 =	vperm.xlane v3, v2;
	v4 =	vadd.s32 v1, v4;
	_ =	sdelay $0x1  }
0x132: {  	v3 =	vadd.s32 v1, v3;
	_ =	sdelay $0x2  }
0x133: {  	[tilespmem:s1], [sflag:$0x1] =	stream.indirect_vreg.gather [hbm4b:s2+s4], $0x80, v4, vm0, $0xb8;
	[tilespmem:$0xE180] =	vst v63  }
0x134: {  	_ = 	snop  }
0x135: {  	[tilespmem:s28], [sflag:$0x1] =	stream.indirect_vreg.gather [hbm4b:s2+s4], $0x80, v3, vm0, $0xb8;
	[tilespmem:$0xE180] =	vst v63  }
0x136: {  	v3 =	vld [tilespmem:$0xB8];
	_ =	sdelay $0x4  }
0x137: {  	v49 =	vshll.u32 v3, $0x1  }
0x138: {  	v3 =	vand.u32 $0x7, v3;
	v4 =	vand.u32 $0xFFFFFFF0, v49  }
0x139: {  	v3 =	vor.u32 v3, v4  }
0x13a: {  	v4 =	vperm.xlane v3, v0;
	_ =	sdelay $0x1  }
0x13b: {  	v3 =	vperm.xlane v3, v2;
	v4 =	vadd.s32 v1, v4;
	_ =	sdelay $0x1  }
0x13c: {  	v3 =	vadd.s32 v1, v3;
	_ =	sdelay $0x2  }
0x13d: {  	[tilespmem:s29], [sflag:$0x1] =	stream.indirect_vreg.gather [hbm4b:s2+s4], $0x80, v4, vm0, $0xb8;
	[tilespmem:$0xE180] =	vst v63  }
0x13e: {  	_ = 	snop  }
0x13f: {  	[tilespmem:s30], [sflag:$0x1] =	stream.indirect_vreg.gather [hbm4b:s2+s4], $0x80, v3, vm0, $0xb8;
	[tilespmem:$0xE180] =	vst v63  }
0x140: {  	v3 =	vld [tilespmem:$0xC8];
	_ =	sdelay $0x4  }
0x141: {  	v50 =	vshll.u32 v3, $0x1  }
0x142: {  	v3 =	vand.u32 $0x7, v3;
	v4 =	vand.u32 $0xFFFFFFF0, v50  }
0x143: {  	v3 =	vor.u32 v3, v4  }
0x144: {  	v4 =	vperm.xlane v3, v0;
	_ =	sdelay $0x1  }
0x145: {  	v3 =	vperm.xlane v3, v2;
	v4 =	vadd.s32 v1, v4;
	_ =	sdelay $0x1  }
0x146: {  	v3 =	vadd.s32 v1, v3;
	_ =	sdelay $0x2  }
0x147: {  	[tilespmem:s6], [sflag:$0x1] =	stream.indirect_vreg.gather [hbm4b:s2+s4], $0x80, v4, vm0, $0xb8;
	[tilespmem:$0xE180] =	vst v63  }
0x148: {  	_ = 	snop  }
0x149: {  	[tilespmem:s8], [sflag:$0x1] =	stream.indirect_vreg.gather [hbm4b:s2+s4], $0x80, v3, vm0, $0xb8;
	[tilespmem:$0xE180] =	vst v63  }
0x14a: {  	v3 =	vld.msk [tilespmem:$0xD8], $0xff;
	_ =	sdelay $0x4  }
0x14b: {  	v51 =	vshll.u32 v3, $0x1  }
0x14c: {  	v3 =	vand.u32 $0x7, v3;
	v4 =	vand.u32 $0xFFFFFFF0, v51  }
0x14d: {  	v3 =	vor.u32 v3, v4  }
0x14e: {  	v3 =	vperm.xlane v3, v0;
	_ =	sdelay $0x1  }
0x14f: {  	v3 =	vadd.s32 v1, v3;
	_ =	sdelay $0x4  }
0x150: {  	[tilespmem:s7], [sflag:$0x1] =	stream.indirect_vreg.gather [hbm4b:s2+s4], $0x80, v3, vm0, $0xb8;
	[tilespmem:$0xE180] =	vst v63  }
0x151: {  	v3 =	vld [tilespmem:$0xA8];
	_ =	sdelay $0x4  }
0x152: {  	v52 =	vshll.u32 v3, $0x1  }
0x153: {  	v3 =	vand.u32 $0x7, v3;
	v4 =	vand.u32 $0xFFFFFFF0, v52  }
0x154: {  	v3 =	vor.u32 v3, v4  }
0x155: {  	v4 =	vperm.xlane v3, v0;
	_ =	sdelay $0x1  }
0x156: {  	v3 =	vperm.xlane v3, v2;
	v4 =	vadd.s32 v1, v4;
	_ =	sdelay $0x1  }
0x157: {  	v3 =	vadd.s32 v1, v3;
	_ =	sdelay $0x2  }
0x158: {  	[tilespmem:s9], [sflag:$0x1] =	stream.indirect_vreg.gather [hbm4b:s3+s4], $0x80, v4, vm0, $0xb8;
	[tilespmem:$0xE180] =	vst v63  }
0x159: {  	_ = 	snop  }
0x15a: {  	[tilespmem:s10], [sflag:$0x1] =	stream.indirect_vreg.gather [hbm4b:s3+s4], $0x80, v3, vm0, $0xb8;
	[tilespmem:$0xE180] =	vst v63  }
0x15b: {  	v3 =	vld [tilespmem:$0xB8];
	_ =	sdelay $0x4  }
0x15c: {  	v53 =	vshll.u32 v3, $0x1  }
0x15d: {  	v3 =	vand.u32 $0x7, v3;
	v4 =	vand.u32 $0xFFFFFFF0, v53  }
0x15e: {  	v3 =	vor.u32 v3, v4  }
0x15f: {  	v4 =	vperm.xlane v3, v0;
	_ =	sdelay $0x1  }
0x160: {  	v3 =	vperm.xlane v3, v2;
	v4 =	vadd.s32 v1, v4;
	_ =	sdelay $0x1  }
0x161: {  	v3 =	vadd.s32 v1, v3;
	_ =	sdelay $0x2  }
0x162: {  	[tilespmem:s11], [sflag:$0x1] =	stream.indirect_vreg.gather [hbm4b:s3+s4], $0x80, v4, vm0, $0xb8;
	[tilespmem:$0xE180] =	vst v63  }
0x163: {  	_ = 	snop  }
0x164: {  	[tilespmem:s12], [sflag:$0x1] =	stream.indirect_vreg.gather [hbm4b:s3+s4], $0x80, v3, vm0, $0xb8;
	[tilespmem:$0xE180] =	vst v63  }
0x165: {  	v3 =	vld [tilespmem:$0xC8];
	_ =	sdelay $0x4  }
0x166: {  	v54 =	vshll.u32 v3, $0x1  }
0x167: {  	v3 =	vand.u32 $0x7, v3;
	v4 =	vand.u32 $0xFFFFFFF0, v54  }
0x168: {  	v3 =	vor.u32 v3, v4  }
0x169: {  	v4 =	vperm.xlane v3, v0;
	_ =	sdelay $0x1  }
0x16a: {  	v3 =	vperm.xlane v3, v2;
	v4 =	vadd.s32 v1, v4;
	_ =	sdelay $0x1  }
0x16b: {  	v3 =	vadd.s32 v1, v3;
	_ =	sdelay $0x2  }
0x16c: {  	[tilespmem:s13], [sflag:$0x1] =	stream.indirect_vreg.gather [hbm4b:s3+s4], $0x80, v4, vm0, $0xb8;
	[tilespmem:$0xE180] =	vst v63  }
0x16d: {  	_ = 	snop  }
0x16e: {  	[tilespmem:s15], [sflag:$0x1] =	stream.indirect_vreg.gather [hbm4b:s3+s4], $0x80, v3, vm0, $0xb8;
	[tilespmem:$0xE180] =	vst v63  }
0x16f: {  	v3 =	vld.msk [tilespmem:$0xD8], $0xff;
	_ =	sdelay $0x4  }
0x170: {  	v55 =	vshll.u32 v3, $0x1  }
0x171: {  	v3 =	vand.u32 $0x7, v3;
	v4 =	vand.u32 $0xFFFFFFF0, v55  }
0x172: {  	v3 =	vor.u32 v3, v4  }
0x173: {  	v3 =	vperm.xlane v3, v0;
	_ =	sdelay $0x1  }
0x174: {  	v3 =	vadd.s32 v1, v3;
	_ =	sdelay $0x4  }
0x175: {  	[tilespmem:s16], [sflag:$0x1] =	stream.indirect_vreg.gather [hbm4b:s3+s4], $0x80, v3, vm0, $0xb8;
	[tilespmem:$0xE180] =	vst v63  }
0x176: {  	_ =	swait.ge [sflag:s21], $0x3800  }
0x177: {  	[sflag:s21] =	ssyncset.done $0x0  }
0x178: {  	[sflag:s21] =	ssyncadd.s32 $0xFFFFC800  }
0x179: {  	_ =	swait.ge [sflag:s21], $0x3800  }
0x17a: {  	[sflag:s21] =	ssyncset.done $0x0  }
0x17b: {  	s26 =	rddreg [dreg:$0xb];
	[sflag:s21] =	ssyncadd.s32 $0xFFFFC800  }
0x17c: {  	[hbm4b:s26+s22] =	stream.strided.scatter [tilespmem:s1], [sflag:$0x3], $0x3800, s23, s22, $0x38;
	[tilespmem:$0xE180] =	vst v63  }
0x17d: {  	s6 =	rddreg [dreg:$0xc]  }
0x17e: {  	[hbm4b:s6+s22] =	stream.strided.scatter [tilespmem:s9], [sflag:$0x3], $0x3800, s23, s22, $0x38;
	[tilespmem:$0xE180] =	vst v63  }
0x17f: {  	_ =	swait.ge [sflag:s31], $0x3800  }
0x180: {  	[sflag:s31] =	ssyncset.done $0x0  }
0x181: {  	[sflag:s31] =	ssyncadd.s32 $0xFFFFC800  }
0x182: {  	_ =	swait.ge [sflag:s31], $0x3800  }
0x183: {  	[sflag:s31] =	ssyncset.done $0x0  }
0x184: {  	[sflag:s31] =	ssyncadd.s32 $0xFFFFC800  }
0x185: {  	v3 =	vld [tilespmem:$0xE0];
	_ =	sdelay $0x4  }
0x186: {  	v56 =	vshll.u32 v3, $0x1  }
0x187: {  	v3 =	vand.u32 $0x7, v3;
	v4 =	vand.u32 $0xFFFFFFF0, v56  }
0x188: {  	v3 =	vor.u32 v3, v4  }
0x189: {  	v4 =	vperm.xlane v3, v0;
	_ =	sdelay $0x1  }
0x18a: {  	v3 =	vperm.xlane v3, v2;
	v4 =	vadd.s32 v1, v4;
	_ =	sdelay $0x1  }
0x18b: {  	v3 =	vadd.s32 v1, v3;
	_ =	sdelay $0x2  }
0x18c: {  	[tilespmem:s17], [sflag:$0x1] =	stream.indirect_vreg.gather [hbm4b:s2+s4], $0x80, v4, vm0, $0xb8;
	[tilespmem:$0xE180] =	vst v63  }
0x18d: {  	s25 =	simm.s32 $0x980  }
0x18e: {  	[tilespmem:s25], [sflag:$0x1] =	stream.indirect_vreg.gather [hbm4b:s2+s4], $0x80, v3, vm0, $0xb8;
	[tilespmem:$0xE180] =	vst v63  }
0x18f: {  	v3 =	vld [tilespmem:$0xF0];
	_ =	sdelay $0x4  }
0x190: {  	v57 =	vshll.u32 v3, $0x1  }
0x191: {  	v3 =	vand.u32 $0x7, v3;
	v4 =	vand.u32 $0xFFFFFFF0, v57  }
0x192: {  	v3 =	vor.u32 v3, v4  }
0x193: {  	v4 =	vperm.xlane v3, v0;
	_ =	sdelay $0x1  }
0x194: {  	v3 =	vperm.xlane v3, v2;
	v4 =	vadd.s32 v1, v4;
	_ =	sdelay $0x1  }
0x195: {  	v3 =	vadd.s32 v1, v3;
	_ =	sdelay $0x1  }
0x196: {  	s26 =	simm.s32 $0x1180  }
0x197: {  	[tilespmem:s26], [sflag:$0x1] =	stream.indirect_vreg.gather [hbm4b:s2+s4], $0x80, v4, vm0, $0xb8;
	[tilespmem:$0xE180] =	vst v63  }
0x198: {  	s6 =	simm.s32 $0x1980  }
0x199: {  	[tilespmem:s6], [sflag:$0x1] =	stream.indirect_vreg.gather [hbm4b:s2+s4], $0x80, v3, vm0, $0xb8;
	[tilespmem:$0xE180] =	vst v63  }
0x19a: {  	v3 =	vld [tilespmem:$0x100];
	_ =	sdelay $0x4  }
0x19b: {  	v58 =	vshll.u32 v3, $0x1  }
0x19c: {  	v3 =	vand.u32 $0x7, v3;
	v4 =	vand.u32 $0xFFFFFFF0, v58  }
0x19d: {  	v3 =	vor.u32 v3, v4  }
0x19e: {  	v4 =	vperm.xlane v3, v0;
	_ =	sdelay $0x1  }
0x19f: {  	v3 =	vperm.xlane v3, v2;
	v4 =	vadd.s32 v1, v4;
	_ =	sdelay $0x1  }
0x1a0: {  	v3 =	vadd.s32 v1, v3;
	_ =	sdelay $0x1  }
0x1a1: {  	s25 =	simm.s32 $0x2180  }
0x1a2: {  	[tilespmem:s25], [sflag:$0x1] =	stream.indirect_vreg.gather [hbm4b:s2+s4], $0x80, v4, vm0, $0xb8;
	[tilespmem:$0xE180] =	vst v63  }
0x1a3: {  	s26 =	simm.s32 $0x2980  }
0x1a4: {  	[tilespmem:s26], [sflag:$0x1] =	stream.indirect_vreg.gather [hbm4b:s2+s4], $0x80, v3, vm0, $0xb8;
	[tilespmem:$0xE180] =	vst v63  }
0x1a5: {  	v3 =	vld.msk [tilespmem:$0x110], $0xff;
	_ =	sdelay $0x4  }
0x1a6: {  	v59 =	vshll.u32 v3, $0x1  }
0x1a7: {  	v3 =	vand.u32 $0x7, v3;
	v4 =	vand.u32 $0xFFFFFFF0, v59  }
0x1a8: {  	v3 =	vor.u32 v3, v4  }
0x1a9: {  	v3 =	vperm.xlane v3, v0;
	_ =	sdelay $0x1  }
0x1aa: {  	v3 =	vadd.s32 v1, v3;
	_ =	sdelay $0x3  }
0x1ab: {  	s6 =	simm.s32 $0x3180  }
0x1ac: {  	[tilespmem:s6], [sflag:$0x1] =	stream.indirect_vreg.gather [hbm4b:s2+s4], $0x80, v3, vm0, $0xb8;
	[tilespmem:$0xE180] =	vst v63  }
0x1ad: {  	v3 =	vld [tilespmem:$0xE0];
	_ =	sdelay $0x4  }
0x1ae: {  	v60 =	vshll.u32 v3, $0x1  }
0x1af: {  	v3 =	vand.u32 $0x7, v3;
	v4 =	vand.u32 $0xFFFFFFF0, v60  }
0x1b0: {  	v3 =	vor.u32 v3, v4  }
0x1b1: {  	v4 =	vperm.xlane v3, v0;
	_ =	sdelay $0x1  }
0x1b2: {  	v3 =	vperm.xlane v3, v2;
	v4 =	vadd.s32 v1, v4;
	_ =	sdelay $0x1  }
0x1b3: {  	v3 =	vadd.s32 v1, v3;
	_ =	sdelay $0x2  }
0x1b4: {  	[tilespmem:s14], [sflag:$0x1] =	stream.indirect_vreg.gather [hbm4b:s3+s4], $0x80, v4, vm0, $0xb8;
	[tilespmem:$0xE180] =	vst v63  }
0x1b5: {  	s25 =	simm.s32 $0x7980  }
0x1b6: {  	[tilespmem:s25], [sflag:$0x1] =	stream.indirect_vreg.gather [hbm4b:s3+s4], $0x80, v3, vm0, $0xb8;
	[tilespmem:$0xE180] =	vst v63  }
0x1b7: {  	v3 =	vld [tilespmem:$0xF0];
	_ =	sdelay $0x4  }
0x1b8: {  	v61 =	vshll.u32 v3, $0x1  }
0x1b9: {  	v3 =	vand.u32 $0x7, v3;
	v4 =	vand.u32 $0xFFFFFFF0, v61  }
0x1ba: {  	v3 =	vor.u32 v3, v4  }
0x1bb: {  	v4 =	vperm.xlane v3, v0;
	_ =	sdelay $0x1  }
0x1bc: {  	v3 =	vperm.xlane v3, v2;
	v4 =	vadd.s32 v1, v4;
	_ =	sdelay $0x1  }
0x1bd: {  	v3 =	vadd.s32 v1, v3;
	_ =	sdelay $0x1  }
0x1be: {  	s26 =	simm.s32 $0x8180  }
0x1bf: {  	[tilespmem:s26], [sflag:$0x1] =	stream.indirect_vreg.gather [hbm4b:s3+s4], $0x80, v4, vm0, $0xb8;
	[tilespmem:$0xE180] =	vst v63  }
0x1c0: {  	_ = 	snop  }
0x1c1: {  	[tilespmem:s18], [sflag:$0x1] =	stream.indirect_vreg.gather [hbm4b:s3+s4], $0x80, v3, vm0, $0xb8;
	[tilespmem:$0xE180] =	vst v63  }
0x1c2: {  	v3 =	vld [tilespmem:$0x100];
	_ =	sdelay $0x4  }
0x1c3: {  	v62 =	vshll.u32 v3, $0x1  }
0x1c4: {  	v3 =	vand.u32 $0x7, v3;
	v4 =	vand.u32 $0xFFFFFFF0, v62  }
0x1c5: {  	v3 =	vor.u32 v3, v4  }
0x1c6: {  	v4 =	vperm.xlane v3, v0;
	_ =	sdelay $0x1  }
0x1c7: {  	v3 =	vperm.xlane v3, v2;
	v4 =	vadd.s32 v1, v4;
	_ =	sdelay $0x1  }
0x1c8: {  	v3 =	vadd.s32 v1, v3;
	_ =	sdelay $0x2  }
0x1c9: {  	[tilespmem:s19], [sflag:$0x1] =	stream.indirect_vreg.gather [hbm4b:s3+s4], $0x80, v4, vm0, $0xb8;
	[tilespmem:$0xE180] =	vst v63  }
0x1ca: {  	_ = 	snop  }
0x1cb: {  	[tilespmem:s20], [sflag:$0x1] =	stream.indirect_vreg.gather [hbm4b:s3+s4], $0x80, v3, vm0, $0xb8;
	[tilespmem:$0xE180] =	vst v63  }
0x1cc: {  	v3 =	vld.msk [tilespmem:$0x110], $0xff;
	_ =	sdelay $0x4  }
0x1cd: {  	v63 =	vshll.u32 v3, $0x1  }
0x1ce: {  	v3 =	vand.u32 $0x7, v3;
	v4 =	vand.u32 $0xFFFFFFF0, v63  }
0x1cf: {  	v3 =	vor.u32 v3, v4  }
0x1d0: {  	v3 =	vperm.xlane v3, v0;
	_ =	sdelay $0x1  }
0x1d1: {  	v3 =	vadd.s32 v1, v3;
	_ =	sdelay $0x4  }
0x1d2: {  	[tilespmem:s24], [sflag:$0x1] =	stream.indirect_vreg.gather [hbm4b:s3+s4], $0x80, v3, vm0, $0xb8;
	[tilespmem:$0xE180] =	vst v63  }
0x1d3: {  	_ =	swait.ge [sflag:s21], $0x3800  }
0x1d4: {  	[sflag:s21] =	ssyncset.done $0x0  }
0x1d5: {  	[sflag:s21] =	ssyncadd.s32 $0xFFFFC800  }
0x1d6: {  	_ =	swait.ge [sflag:s21], $0x3800  }
0x1d7: {  	[sflag:s21] =	ssyncset.done $0x0  }
0x1d8: {  	s1 =	rddreg [dreg:$0xd];
	[sflag:s21] =	ssyncadd.s32 $0xFFFFC800  }
0x1d9: {  	[hbm4b:s1+s22] =	stream.strided.scatter [tilespmem:s17], [sflag:$0x2], $0x3800, s23, s22, $0x38;
	[tilespmem:$0xE180] =	vst v63  }
0x1da: {  	s6 =	rddreg [dreg:$0xe]  }
0x1db: {  	[hbm4b:s6+s22] =	stream.strided.scatter [tilespmem:s14], [sflag:$0x2], $0x3800, s23, s22, $0x38;
	[tilespmem:$0xE180] =	vst v63  }
0x1dc: {  	_ =	swait.ge [sflag:s0], $0x3800  }
0x1dd: {  	[sflag:s0] =	ssyncset.done $0x0  }
0x1de: {  	[sflag:s0] =	ssyncadd.s32 $0xFFFFC800  }
0x1df: {  	_ =	swait.ge [sflag:s0], $0x3800  }
0x1e0: {  	[sflag:s0] =	ssyncset.done $0x0  }
0x1e1: {  	[sflag:s0] =	ssyncadd.s32 $0xFFFFC800  }
0x1e2: {  	p0 =	sne.s32 s5, $0x1;
	_ =	swait.ge [sflag:s31], $0x3800  }
.Ltmp0:
0x1e3: {  	[sflag:s31] =	ssyncset.done $0x0;
	(pc) =	sbr.rel @p0 .LBB2_1-.Ltmp0, $4  }
0x1e4: {  	[sflag:s31] =	ssyncadd.s32 $0xFFFFC800  }
0x1e5: {  	_ =	swait.ge [sflag:s31], $0x3800  }
0x1e6: {  	[sflag:s31] =	ssyncset.done $0x0  }
0x1e7: {  	s5 =	sadd.s32 $0xFFFFFFFF, s5;
	[sflag:s31] =	ssyncadd.s32 $0xFFFFC800  }
0x1e8: {  	_ =	sfence.sel $0x180000  }
0x1e9: {  	[bflag:$0x0] =	sbarrier.arrive $0xFFFF  }
0x1ea: {  	_ =	strace $0x9000004A  }
0x1eb: {  	s0 =	stileid.u32;
	[bflag:$0x2] =	sbarrier.arrive $0xFFFF  }
0x1ec: {  	p0 =	sne.s32 s0, $0x0;
	s0 =	rddreg [dreg:$0x3]  }
0x1ed: {  	s0 =	sadd.s32 @!p0 $0x100000, s0  }
0x1ee: {  	[sflag:s0] =	ssyncadd.tile.s32 @!p0 $0x1;
	_ =	shalt  }
.Lfunc_end2:
_tile_overlayer_lowered:
.L_overlay_start_2:
0x1ef: {  	(tag) =	ssettag $0x2  }
0x1f0: {  	s0 =	rddreg [dreg:$0x0];
	s2 =	stileid.u32  }
0x1f1: {  	s1 =	rddreg [dreg:$0x1];
	p0 =	sne.s32 s2, $0x0  }
0x1f2: {  	s3 =	rddreg [dreg:$0x2];
	[bflag:$0x3] =	sbarrier.arrive $0xFFFF;
	s2 =	simm.s32 @!p0 $0x1C04  }
0x1f3: {  	[timem:s3], [sflag:s2] =	dma.local @!p0 [hbm:s0], s1  }
0x1f4: {  	s0 =	simm.s32 @!p0 $0x4  }
0x1f5: {  	_ =	swait.ge @!p0 [sflag:s0], s1  }
0x1f6: {  	s1 =	ssub.s32 @!p0 $0x0, s1;
	[sflag:s0] =	ssyncset.done @!p0 $0x0  }
0x1f7: {  	[sflag:s0] =	ssyncadd.s32 @!p0 s1  }
0x1f8: {  	[bflag:$0x3] =	sbarrier.arrive $0xFFFF  }
0x1f9: {  	_ =	shalt  }

// kernel: kernel.14.cloned.1.call-start
scs
__scs_entry_jumppad:
0x0: {  	(pc) =	sbr.rel $0x88, $3  }
0x1: {  	(tag) =	ssettag $0x0;
	lr =	simm.s32 $0x1  }
0x2: {  	[smem:$0x3F9A] =	sst lr;
	_ =	strace $0xD0000000  }
0x3: {  	_ = 	snop  }
0x4: {  	_ = 	snop  }
0x5: {  	_ = 	snop  }
0x6: {  	_ = 	snop  }
0x7: {  	_ = 	snop  }
__scs_overlays_trampoline_lowered:
0x8: {  	[smem:$0x3FA9] =	sst s0  }
0x9: {  	[smem:$0x3FAA] =	sst s1  }
0xa: {  	[smem:$0x3FAB] =	sst s2  }
0xb: {  	[smem:$0x3FAC] =	sst s3  }
0xc: {  	[smem:$0x3FAD] =	sst s4  }
0xd: {  	[smem:$0x3FAE] =	sst s5  }
0xe: {  	[smem:$0x3FAF] =	sst s6  }
0xf: {  	[smem:$0x3FB0] =	sst s7  }
0x10: {  	[smem:$0x3FB1] =	sst s8  }
0x11: {  	[smem:$0x3FB2] =	sst s9;
	s0 =	simm.s32 @!p0 $0x0  }
0x12: {  	s1 =	sld [smem:$0x3F98];
	s0 =	simm.s32 @p0 $0x1  }
0x13: {  	[smem:$0x3FB3] =	sst s0;
	s0 =	simm.s32 @!p1 $0x0  }
0x14: {  	s2 =	sld [smem:$0x3F97];
	s0 =	simm.s32 @p1 $0x1  }
0x15: {  	[smem:$0x3FB4] =	sst s0;
	s0 =	simm.s32 @!p2 $0x0  }
0x16: {  	s3 =	sld [smem:$0x3FDB];
	s0 =	simm.s32 @p2 $0x1  }
0x17: {  	s4 =	simm.s32 $0x1BF5;
	[smem:$0x3FB6] =	sst s0  }
0x18: {  	s0 =	sld [smem:$0x3F99];
	_ =	swait.ge [sflag:s4], $0x0  }
0x19: {  	s7 =	sld [smem:$0x3F9A]  }
0x1a: {  	s8 =	sadd.s32 $0xFFFFE003, lr  }
0x1b: {  	s9 =	sadd.s32 $0xFFFFFEF7, lr;
	s5 =	simm.s32 $0xFFFFFFFF;
	p2 =	slt.u32 s8, $0xFFFFF086  }
0x1c: {  	p1 =	slt.u32 s9, $0xF7A;
	s5 =	simm.s32 @!p2 $0x0  }
0x1d: {  	s5 =	simm.s32 @p1 $0x1;
	p0 =	seq.s32 s7, s2  }
0x1e: {  	s7 =	smul.u32 @!p0 $0xF7A, s2;
	p2 =	seq.s32 @!p0 s5, $0x0  }
0x1f: {  	s9 =	smul.u32 $0xF7A, s1;
	s8 =	simm.s32 @!p0 $0x1BF5;
	p2 =	por !p2, p0  }
0x20: {  	[sflag:s8] =	ssyncset.s32 @!p0 $0xFFFFF086;
	s6 =	sadd.s32 @!p0 s3, s7;
	s7 =	simm.s32 @!p0 $0x108  }
0x21: {  	s3 =	sadd.s32 s3, s9;
	s6 =	sadd.s32 @!p0 $0x88, s6;
	s7 =	simm.s32 @p2 $0x1082  }
0x22: {  	[simem:s7], [sflag:s8] =	dma.local @!p0 [hbm:s6], $0xF7A  }
0x23: {  	s9 =	sor.u32 $0xD0000000, s2;
	s6 =	simm.s32 $0x108;
	_ =	swait.ge @!p0 [sflag:s8], $0x0  }
0x24: {  	s3 =	sadd.s32 $0x88, s3;
	s6 =	simm.s32 @!p1 $0x1082;
	[sflag:s4] =	ssyncset.s32 $0xFFFFF086  }
0x25: {  	[simem:s6], [sflag:s4] =	dma.local [hbm:s3], $0xF7A  }
0x26: {  	[smem:$0x3F9A] =	sst s1;
	(tag) =	ssettag s2;
	_ =	strace s9  }
0x27: {  	s1 =	sld [smem:$0x3FAA]  }
0x28: {  	s2 =	sld [smem:$0x3FAB]  }
0x29: {  	s4 =	sld [smem:$0x3FAD]  }
0x2a: {  	p0 =	seq.s32 s5, $0x0;
	s5 =	sld [smem:$0x3FAE]  }
0x2b: {  	s6 =	sld [smem:$0x3FAF]  }
0x2c: {  	s7 =	sld [smem:$0x3FB0]  }
0x2d: {  	s3 =	simm.s32 $0x108;
	s8 =	sld [smem:$0x3FB1]  }
0x2e: {  	s3 =	simm.s32 @!p0 $0x1082;
	s9 =	sld [smem:$0x3FB2]  }
0x2f: {  	lr =	sadd.s32 s0, s3;
	s0 =	sld [smem:$0x3FA9]  }
0x30: {  	s3 =	sld [smem:$0x3FAC]  }
0x31: {  	[smem:$0x3FB5] =	sst s10  }
0x32: {  	s10 =	sld [smem:$0x3FB3];
	_ =	sdelay $0x3  }
0x33: {  	p0 =	seq.s32 s10, $0x1;
	s10 =	sld [smem:$0x3FB5];
	_ =	sdelay $0x3  }
0x34: {  	[smem:$0x3FB5] =	sst s10  }
0x35: {  	s10 =	sld [smem:$0x3FB4];
	_ =	sdelay $0x3  }
0x36: {  	p1 =	seq.s32 s10, $0x1;
	s10 =	sld [smem:$0x3FB5];
	_ =	sdelay $0x3  }
0x37: {  	[smem:$0x3FB5] =	sst s10  }
0x38: {  	s10 =	sld [smem:$0x3FB6]  }
0x39: {  	_ = 	snop;
	(pc) =	sbr.ind lr, $3  }
0x3a: {  	_ = 	snop  }
0x3b: {  	_ = 	snop  }
0x3c: {  	p2 =	seq.s32 s10, $0x1;
	s10 =	sld [smem:$0x3FB5]  }
0x3d: {  	_ =	shalt  }
0x3e: {  	_ =	shalt  }
0x3f: {  	_ =	shalt  }
0x40: {  	_ =	shalt  }
0x41: {  	_ =	shalt  }
0x42: {  	_ =	shalt  }
0x43: {  	_ =	shalt  }
0x44: {  	_ =	shalt  }
0x45: {  	_ =	shalt  }
0x46: {  	_ =	shalt  }
0x47: {  	_ =	shalt  }
0x48: {  	_ =	shalt  }
0x49: {  	_ =	shalt  }
0x4a: {  	_ =	shalt  }
0x4b: {  	_ =	shalt  }
0x4c: {  	_ =	shalt  }
0x4d: {  	_ =	shalt  }
0x4e: {  	_ =	shalt  }
0x4f: {  	_ =	shalt  }
0x50: {  	_ =	shalt  }
0x51: {  	_ =	shalt  }
0x52: {  	_ =	shalt  }
0x53: {  	_ =	shalt  }
0x54: {  	_ =	shalt  }
0x55: {  	_ =	shalt  }
0x56: {  	_ =	shalt  }
0x57: {  	_ =	shalt  }
0x58: {  	_ =	shalt  }
0x59: {  	_ =	shalt  }
0x5a: {  	_ =	shalt  }
0x5b: {  	_ =	shalt  }
0x5c: {  	_ =	shalt  }
0x5d: {  	_ =	shalt  }
0x5e: {  	_ =	shalt  }
0x5f: {  	_ =	shalt  }
0x60: {  	_ =	shalt  }
0x61: {  	_ =	shalt  }
0x62: {  	_ =	shalt  }
0x63: {  	_ =	shalt  }
0x64: {  	_ =	shalt  }
0x65: {  	_ =	shalt  }
0x66: {  	_ =	shalt  }
0x67: {  	_ =	shalt  }
0x68: {  	_ =	shalt  }
0x69: {  	_ =	shalt  }
0x6a: {  	_ =	shalt  }
0x6b: {  	_ =	shalt  }
0x6c: {  	_ =	shalt  }
0x6d: {  	_ =	shalt  }
0x6e: {  	_ =	shalt  }
0x6f: {  	_ =	shalt  }
0x70: {  	_ =	shalt  }
0x71: {  	_ =	shalt  }
0x72: {  	_ =	shalt  }
0x73: {  	_ =	shalt  }
0x74: {  	_ =	shalt  }
0x75: {  	_ =	shalt  }
0x76: {  	_ =	shalt  }
0x77: {  	_ =	shalt  }
0x78: {  	_ =	shalt  }
0x79: {  	_ =	shalt  }
0x7a: {  	_ =	shalt  }
0x7b: {  	_ =	shalt  }
0x7c: {  	_ =	shalt  }
0x7d: {  	_ =	shalt  }
0x7e: {  	_ =	shalt  }
0x7f: {  	_ =	shalt  }
0x80: {  	_ =	shalt  }
0x81: {  	_ =	shalt  }
0x82: {  	_ =	shalt  }
0x83: {  	_ =	shalt  }
0x84: {  	_ =	shalt  }
0x85: {  	_ =	shalt  }
0x86: {  	_ =	shalt  }
0x87: {  	_ =	shalt  }
.Lfunc_end0:
.L_simem_size_0:
called_computation.2_lowered:
.L_overlay_start_0:
0x88: {  	s2 =	sld [smem:$0x3FD9]  }
0x89: {  	s3 =	sld [smem:$0x3FFE];
	_ =	sdelay $0x1  }
0x8a: {  	s1 =	srdreg.scid  }
0x8b: {  	s0 =	sand.u32 $0x1, s1  }
0x8c: {  	s17 =	sshll.u32 s0, $0xA;
	s2 =	sadd.s32 s3, s2  }
0x8d: {  	s2 =	sadd.s32 s2, s17  }
0x8e: {  	[smem:$0x3FC1] =	sst s2  }
0x8f: {  	_ = 	snop  }
0x90: {  	s18 =	sld [smem:$0x3FC9]  }
0x91: {  	s4 =	sld [smem:$0x3FC8];
	(tm) =	ssettm $0x1  }
0x92: {  	s19 =	sld [smem:$0x3FFB];
	_ =	sdelay $0x3  }
0x93: {  	_ =	strace s19  }
0x94: {  	s2 =	sld [smem:$0x3FFC];
	_ =	sdelay $0x3  }
0x95: {  	_ =	strace s2  }
0x96: {  	s2 =	sld [smem:$0x3FFD];
	_ =	sdelay $0x3  }
0x97: {  	_ =	strace s2  }
0x98: {  	_ =	strace $0x8FFFFFFF  }
0x99: {  	s20 =	sld [smem:$0x3FDB];
	_ =	sdelay $0x1  }
0x9a: {  	s5 =	simm.s32 $_scs_section_size  }
0x9b: {  	s6 =	simm.s32 $_size__tile_overlayer_lowered;
	s7 =	simm.s32 $_tile_overlayer_lowered  }
0x9c: {  	s8 =	simm.s32 $0x1BFF;
	s21 =	sshll.u32 s7, $0x1;
	s5 =	sadd.s32 s5, s20  }
0x9d: {  	s22 =	simm.s32 $0x0;
	s6 =	sshll.u32 s6, $0x1;
	s7 =	sadd.s32 s21, s5  }
0x9e: {  	[timem:s22], [sflag:s8] =	dma.local [hbm:s7], s6  }
0x9f: {  	_ =	swait.ge [sflag:s8], s6  }
0xa0: {  	s6 =	ssub.s32 $0x0, s6;
	[sflag:s8] =	ssyncset.done $0x0  }
0xa1: {  	[sflag:s8] =	ssyncadd.s32 s6;
	_ =	sdelay $0x1  }
0xa2: {  	s23 =	simm.s32 $0x1B8B  }
0xa3: {  	_ =	swait.ge [sflag:s23], $0x1  }
0xa4: {  	[sflag:s23] =	ssyncset.done $0x0  }
0xa5: {  	[sflag:s23] =	ssyncadd.s32 $0xFFFFFFFF  }
0xa6: {  	s6 =	sld [smem:$0x0]  }
0xa7: {  	s7 =	sand.u32 $0xFFFFFFFE, s1  }
0xa8: {  	p0 =	sne.s32 s1, s7  }
0xa9: {  	s7 =	sshll.u32 @p0 s7, $0xE  }
0xaa: {  	s7 =	sadd.s32 @p0 $0x11B8D, s7;
	s8 =	sshll.u32 @p0 s6, $0x11  }
0xab: {  	s7 =	sor.u32 @p0 s8, s7  }
0xac: {  	[sflag:s7] =	ssyncadd.remote.s32 @p0 $0x1;
	_ =	sdelay $0x1  }
0xad: {  	s7 =	simm.s32 @p0 $0x1B8D  }
0xae: {  	_ =	swait.eq @p0 [sflag:s7], $0x1  }
0xaf: {  	[sflag:s7] =	ssyncadd.s32 @p0 $0xFFFFFFFF  }
0xb0: {  	s8 =	sshll.u32 @!p0 s1, $0xE  }
0xb1: {  	s8 =	sor.u32 @!p0 $0x4000, s8;
	s7 =	simm.s32 @!p0 $0x1B8D  }
0xb2: {  	s6 =	sshll.u32 @!p0 s6, $0x11;
	s8 =	sadd.s32 @!p0 $0x11B8D, s8;
	_ =	swait.eq @!p0 [sflag:s7], $0x1  }
0xb3: {  	s6 =	sor.u32 @!p0 s6, s8;
	[sflag:s7] =	ssyncadd.s32 @!p0 $0xFFFFFFFF  }
0xb4: {  	s25 =	simm.s32 $0x1B8E;
	s24 =	sld [smem:$0x3FFE];
	[sflag:s6] =	ssyncadd.remote.s32 @!p0 $0x1  }
0xb5: {  	s26 =	simm.s32 $execute0_lowered;
	[smem:$0x3FD2] =	sst s25  }
0xb6: {  	s7 =	sshll.u32 s26, $0x1;
	_ =	strace $0x8000004C;
	[dreg:$0x1] =	wrdreg $0xFFFFFFFF  }
0xb7: {  	s28 =	simm.s32 $_size_execute0_lowered;
	s5 =	sadd.s32 s5, s7;
	[dreg:$0x0] =	wrdreg $0x0  }
0xb8: {  	s7 =	sshll.u32 s28, $0x1;
	[dreg:$0x2] =	wrdreg s5  }
0xb9: {  	[dreg:$0x3] =	wrdreg s7  }
0xba: {  	[dreg:$0x4] =	wrdreg $0xC0  }
0xbb: {  	_ =	task [dreg:s22], $0x5FFFF  }
0xbc: {  	[dreg:$0x1] =	wrdreg $0xFFFFFFFF  }
0xbd: {  	[dreg:$0x0] =	wrdreg $0x60  }
0xbe: {  	[dreg:$0x2] =	wrdreg s18  }
0xbf: {  	[dreg:$0x3] =	wrdreg s4  }
0xc0: {  	[dreg:$0x4] =	wrdreg s24  }
0xc1: {  	[dreg:$0x5] =	wrdreg $0xB  }
0xc2: {  	_ =	task.clear_ibuf [dreg:s22], $0x6FFFF;
	_ =	strace $0x9000004C  }
0xc3: {  	s29 =	simm.s32 $0xB;
	_ =	strace $0x8000004E  }
0xc4: {  	_ =	swait.ge [sflag:s29], $0x1  }
0xc5: {  	[sflag:s29] =	ssyncadd.s32 $0xFFFFFFFF  }
0xc6: {  	_ =	strace $0x9000004E  }
0xc7: {  	_ =	sfence  }
0xc8: {  	s30 =	sld [smem:$0x0];
	_ =	sdelay $0x2  }
0xc9: {  	s31 =	sshll.u32 s1, $0xD;
	s1 =	sshrl.u32 s1, $0x2  }
0xca: {  	s4 =	sand.u32 $0x4000, s31;
	s1 =	sadd.s32 s1, s30  }
0xcb: {  	s0 =	sor.u32 s4, s0;
	s1 =	sshll.u32 s1, $0x11  }
0xcc: {  	s0 =	sor.u32 s1, s0  }
0xcd: {  	s0 =	sadd.s32 $0x8F2B, s0  }
0xce: {  	[sflag:s0] =	ssyncadd.remote.s32 $0x1  }
0xcf: {  	_ =	sfence.sel $0xFFFF  }
0xd0: {  	[dreg:$0x0] =	wrdreg $0xFFFFFFFF;
	(pc) =	sbr.abs _section_cstart, $3  }
0xd1: {  	[dreg:$0x1] =	wrdreg $0xFFFFFFFF  }
0xd2: {  	_ =	task.clear_ibuf [dreg:s22], $0x2FFFF;
	_ =	strace $0x9FFFFFFF  }
0xd3: {  	(tm) =	ssettm $0x7FFFFFFF  }
tec
execute0_lowered:
.L_overlay_start_1:
0x0: {  	(tag) =	ssettag $0x1  }
0x1: {  	s0 =	srdreg.scid;
	s2 =	rddreg [dreg:$0x0]  }
0x2: {  	s1 =	stileid.u32;
	s3 =	rddreg [dreg:$0x1]  }
0x3: {  	s6 =	rddreg [dreg:$0x2];
	s4 =	simm.s32 $0x0;
	s13 =	simm.s32 $0x2  }
0x4: {  	s15 =	simm.s32 $0x3;
	s0 =	sand.u32 $0x1, s0;
	s1 =	sshll.u32 s1, $0x1  }
0x5: {  	s14 =	simm.s32 $0x100;
	s18 =	simm.s32 $0x900;
	s1 =	sor.u32 s0, s1  }
0x6: {  	s28 =	simm.s32 $0x3100;
	s29 =	simm.s32 $0x7900;
	s5 =	smul.u32 $0x1C, s1  }
0x7: {  	s30 =	simm.s32 $0x8100;
	s31 =	simm.s32 $0x8900;
	s1 =	smul.u32 $0x1C000, s1  }
0x8: {  	s8 =	simm.s32 $0x9900;
	s9 =	simm.s32 $0xA100;
	s10 =	simm.s32 $0x4100  }
0x9: {  	s11 =	simm.s32 $0x4900;
	s5 =	sadd.s32 s5, s6;
	s1 =	sshrl.u32 s1, $0x3  }
0xa: {  	[smem:$0x7FF] =	sst s4;
	s1 =	sadd.s32 s1, s6;
	s5 =	sadd.s32 $0x11A400, s5  }
0xb: {  	_ =	strace $0x8000004D;
	[dreg:$0x4] =	wrdreg s5;
	s19 =	sadd.s32 $0x11A800, s1  }
0xc: {  	s12 =	simm.s32 $0x5100;
	s20 =	sadd.s32 $0x11A900, s1;
	[dreg:$0x5] =	wrdreg s19  }
0xd: {  	s7 =	simm.s32 $0x6100;
	s21 =	sadd.s32 $0x11B600, s1;
	[dreg:$0x6] =	wrdreg s20  }
0xe: {  	s0 =	ssub.s32 $0x2, s0;
	s22 =	sadd.s32 $0x11B700, s1;
	[dreg:$0x7] =	wrdreg s21  }
0xf: {  	s25 =	sshrl.u32 s0, $0x1;
	s23 =	sadd.s32 $0x11C400, s1;
	[dreg:$0x8] =	wrdreg s22  }
0x10: {  	s0 =	ssub.s32 s0, s25;
	s24 =	sadd.s32 $0x11C500, s1;
	[dreg:$0x9] =	wrdreg s23  }
0x11: {  	s25 =	simm.s32 $0x2100;
	s26 =	sadd.s32 $0x11D200, s1;
	[dreg:$0xa] =	wrdreg s24  }
0x12: {  	s1 =	sadd.s32 $0x11D300, s1;
	s5 =	smax.u32 s0, $0x1;
	[dreg:$0xb] =	wrdreg s26  }
0x13: {  	v2 =	vlaneseq.u32;
	[dreg:$0xc] =	wrdreg s1;
	s21 =	simm.s32 $0x1;
	s22 =	simm.s32 $0x800  }
0x14: {  	vm0 =	vmmov $0xffff;
	v1 =	vshrl.u32 v2, $0x3;
	s23 =	simm.s32 $0x1000;
	s19 =	simm.s32 $0x1100;
	s20 =	simm.s32 $0x1900  }
0x15: {  	v0 =	vand.u32 $0x7, v2;
	v2 =	vor.u32 $0x8, v2;
	v1 =	vmul.u32 $0x8, v1;
	s26 =	simm.s32 $0x2900;
	s24 =	simm.s32 $0x7100;
	s1 =	simm.s32 $0x3900  }
.LBB2_1:
0x16: {  	s16 =	rddreg [dreg:$0x4];
	s0 =	simm.s32 $0x4  }
0x17: {  	[tilespmem:s4], [sflag:$0x4] =	stream.linear.gather [hbm4b:s16+s4], $0xE0, $0x38;
	[tilespmem:$0xE100] =	vst v63  }
0x18: {  	_ =	swait.ge [sflag:s0], $0xE0  }
0x19: {  	[sflag:s0] =	ssyncset.done $0x0  }
0x1a: {  	[sflag:s0] =	ssyncadd.s32 $0xFFFFFF20  }
0x1b: {  	v3 =	vld [tilespmem:$0x0];
	_ =	sdelay $0x4  }
0x1c: {  	v4 =	vshll.u32 v3, $0x1  }
0x1d: {  	v3 =	vand.u32 $0x7, v3;
	v4 =	vand.u32 $0xFFFFFFF0, v4  }
0x1e: {  	v3 =	vor.u32 v3, v4  }
0x1f: {  	v4 =	vperm.xlane v3, v0;
	_ =	sdelay $0x1  }
0x20: {  	v3 =	vperm.xlane v3, v2;
	v4 =	vadd.s32 v1, v4;
	_ =	sdelay $0x1  }
0x21: {  	v3 =	vadd.s32 v1, v3;
	_ =	sdelay $0x2  }
0x22: {  	[tilespmem:s14], [sflag:$0x1] =	stream.indirect_vreg.gather [hbm4b:s2+s4], $0x80, v4, vm0, $0xb8;
	[tilespmem:$0xE100] =	vst v63  }
0x23: {  	_ = 	snop  }
0x24: {  	[tilespmem:s18], [sflag:$0x1] =	stream.indirect_vreg.gather [hbm4b:s2+s4], $0x80, v3, vm0, $0xb8;
	[tilespmem:$0xE100] =	vst v63  }
0x25: {  	v3 =	vld [tilespmem:$0x10];
	_ =	sdelay $0x4  }
0x26: {  	v33 =	vshll.u32 v3, $0x1  }
0x27: {  	v3 =	vand.u32 $0x7, v3;
	v4 =	vand.u32 $0xFFFFFFF0, v33  }
0x28: {  	v3 =	vor.u32 v3, v4  }
0x29: {  	v4 =	vperm.xlane v3, v0;
	_ =	sdelay $0x1  }
0x2a: {  	v3 =	vperm.xlane v3, v2;
	v4 =	vadd.s32 v1, v4;
	_ =	sdelay $0x1  }
0x2b: {  	v3 =	vadd.s32 v1, v3;
	_ =	sdelay $0x2  }
0x2c: {  	[tilespmem:s19], [sflag:$0x1] =	stream.indirect_vreg.gather [hbm4b:s2+s4], $0x80, v4, vm0, $0xb8;
	[tilespmem:$0xE100] =	vst v63  }
0x2d: {  	_ = 	snop  }
0x2e: {  	[tilespmem:s20], [sflag:$0x1] =	stream.indirect_vreg.gather [hbm4b:s2+s4], $0x80, v3, vm0, $0xb8;
	[tilespmem:$0xE100] =	vst v63  }
0x2f: {  	v3 =	vld [tilespmem:$0x20];
	_ =	sdelay $0x4  }
0x30: {  	v34 =	vshll.u32 v3, $0x1  }
0x31: {  	v3 =	vand.u32 $0x7, v3;
	v4 =	vand.u32 $0xFFFFFFF0, v34  }
0x32: {  	v3 =	vor.u32 v3, v4  }
0x33: {  	v4 =	vperm.xlane v3, v0;
	_ =	sdelay $0x1  }
0x34: {  	v3 =	vperm.xlane v3, v2;
	v4 =	vadd.s32 v1, v4;
	_ =	sdelay $0x1  }
0x35: {  	v3 =	vadd.s32 v1, v3;
	_ =	sdelay $0x2  }
0x36: {  	[tilespmem:s25], [sflag:$0x1] =	stream.indirect_vreg.gather [hbm4b:s2+s4], $0x80, v4, vm0, $0xb8;
	[tilespmem:$0xE100] =	vst v63  }
0x37: {  	_ = 	snop  }
0x38: {  	[tilespmem:s26], [sflag:$0x1] =	stream.indirect_vreg.gather [hbm4b:s2+s4], $0x80, v3, vm0, $0xb8;
	[tilespmem:$0xE100] =	vst v63  }
0x39: {  	v3 =	vld.msk [tilespmem:$0x30], $0xff;
	_ =	sdelay $0x4  }
0x3a: {  	v35 =	vshll.u32 v3, $0x1  }
0x3b: {  	v3 =	vand.u32 $0x7, v3;
	v4 =	vand.u32 $0xFFFFFFF0, v35  }
0x3c: {  	v3 =	vor.u32 v3, v4  }
0x3d: {  	v3 =	vperm.xlane v3, v0;
	_ =	sdelay $0x1  }
0x3e: {  	v3 =	vadd.s32 v1, v3;
	_ =	sdelay $0x4  }
0x3f: {  	[tilespmem:s28], [sflag:$0x1] =	stream.indirect_vreg.gather [hbm4b:s2+s4], $0x80, v3, vm0, $0xb8;
	[tilespmem:$0xE100] =	vst v63  }
0x40: {  	v3 =	vld [tilespmem:$0x0];
	_ =	sdelay $0x4  }
0x41: {  	v36 =	vshll.u32 v3, $0x1  }
0x42: {  	v3 =	vand.u32 $0x7, v3;
	v4 =	vand.u32 $0xFFFFFFF0, v36  }
0x43: {  	v3 =	vor.u32 v3, v4  }
0x44: {  	v4 =	vperm.xlane v3, v0;
	_ =	sdelay $0x1  }
0x45: {  	v3 =	vperm.xlane v3, v2;
	v4 =	vadd.s32 v1, v4;
	_ =	sdelay $0x1  }
0x46: {  	v3 =	vadd.s32 v1, v3;
	_ =	sdelay $0x2  }
0x47: {  	[tilespmem:s24], [sflag:$0x1] =	stream.indirect_vreg.gather [hbm4b:s3+s4], $0x80, v4, vm0, $0xb8;
	[tilespmem:$0xE100] =	vst v63  }
0x48: {  	_ = 	snop  }
0x49: {  	[tilespmem:s29], [sflag:$0x1] =	stream.indirect_vreg.gather [hbm4b:s3+s4], $0x80, v3, vm0, $0xb8;
	[tilespmem:$0xE100] =	vst v63  }
0x4a: {  	v3 =	vld [tilespmem:$0x10];
	_ =	sdelay $0x4  }
0x4b: {  	v37 =	vshll.u32 v3, $0x1  }
0x4c: {  	v3 =	vand.u32 $0x7, v3;
	v4 =	vand.u32 $0xFFFFFFF0, v37  }
0x4d: {  	v3 =	vor.u32 v3, v4  }
0x4e: {  	v4 =	vperm.xlane v3, v0;
	_ =	sdelay $0x1  }
0x4f: {  	v3 =	vperm.xlane v3, v2;
	v4 =	vadd.s32 v1, v4;
	_ =	sdelay $0x1  }
0x50: {  	v3 =	vadd.s32 v1, v3;
	_ =	sdelay $0x2  }
0x51: {  	[tilespmem:s30], [sflag:$0x1] =	stream.indirect_vreg.gather [hbm4b:s3+s4], $0x80, v4, vm0, $0xb8;
	[tilespmem:$0xE100] =	vst v63  }
0x52: {  	_ = 	snop  }
0x53: {  	[tilespmem:s31], [sflag:$0x1] =	stream.indirect_vreg.gather [hbm4b:s3+s4], $0x80, v3, vm0, $0xb8;
	[tilespmem:$0xE100] =	vst v63  }
0x54: {  	v3 =	vld [tilespmem:$0x20];
	_ =	sdelay $0x4  }
0x55: {  	v38 =	vshll.u32 v3, $0x1  }
0x56: {  	v3 =	vand.u32 $0x7, v3;
	v4 =	vand.u32 $0xFFFFFFF0, v38  }
0x57: {  	v3 =	vor.u32 v3, v4  }
0x58: {  	v4 =	vperm.xlane v3, v0;
	_ =	sdelay $0x1  }
0x59: {  	v3 =	vperm.xlane v3, v2;
	v4 =	vadd.s32 v1, v4;
	_ =	sdelay $0x1  }
0x5a: {  	v3 =	vadd.s32 v1, v3;
	_ =	sdelay $0x1  }
0x5b: {  	s6 =	simm.s32 $0x9100  }
0x5c: {  	[tilespmem:s6], [sflag:$0x1] =	stream.indirect_vreg.gather [hbm4b:s3+s4], $0x80, v4, vm0, $0xb8;
	[tilespmem:$0xE100] =	vst v63  }
0x5d: {  	_ = 	snop  }
0x5e: {  	[tilespmem:s8], [sflag:$0x1] =	stream.indirect_vreg.gather [hbm4b:s3+s4], $0x80, v3, vm0, $0xb8;
	[tilespmem:$0xE100] =	vst v63  }
0x5f: {  	v3 =	vld.msk [tilespmem:$0x30], $0xff;
	_ =	sdelay $0x4  }
0x60: {  	v39 =	vshll.u32 v3, $0x1  }
0x61: {  	v3 =	vand.u32 $0x7, v3;
	v4 =	vand.u32 $0xFFFFFFF0, v39  }
0x62: {  	v3 =	vor.u32 v3, v4  }
0x63: {  	v3 =	vperm.xlane v3, v0;
	_ =	sdelay $0x1  }
0x64: {  	v3 =	vadd.s32 v1, v3;
	_ =	sdelay $0x4  }
0x65: {  	[tilespmem:s9], [sflag:$0x1] =	stream.indirect_vreg.gather [hbm4b:s3+s4], $0x80, v3, vm0, $0xb8;
	[tilespmem:$0xE100] =	vst v63  }
0x66: {  	_ =	swait.ge [sflag:s21], $0x3800  }
0x67: {  	[sflag:s21] =	ssyncset.done $0x0  }
0x68: {  	[sflag:s21] =	ssyncadd.s32 $0xFFFFC800  }
0x69: {  	_ =	swait.ge [sflag:s21], $0x3800  }
0x6a: {  	[sflag:s21] =	ssyncset.done $0x0  }
0x6b: {  	s0 =	rddreg [dreg:$0x5];
	[sflag:s21] =	ssyncadd.s32 $0xFFFFC800  }
0x6c: {  	[hbm4b:s0+s22] =	stream.strided.scatter [tilespmem:s14], [sflag:$0x2], $0x3800, s23, s22, $0x38;
	[tilespmem:$0xE100] =	vst v63  }
0x6d: {  	s17 =	rddreg [dreg:$0x6]  }
0x6e: {  	[hbm4b:s17+s22] =	stream.strided.scatter [tilespmem:s24], [sflag:$0x2], $0x3800, s23, s22, $0x38;
	[tilespmem:$0xE100] =	vst v63  }
0x6f: {  	v3 =	vld [tilespmem:$0x38];
	_ =	sdelay $0x4  }
0x70: {  	v40 =	vshll.u32 v3, $0x1  }
0x71: {  	v3 =	vand.u32 $0x7, v3;
	v4 =	vand.u32 $0xFFFFFFF0, v40  }
0x72: {  	v3 =	vor.u32 v3, v4  }
0x73: {  	v4 =	vperm.xlane v3, v0;
	_ =	sdelay $0x1  }
0x74: {  	v3 =	vperm.xlane v3, v2;
	v4 =	vadd.s32 v1, v4;
	_ =	sdelay $0x1  }
0x75: {  	v3 =	vadd.s32 v1, v3;
	_ =	sdelay $0x2  }
0x76: {  	[tilespmem:s1], [sflag:$0x1] =	stream.indirect_vreg.gather [hbm4b:s2+s4], $0x80, v4, vm0, $0xb8;
	[tilespmem:$0xE100] =	vst v63  }
0x77: {  	_ = 	snop  }
0x78: {  	[tilespmem:s10], [sflag:$0x1] =	stream.indirect_vreg.gather [hbm4b:s2+s4], $0x80, v3, vm0, $0xb8;
	[tilespmem:$0xE100] =	vst v63  }
0x79: {  	v3 =	vld [tilespmem:$0x48];
	_ =	sdelay $0x4  }
0x7a: {  	v41 =	vshll.u32 v3, $0x1  }
0x7b: {  	v3 =	vand.u32 $0x7, v3;
	v4 =	vand.u32 $0xFFFFFFF0, v41  }
0x7c: {  	v3 =	vor.u32 v3, v4  }
0x7d: {  	v4 =	vperm.xlane v3, v0;
	_ =	sdelay $0x1  }
0x7e: {  	v3 =	vperm.xlane v3, v2;
	v4 =	vadd.s32 v1, v4;
	_ =	sdelay $0x1  }
0x7f: {  	v3 =	vadd.s32 v1, v3;
	_ =	sdelay $0x2  }
0x80: {  	[tilespmem:s11], [sflag:$0x1] =	stream.indirect_vreg.gather [hbm4b:s2+s4], $0x80, v4, vm0, $0xb8;
	[tilespmem:$0xE100] =	vst v63  }
0x81: {  	_ = 	snop  }
0x82: {  	[tilespmem:s12], [sflag:$0x1] =	stream.indirect_vreg.gather [hbm4b:s2+s4], $0x80, v3, vm0, $0xb8;
	[tilespmem:$0xE100] =	vst v63  }
0x83: {  	v3 =	vld [tilespmem:$0x58];
	_ =	sdelay $0x4  }
0x84: {  	v42 =	vshll.u32 v3, $0x1  }
0x85: {  	v3 =	vand.u32 $0x7, v3;
	v4 =	vand.u32 $0xFFFFFFF0, v42  }
0x86: {  	v3 =	vor.u32 v3, v4  }
0x87: {  	v4 =	vperm.xlane v3, v0;
	_ =	sdelay $0x1  }
0x88: {  	v3 =	vperm.xlane v3, v2;
	v4 =	vadd.s32 v1, v4;
	_ =	sdelay $0x1  }
0x89: {  	v3 =	vadd.s32 v1, v3;
	_ =	sdelay $0x1  }
0x8a: {  	s17 =	simm.s32 $0x5900  }
0x8b: {  	[tilespmem:s17], [sflag:$0x1] =	stream.indirect_vreg.gather [hbm4b:s2+s4], $0x80, v4, vm0, $0xb8;
	[tilespmem:$0xE100] =	vst v63  }
0x8c: {  	_ = 	snop  }
0x8d: {  	[tilespmem:s7], [sflag:$0x1] =	stream.indirect_vreg.gather [hbm4b:s2+s4], $0x80, v3, vm0, $0xb8;
	[tilespmem:$0xE100] =	vst v63  }
0x8e: {  	v3 =	vld.msk [tilespmem:$0x68], $0xff;
	_ =	sdelay $0x4  }
0x8f: {  	v43 =	vshll.u32 v3, $0x1  }
0x90: {  	v3 =	vand.u32 $0x7, v3;
	v4 =	vand.u32 $0xFFFFFFF0, v43  }
0x91: {  	v3 =	vor.u32 v3, v4  }
0x92: {  	v3 =	vperm.xlane v3, v0;
	_ =	sdelay $0x1  }
0x93: {  	v3 =	vadd.s32 v1, v3;
	_ =	sdelay $0x3  }
0x94: {  	s16 =	simm.s32 $0x6900  }
0x95: {  	[tilespmem:s16], [sflag:$0x1] =	stream.indirect_vreg.gather [hbm4b:s2+s4], $0x80, v3, vm0, $0xb8;
	[tilespmem:$0xE100] =	vst v63  }
0x96: {  	v3 =	vld [tilespmem:$0x38];
	_ =	sdelay $0x4  }
0x97: {  	v44 =	vshll.u32 v3, $0x1  }
0x98: {  	v3 =	vand.u32 $0x7, v3;
	v4 =	vand.u32 $0xFFFFFFF0, v44  }
0x99: {  	v3 =	vor.u32 v3, v4  }
0x9a: {  	v4 =	vperm.xlane v3, v0;
	_ =	sdelay $0x1  }
0x9b: {  	v3 =	vperm.xlane v3, v2;
	v4 =	vadd.s32 v1, v4;
	_ =	sdelay $0x1  }
0x9c: {  	v3 =	vadd.s32 v1, v3;
	_ =	sdelay $0x1  }
0x9d: {  	s0 =	simm.s32 $0xA900  }
0x9e: {  	[tilespmem:s0], [sflag:$0x1] =	stream.indirect_vreg.gather [hbm4b:s3+s4], $0x80, v4, vm0, $0xb8;
	[tilespmem:$0xE100] =	vst v63  }
0x9f: {  	s17 =	simm.s32 $0xB100  }
0xa0: {  	[tilespmem:s17], [sflag:$0x1] =	stream.indirect_vreg.gather [hbm4b:s3+s4], $0x80, v3, vm0, $0xb8;
	[tilespmem:$0xE100] =	vst v63  }
0xa1: {  	v3 =	vld [tilespmem:$0x48];
	_ =	sdelay $0x4  }
0xa2: {  	v45 =	vshll.u32 v3, $0x1  }
0xa3: {  	v3 =	vand.u32 $0x7, v3;
	v4 =	vand.u32 $0xFFFFFFF0, v45  }
0xa4: {  	v3 =	vor.u32 v3, v4  }
0xa5: {  	v4 =	vperm.xlane v3, v0;
	_ =	sdelay $0x1  }
0xa6: {  	v3 =	vperm.xlane v3, v2;
	v4 =	vadd.s32 v1, v4;
	_ =	sdelay $0x1  }
0xa7: {  	v3 =	vadd.s32 v1, v3;
	_ =	sdelay $0x1  }
0xa8: {  	s17 =	simm.s32 $0xB900  }
0xa9: {  	[tilespmem:s17], [sflag:$0x1] =	stream.indirect_vreg.gather [hbm4b:s3+s4], $0x80, v4, vm0, $0xb8;
	[tilespmem:$0xE100] =	vst v63  }
0xaa: {  	s17 =	simm.s32 $0xC100  }
0xab: {  	[tilespmem:s17], [sflag:$0x1] =	stream.indirect_vreg.gather [hbm4b:s3+s4], $0x80, v3, vm0, $0xb8;
	[tilespmem:$0xE100] =	vst v63  }
0xac: {  	v3 =	vld [tilespmem:$0x58];
	_ =	sdelay $0x4  }
0xad: {  	v46 =	vshll.u32 v3, $0x1  }
0xae: {  	v3 =	vand.u32 $0x7, v3;
	v4 =	vand.u32 $0xFFFFFFF0, v46  }
0xaf: {  	v3 =	vor.u32 v3, v4  }
0xb0: {  	v4 =	vperm.xlane v3, v0;
	_ =	sdelay $0x1  }
0xb1: {  	v3 =	vperm.xlane v3, v2;
	v4 =	vadd.s32 v1, v4;
	_ =	sdelay $0x1  }
0xb2: {  	v3 =	vadd.s32 v1, v3;
	_ =	sdelay $0x1  }
0xb3: {  	s17 =	simm.s32 $0xC900  }
0xb4: {  	[tilespmem:s17], [sflag:$0x1] =	stream.indirect_vreg.gather [hbm4b:s3+s4], $0x80, v4, vm0, $0xb8;
	[tilespmem:$0xE100] =	vst v63  }
0xb5: {  	s17 =	simm.s32 $0xD100  }
0xb6: {  	[tilespmem:s17], [sflag:$0x1] =	stream.indirect_vreg.gather [hbm4b:s3+s4], $0x80, v3, vm0, $0xb8;
	[tilespmem:$0xE100] =	vst v63  }
0xb7: {  	v3 =	vld.msk [tilespmem:$0x68], $0xff;
	_ =	sdelay $0x4  }
0xb8: {  	v47 =	vshll.u32 v3, $0x1  }
0xb9: {  	v3 =	vand.u32 $0x7, v3;
	v4 =	vand.u32 $0xFFFFFFF0, v47  }
0xba: {  	v3 =	vor.u32 v3, v4  }
0xbb: {  	v3 =	vperm.xlane v3, v0;
	_ =	sdelay $0x1  }
0xbc: {  	v3 =	vadd.s32 v1, v3;
	_ =	sdelay $0x3  }
0xbd: {  	s17 =	simm.s32 $0xD900  }
0xbe: {  	[tilespmem:s17], [sflag:$0x1] =	stream.indirect_vreg.gather [hbm4b:s3+s4], $0x80, v3, vm0, $0xb8;
	[tilespmem:$0xE100] =	vst v63  }
0xbf: {  	_ =	swait.ge [sflag:s21], $0x3800  }
0xc0: {  	[sflag:s21] =	ssyncset.done $0x0  }
0xc1: {  	[sflag:s21] =	ssyncadd.s32 $0xFFFFC800  }
0xc2: {  	_ =	swait.ge [sflag:s21], $0x3800  }
0xc3: {  	[sflag:s21] =	ssyncset.done $0x0  }
0xc4: {  	s16 =	rddreg [dreg:$0x7];
	[sflag:s21] =	ssyncadd.s32 $0xFFFFC800  }
0xc5: {  	[hbm4b:s16+s22] =	stream.strided.scatter [tilespmem:s1], [sflag:$0x3], $0x3800, s23, s22, $0x38;
	[tilespmem:$0xE100] =	vst v63  }
0xc6: {  	s17 =	rddreg [dreg:$0x8]  }
0xc7: {  	[hbm4b:s17+s22] =	stream.strided.scatter [tilespmem:s0], [sflag:$0x3], $0x3800, s23, s22, $0x38;
	[tilespmem:$0xE100] =	vst v63  }
0xc8: {  	_ =	swait.ge [sflag:s13], $0x3800  }
0xc9: {  	[sflag:s13] =	ssyncset.done $0x0  }
0xca: {  	[sflag:s13] =	ssyncadd.s32 $0xFFFFC800  }
0xcb: {  	_ =	swait.ge [sflag:s13], $0x3800  }
0xcc: {  	[sflag:s13] =	ssyncset.done $0x0  }
0xcd: {  	[sflag:s13] =	ssyncadd.s32 $0xFFFFC800  }
0xce: {  	v3 =	vld [tilespmem:$0x70];
	_ =	sdelay $0x4  }
0xcf: {  	v48 =	vshll.u32 v3, $0x1  }
0xd0: {  	v3 =	vand.u32 $0x7, v3;
	v4 =	vand.u32 $0xFFFFFFF0, v48  }
0xd1: {  	v3 =	vor.u32 v3, v4  }
0xd2: {  	v4 =	vperm.xlane v3, v0;
	_ =	sdelay $0x1  }
0xd3: {  	v3 =	vperm.xlane v3, v2;
	v4 =	vadd.s32 v1, v4;
	_ =	sdelay $0x1  }
0xd4: {  	v3 =	vadd.s32 v1, v3;
	_ =	sdelay $0x2  }
0xd5: {  	[tilespmem:s14], [sflag:$0x1] =	stream.indirect_vreg.gather [hbm4b:s2+s4], $0x80, v4, vm0, $0xb8;
	[tilespmem:$0xE100] =	vst v63  }
0xd6: {  	_ = 	snop  }
0xd7: {  	[tilespmem:s18], [sflag:$0x1] =	stream.indirect_vreg.gather [hbm4b:s2+s4], $0x80, v3, vm0, $0xb8;
	[tilespmem:$0xE100] =	vst v63  }
0xd8: {  	v3 =	vld [tilespmem:$0x80];
	_ =	sdelay $0x4  }
0xd9: {  	v49 =	vshll.u32 v3, $0x1  }
0xda: {  	v3 =	vand.u32 $0x7, v3;
	v4 =	vand.u32 $0xFFFFFFF0, v49  }
0xdb: {  	v3 =	vor.u32 v3, v4  }
0xdc: {  	v4 =	vperm.xlane v3, v0;
	_ =	sdelay $0x1  }
0xdd: {  	v3 =	vperm.xlane v3, v2;
	v4 =	vadd.s32 v1, v4;
	_ =	sdelay $0x1  }
0xde: {  	v3 =	vadd.s32 v1, v3;
	_ =	sdelay $0x2  }
0xdf: {  	[tilespmem:s19], [sflag:$0x1] =	stream.indirect_vreg.gather [hbm4b:s2+s4], $0x80, v4, vm0, $0xb8;
	[tilespmem:$0xE100] =	vst v63  }
0xe0: {  	_ = 	snop  }
0xe1: {  	[tilespmem:s20], [sflag:$0x1] =	stream.indirect_vreg.gather [hbm4b:s2+s4], $0x80, v3, vm0, $0xb8;
	[tilespmem:$0xE100] =	vst v63  }
0xe2: {  	v3 =	vld [tilespmem:$0x90];
	_ =	sdelay $0x4  }
0xe3: {  	v50 =	vshll.u32 v3, $0x1  }
0xe4: {  	v3 =	vand.u32 $0x7, v3;
	v4 =	vand.u32 $0xFFFFFFF0, v50  }
0xe5: {  	v3 =	vor.u32 v3, v4  }
0xe6: {  	v4 =	vperm.xlane v3, v0;
	_ =	sdelay $0x1  }
0xe7: {  	v3 =	vperm.xlane v3, v2;
	v4 =	vadd.s32 v1, v4;
	_ =	sdelay $0x1  }
0xe8: {  	v3 =	vadd.s32 v1, v3;
	_ =	sdelay $0x2  }
0xe9: {  	[tilespmem:s25], [sflag:$0x1] =	stream.indirect_vreg.gather [hbm4b:s2+s4], $0x80, v4, vm0, $0xb8;
	[tilespmem:$0xE100] =	vst v63  }
0xea: {  	_ = 	snop  }
0xeb: {  	[tilespmem:s26], [sflag:$0x1] =	stream.indirect_vreg.gather [hbm4b:s2+s4], $0x80, v3, vm0, $0xb8;
	[tilespmem:$0xE100] =	vst v63  }
0xec: {  	v3 =	vld.msk [tilespmem:$0xA0], $0xff;
	_ =	sdelay $0x4  }
0xed: {  	v51 =	vshll.u32 v3, $0x1  }
0xee: {  	v3 =	vand.u32 $0x7, v3;
	v4 =	vand.u32 $0xFFFFFFF0, v51  }
0xef: {  	v3 =	vor.u32 v3, v4  }
0xf0: {  	v3 =	vperm.xlane v3, v0;
	_ =	sdelay $0x1  }
0xf1: {  	v3 =	vadd.s32 v1, v3;
	_ =	sdelay $0x4  }
0xf2: {  	[tilespmem:s28], [sflag:$0x1] =	stream.indirect_vreg.gather [hbm4b:s2+s4], $0x80, v3, vm0, $0xb8;
	[tilespmem:$0xE100] =	vst v63  }
0xf3: {  	v3 =	vld [tilespmem:$0x70];
	_ =	sdelay $0x4  }
0xf4: {  	v52 =	vshll.u32 v3, $0x1  }
0xf5: {  	v3 =	vand.u32 $0x7, v3;
	v4 =	vand.u32 $0xFFFFFFF0, v52  }
0xf6: {  	v3 =	vor.u32 v3, v4  }
0xf7: {  	v4 =	vperm.xlane v3, v0;
	_ =	sdelay $0x1  }
0xf8: {  	v3 =	vperm.xlane v3, v2;
	v4 =	vadd.s32 v1, v4;
	_ =	sdelay $0x1  }
0xf9: {  	v3 =	vadd.s32 v1, v3;
	_ =	sdelay $0x2  }
0xfa: {  	[tilespmem:s24], [sflag:$0x1] =	stream.indirect_vreg.gather [hbm4b:s3+s4], $0x80, v4, vm0, $0xb8;
	[tilespmem:$0xE100] =	vst v63  }
0xfb: {  	_ = 	snop  }
0xfc: {  	[tilespmem:s29], [sflag:$0x1] =	stream.indirect_vreg.gather [hbm4b:s3+s4], $0x80, v3, vm0, $0xb8;
	[tilespmem:$0xE100] =	vst v63  }
0xfd: {  	v3 =	vld [tilespmem:$0x80];
	_ =	sdelay $0x4  }
0xfe: {  	v53 =	vshll.u32 v3, $0x1  }
0xff: {  	v3 =	vand.u32 $0x7, v3;
	v4 =	vand.u32 $0xFFFFFFF0, v53  }
0x100: {  	v3 =	vor.u32 v3, v4  }
0x101: {  	v4 =	vperm.xlane v3, v0;
	_ =	sdelay $0x1  }
0x102: {  	v3 =	vperm.xlane v3, v2;
	v4 =	vadd.s32 v1, v4;
	_ =	sdelay $0x1  }
0x103: {  	v3 =	vadd.s32 v1, v3;
	_ =	sdelay $0x2  }
0x104: {  	[tilespmem:s30], [sflag:$0x1] =	stream.indirect_vreg.gather [hbm4b:s3+s4], $0x80, v4, vm0, $0xb8;
	[tilespmem:$0xE100] =	vst v63  }
0x105: {  	_ = 	snop  }
0x106: {  	[tilespmem:s31], [sflag:$0x1] =	stream.indirect_vreg.gather [hbm4b:s3+s4], $0x80, v3, vm0, $0xb8;
	[tilespmem:$0xE100] =	vst v63  }
0x107: {  	v3 =	vld [tilespmem:$0x90];
	_ =	sdelay $0x4  }
0x108: {  	v54 =	vshll.u32 v3, $0x1  }
0x109: {  	v3 =	vand.u32 $0x7, v3;
	v4 =	vand.u32 $0xFFFFFFF0, v54  }
0x10a: {  	v3 =	vor.u32 v3, v4  }
0x10b: {  	v4 =	vperm.xlane v3, v0;
	_ =	sdelay $0x1  }
0x10c: {  	v3 =	vperm.xlane v3, v2;
	v4 =	vadd.s32 v1, v4;
	_ =	sdelay $0x1  }
0x10d: {  	v3 =	vadd.s32 v1, v3;
	_ =	sdelay $0x2  }
0x10e: {  	[tilespmem:s6], [sflag:$0x1] =	stream.indirect_vreg.gather [hbm4b:s3+s4], $0x80, v4, vm0, $0xb8;
	[tilespmem:$0xE100] =	vst v63  }
0x10f: {  	_ = 	snop  }
0x110: {  	[tilespmem:s8], [sflag:$0x1] =	stream.indirect_vreg.gather [hbm4b:s3+s4], $0x80, v3, vm0, $0xb8;
	[tilespmem:$0xE100] =	vst v63  }
0x111: {  	v3 =	vld.msk [tilespmem:$0xA0], $0xff;
	_ =	sdelay $0x4  }
0x112: {  	v55 =	vshll.u32 v3, $0x1  }
0x113: {  	v3 =	vand.u32 $0x7, v3;
	v4 =	vand.u32 $0xFFFFFFF0, v55  }
0x114: {  	v3 =	vor.u32 v3, v4  }
0x115: {  	v3 =	vperm.xlane v3, v0;
	_ =	sdelay $0x1  }
0x116: {  	v3 =	vadd.s32 v1, v3;
	_ =	sdelay $0x4  }
0x117: {  	[tilespmem:s9], [sflag:$0x1] =	stream.indirect_vreg.gather [hbm4b:s3+s4], $0x80, v3, vm0, $0xb8;
	[tilespmem:$0xE100] =	vst v63  }
0x118: {  	_ =	swait.ge [sflag:s21], $0x3800  }
0x119: {  	[sflag:s21] =	ssyncset.done $0x0  }
0x11a: {  	[sflag:s21] =	ssyncadd.s32 $0xFFFFC800  }
0x11b: {  	_ =	swait.ge [sflag:s21], $0x3800  }
0x11c: {  	[sflag:s21] =	ssyncset.done $0x0  }
0x11d: {  	s17 =	rddreg [dreg:$0x9];
	[sflag:s21] =	ssyncadd.s32 $0xFFFFC800  }
0x11e: {  	[hbm4b:s17+s22] =	stream.strided.scatter [tilespmem:s14], [sflag:$0x2], $0x3800, s23, s22, $0x38;
	[tilespmem:$0xE100] =	vst v63  }
0x11f: {  	s6 =	rddreg [dreg:$0xa]  }
0x120: {  	[hbm4b:s6+s22] =	stream.strided.scatter [tilespmem:s24], [sflag:$0x2], $0x3800, s23, s22, $0x38;
	[tilespmem:$0xE100] =	vst v63  }
0x121: {  	_ =	swait.ge [sflag:s15], $0x3800  }
0x122: {  	[sflag:s15] =	ssyncset.done $0x0  }
0x123: {  	[sflag:s15] =	ssyncadd.s32 $0xFFFFC800  }
0x124: {  	_ =	swait.ge [sflag:s15], $0x3800  }
0x125: {  	[sflag:s15] =	ssyncset.done $0x0  }
0x126: {  	[sflag:s15] =	ssyncadd.s32 $0xFFFFC800  }
0x127: {  	v3 =	vld [tilespmem:$0xA8];
	_ =	sdelay $0x4  }
0x128: {  	v56 =	vshll.u32 v3, $0x1  }
0x129: {  	v3 =	vand.u32 $0x7, v3;
	v4 =	vand.u32 $0xFFFFFFF0, v56  }
0x12a: {  	v3 =	vor.u32 v3, v4  }
0x12b: {  	v4 =	vperm.xlane v3, v0;
	_ =	sdelay $0x1  }
0x12c: {  	v3 =	vperm.xlane v3, v2;
	v4 =	vadd.s32 v1, v4;
	_ =	sdelay $0x1  }
0x12d: {  	v3 =	vadd.s32 v1, v3;
	_ =	sdelay $0x2  }
0x12e: {  	[tilespmem:s1], [sflag:$0x1] =	stream.indirect_vreg.gather [hbm4b:s2+s4], $0x80, v4, vm0, $0xb8;
	[tilespmem:$0xE100] =	vst v63  }
0x12f: {  	_ = 	snop  }
0x130: {  	[tilespmem:s10], [sflag:$0x1] =	stream.indirect_vreg.gather [hbm4b:s2+s4], $0x80, v3, vm0, $0xb8;
	[tilespmem:$0xE100] =	vst v63  }
0x131: {  	v3 =	vld [tilespmem:$0xB8];
	_ =	sdelay $0x4  }
0x132: {  	v57 =	vshll.u32 v3, $0x1  }
0x133: {  	v3 =	vand.u32 $0x7, v3;
	v4 =	vand.u32 $0xFFFFFFF0, v57  }
0x134: {  	v3 =	vor.u32 v3, v4  }
0x135: {  	v4 =	vperm.xlane v3, v0;
	_ =	sdelay $0x1  }
0x136: {  	v3 =	vperm.xlane v3, v2;
	v4 =	vadd.s32 v1, v4;
	_ =	sdelay $0x1  }
0x137: {  	v3 =	vadd.s32 v1, v3;
	_ =	sdelay $0x2  }
0x138: {  	[tilespmem:s11], [sflag:$0x1] =	stream.indirect_vreg.gather [hbm4b:s2+s4], $0x80, v4, vm0, $0xb8;
	[tilespmem:$0xE100] =	vst v63  }
0x139: {  	_ = 	snop  }
0x13a: {  	[tilespmem:s12], [sflag:$0x1] =	stream.indirect_vreg.gather [hbm4b:s2+s4], $0x80, v3, vm0, $0xb8;
	[tilespmem:$0xE100] =	vst v63  }
0x13b: {  	v3 =	vld [tilespmem:$0xC8];
	_ =	sdelay $0x4  }
0x13c: {  	v58 =	vshll.u32 v3, $0x1  }
0x13d: {  	v3 =	vand.u32 $0x7, v3;
	v4 =	vand.u32 $0xFFFFFFF0, v58  }
0x13e: {  	v3 =	vor.u32 v3, v4  }
0x13f: {  	v4 =	vperm.xlane v3, v0;
	_ =	sdelay $0x1  }
0x140: {  	v3 =	vperm.xlane v3, v2;
	v4 =	vadd.s32 v1, v4;
	_ =	sdelay $0x1  }
0x141: {  	v3 =	vadd.s32 v1, v3;
	_ =	sdelay $0x1  }
0x142: {  	s17 =	simm.s32 $0x5900  }
0x143: {  	[tilespmem:s17], [sflag:$0x1] =	stream.indirect_vreg.gather [hbm4b:s2+s4], $0x80, v4, vm0, $0xb8;
	[tilespmem:$0xE100] =	vst v63  }
0x144: {  	_ = 	snop  }
0x145: {  	[tilespmem:s7], [sflag:$0x1] =	stream.indirect_vreg.gather [hbm4b:s2+s4], $0x80, v3, vm0, $0xb8;
	[tilespmem:$0xE100] =	vst v63  }
0x146: {  	v3 =	vld.msk [tilespmem:$0xD8], $0xff;
	_ =	sdelay $0x4  }
0x147: {  	v59 =	vshll.u32 v3, $0x1  }
0x148: {  	v3 =	vand.u32 $0x7, v3;
	v4 =	vand.u32 $0xFFFFFFF0, v59  }
0x149: {  	v3 =	vor.u32 v3, v4  }
0x14a: {  	v3 =	vperm.xlane v3, v0;
	_ =	sdelay $0x1  }
0x14b: {  	v3 =	vadd.s32 v1, v3;
	_ =	sdelay $0x3  }
0x14c: {  	s16 =	simm.s32 $0x6900  }
0x14d: {  	[tilespmem:s16], [sflag:$0x1] =	stream.indirect_vreg.gather [hbm4b:s2+s4], $0x80, v3, vm0, $0xb8;
	[tilespmem:$0xE100] =	vst v63  }
0x14e: {  	v3 =	vld [tilespmem:$0xA8];
	_ =	sdelay $0x4  }
0x14f: {  	v60 =	vshll.u32 v3, $0x1  }
0x150: {  	v3 =	vand.u32 $0x7, v3;
	v4 =	vand.u32 $0xFFFFFFF0, v60  }
0x151: {  	v3 =	vor.u32 v3, v4  }
0x152: {  	v4 =	vperm.xlane v3, v0;
	_ =	sdelay $0x1  }
0x153: {  	v3 =	vperm.xlane v3, v2;
	v4 =	vadd.s32 v1, v4;
	_ =	sdelay $0x1  }
0x154: {  	v3 =	vadd.s32 v1, v3;
	_ =	sdelay $0x2  }
0x155: {  	[tilespmem:s0], [sflag:$0x1] =	stream.indirect_vreg.gather [hbm4b:s3+s4], $0x80, v4, vm0, $0xb8;
	[tilespmem:$0xE100] =	vst v63  }
0x156: {  	s17 =	simm.s32 $0xB100  }
0x157: {  	[tilespmem:s17], [sflag:$0x1] =	stream.indirect_vreg.gather [hbm4b:s3+s4], $0x80, v3, vm0, $0xb8;
	[tilespmem:$0xE100] =	vst v63  }
0x158: {  	v3 =	vld [tilespmem:$0xB8];
	_ =	sdelay $0x4  }
0x159: {  	v61 =	vshll.u32 v3, $0x1  }
0x15a: {  	v3 =	vand.u32 $0x7, v3;
	v4 =	vand.u32 $0xFFFFFFF0, v61  }
0x15b: {  	v3 =	vor.u32 v3, v4  }
0x15c: {  	v4 =	vperm.xlane v3, v0;
	_ =	sdelay $0x1  }
0x15d: {  	v3 =	vperm.xlane v3, v2;
	v4 =	vadd.s32 v1, v4;
	_ =	sdelay $0x1  }
0x15e: {  	v3 =	vadd.s32 v1, v3;
	_ =	sdelay $0x1  }
0x15f: {  	s16 =	simm.s32 $0xB900  }
0x160: {  	[tilespmem:s16], [sflag:$0x1] =	stream.indirect_vreg.gather [hbm4b:s3+s4], $0x80, v4, vm0, $0xb8;
	[tilespmem:$0xE100] =	vst v63  }
0x161: {  	s17 =	simm.s32 $0xC100  }
0x162: {  	[tilespmem:s17], [sflag:$0x1] =	stream.indirect_vreg.gather [hbm4b:s3+s4], $0x80, v3, vm0, $0xb8;
	[tilespmem:$0xE100] =	vst v63  }
0x163: {  	v3 =	vld [tilespmem:$0xC8];
	_ =	sdelay $0x4  }
0x164: {  	v62 =	vshll.u32 v3, $0x1  }
0x165: {  	v3 =	vand.u32 $0x7, v3;
	v4 =	vand.u32 $0xFFFFFFF0, v62  }
0x166: {  	v3 =	vor.u32 v3, v4  }
0x167: {  	v4 =	vperm.xlane v3, v0;
	_ =	sdelay $0x1  }
0x168: {  	v3 =	vperm.xlane v3, v2;
	v4 =	vadd.s32 v1, v4;
	_ =	sdelay $0x1  }
0x169: {  	v3 =	vadd.s32 v1, v3;
	_ =	sdelay $0x1  }
0x16a: {  	s16 =	simm.s32 $0xC900  }
0x16b: {  	[tilespmem:s16], [sflag:$0x1] =	stream.indirect_vreg.gather [hbm4b:s3+s4], $0x80, v4, vm0, $0xb8;
	[tilespmem:$0xE100] =	vst v63  }
0x16c: {  	s17 =	simm.s32 $0xD100  }
0x16d: {  	[tilespmem:s17], [sflag:$0x1] =	stream.indirect_vreg.gather [hbm4b:s3+s4], $0x80, v3, vm0, $0xb8;
	[tilespmem:$0xE100] =	vst v63  }
0x16e: {  	v3 =	vld.msk [tilespmem:$0xD8], $0xff;
	_ =	sdelay $0x4  }
0x16f: {  	v63 =	vshll.u32 v3, $0x1  }
0x170: {  	v3 =	vand.u32 $0x7, v3;
	v4 =	vand.u32 $0xFFFFFFF0, v63  }
0x171: {  	v3 =	vor.u32 v3, v4  }
0x172: {  	v3 =	vperm.xlane v3, v0;
	_ =	sdelay $0x1  }
0x173: {  	v3 =	vadd.s32 v1, v3;
	_ =	sdelay $0x3  }
0x174: {  	s16 =	simm.s32 $0xD900  }
0x175: {  	[tilespmem:s16], [sflag:$0x1] =	stream.indirect_vreg.gather [hbm4b:s3+s4], $0x80, v3, vm0, $0xb8;
	[tilespmem:$0xE100] =	vst v63  }
0x176: {  	_ =	swait.ge [sflag:s21], $0x3800  }
0x177: {  	[sflag:s21] =	ssyncset.done $0x0  }
0x178: {  	[sflag:s21] =	ssyncadd.s32 $0xFFFFC800  }
0x179: {  	_ =	swait.ge [sflag:s21], $0x3800  }
0x17a: {  	[sflag:s21] =	ssyncset.done $0x0  }
0x17b: {  	s17 =	rddreg [dreg:$0xb];
	[sflag:s21] =	ssyncadd.s32 $0xFFFFC800  }
0x17c: {  	[hbm4b:s17+s22] =	stream.strided.scatter [tilespmem:s1], [sflag:$0x3], $0x3800, s23, s22, $0x38;
	[tilespmem:$0xE100] =	vst v63  }
0x17d: {  	s6 =	rddreg [dreg:$0xc]  }
0x17e: {  	[hbm4b:s6+s22] =	stream.strided.scatter [tilespmem:s0], [sflag:$0x3], $0x3800, s23, s22, $0x38;
	[tilespmem:$0xE100] =	vst v63  }
0x17f: {  	_ =	swait.ge [sflag:s13], $0x3800  }
0x180: {  	[sflag:s13] =	ssyncset.done $0x0  }
0x181: {  	[sflag:s13] =	ssyncadd.s32 $0xFFFFC800  }
0x182: {  	_ =	swait.ge [sflag:s13], $0x3800  }
0x183: {  	[sflag:s13] =	ssyncset.done $0x0  }
0x184: {  	[sflag:s13] =	ssyncadd.s32 $0xFFFFC800  }
0x185: {  	p0 =	sne.s32 s5, $0x1;
	_ =	swait.ge [sflag:s15], $0x3800  }
.Ltmp0:
0x186: {  	[sflag:s15] =	ssyncset.done $0x0;
	(pc) =	sbr.rel @p0 .LBB2_1-.Ltmp0, $4  }
0x187: {  	[sflag:s15] =	ssyncadd.s32 $0xFFFFC800  }
0x188: {  	_ =	swait.ge [sflag:s15], $0x3800  }
0x189: {  	[sflag:s15] =	ssyncset.done $0x0  }
0x18a: {  	s5 =	sadd.s32 $0xFFFFFFFF, s5;
	[sflag:s15] =	ssyncadd.s32 $0xFFFFC800  }
0x18b: {  	_ =	sfence.sel $0x180000  }
0x18c: {  	[bflag:$0x0] =	sbarrier.arrive $0xFFFF  }
0x18d: {  	_ =	strace $0x9000004D  }
0x18e: {  	s0 =	stileid.u32;
	[bflag:$0x2] =	sbarrier.arrive $0xFFFF  }
0x18f: {  	p0 =	sne.s32 s0, $0x0;
	s0 =	rddreg [dreg:$0x3]  }
0x190: {  	s0 =	sadd.s32 @!p0 $0x100000, s0  }
0x191: {  	[sflag:s0] =	ssyncadd.tile.s32 @!p0 $0x1;
	_ =	shalt  }
.Lfunc_end2:
_tile_overlayer_lowered:
.L_overlay_start_2:
0x192: {  	(tag) =	ssettag $0x2  }
0x193: {  	s0 =	rddreg [dreg:$0x0];
	s2 =	stileid.u32  }
0x194: {  	s1 =	rddreg [dreg:$0x1];
	p0 =	sne.s32 s2, $0x0  }
0x195: {  	s3 =	rddreg [dreg:$0x2];
	[bflag:$0x3] =	sbarrier.arrive $0xFFFF;
	s2 =	simm.s32 @!p0 $0x1C04  }
0x196: {  	[timem:s3], [sflag:s2] =	dma.local @!p0 [hbm:s0], s1  }
0x197: {  	s0 =	simm.s32 @!p0 $0x4  }
0x198: {  	_ =	swait.ge @!p0 [sflag:s0], s1  }
0x199: {  	s1 =	ssub.s32 @!p0 $0x0, s1;
	[sflag:s0] =	ssyncset.done @!p0 $0x0  }
0x19a: {  	[sflag:s0] =	ssyncadd.s32 @!p0 s1  }
0x19b: {  	[bflag:$0x3] =	sbarrier.arrive $0xFFFF  }
0x19c: {  	_ =	shalt  }

// kernel: kernel.8.cloned.1.call-start
scs
__scs_entry_jumppad:
0x0: {  	(pc) =	sbr.rel $0x88, $3  }
0x1: {  	(tag) =	ssettag $0x0;
	lr =	simm.s32 $0x1  }
0x2: {  	[smem:$0x3F9A] =	sst lr;
	_ =	strace $0xD0000000  }
0x3: {  	_ = 	snop  }
0x4: {  	_ = 	snop  }
0x5: {  	_ = 	snop  }
0x6: {  	_ = 	snop  }
0x7: {  	_ = 	snop  }
__scs_overlays_trampoline_lowered:
0x8: {  	[smem:$0x3FA9] =	sst s0  }
0x9: {  	[smem:$0x3FAA] =	sst s1  }
0xa: {  	[smem:$0x3FAB] =	sst s2  }
0xb: {  	[smem:$0x3FAC] =	sst s3  }
0xc: {  	[smem:$0x3FAD] =	sst s4  }
0xd: {  	[smem:$0x3FAE] =	sst s5  }
0xe: {  	[smem:$0x3FAF] =	sst s6  }
0xf: {  	[smem:$0x3FB0] =	sst s7  }
0x10: {  	[smem:$0x3FB1] =	sst s8  }
0x11: {  	[smem:$0x3FB2] =	sst s9;
	s0 =	simm.s32 @!p0 $0x0  }
0x12: {  	s1 =	sld [smem:$0x3F98];
	s0 =	simm.s32 @p0 $0x1  }
0x13: {  	[smem:$0x3FB3] =	sst s0;
	s0 =	simm.s32 @!p1 $0x0  }
0x14: {  	s2 =	sld [smem:$0x3F97];
	s0 =	simm.s32 @p1 $0x1  }
0x15: {  	[smem:$0x3FB4] =	sst s0;
	s0 =	simm.s32 @!p2 $0x0  }
0x16: {  	s3 =	sld [smem:$0x3FDB];
	s0 =	simm.s32 @p2 $0x1  }
0x17: {  	s4 =	simm.s32 $0x1BF5;
	[smem:$0x3FB6] =	sst s0  }
0x18: {  	s0 =	sld [smem:$0x3F99];
	_ =	swait.ge [sflag:s4], $0x0  }
0x19: {  	s7 =	sld [smem:$0x3F9A]  }
0x1a: {  	s8 =	sadd.s32 $0xFFFFE003, lr  }
0x1b: {  	s9 =	sadd.s32 $0xFFFFFEF7, lr;
	s5 =	simm.s32 $0xFFFFFFFF;
	p2 =	slt.u32 s8, $0xFFFFF086  }
0x1c: {  	p1 =	slt.u32 s9, $0xF7A;
	s5 =	simm.s32 @!p2 $0x0  }
0x1d: {  	s5 =	simm.s32 @p1 $0x1;
	p0 =	seq.s32 s7, s2  }
0x1e: {  	s7 =	smul.u32 @!p0 $0xF7A, s2;
	p2 =	seq.s32 @!p0 s5, $0x0  }
0x1f: {  	s9 =	smul.u32 $0xF7A, s1;
	s8 =	simm.s32 @!p0 $0x1BF5;
	p2 =	por !p2, p0  }
0x20: {  	[sflag:s8] =	ssyncset.s32 @!p0 $0xFFFFF086;
	s6 =	sadd.s32 @!p0 s3, s7;
	s7 =	simm.s32 @!p0 $0x108  }
0x21: {  	s3 =	sadd.s32 s3, s9;
	s6 =	sadd.s32 @!p0 $0x88, s6;
	s7 =	simm.s32 @p2 $0x1082  }
0x22: {  	[simem:s7], [sflag:s8] =	dma.local @!p0 [hbm:s6], $0xF7A  }
0x23: {  	s9 =	sor.u32 $0xD0000000, s2;
	s6 =	simm.s32 $0x108;
	_ =	swait.ge @!p0 [sflag:s8], $0x0  }
0x24: {  	s3 =	sadd.s32 $0x88, s3;
	s6 =	simm.s32 @!p1 $0x1082;
	[sflag:s4] =	ssyncset.s32 $0xFFFFF086  }
0x25: {  	[simem:s6], [sflag:s4] =	dma.local [hbm:s3], $0xF7A  }
0x26: {  	[smem:$0x3F9A] =	sst s1;
	(tag) =	ssettag s2;
	_ =	strace s9  }
0x27: {  	s1 =	sld [smem:$0x3FAA]  }
0x28: {  	s2 =	sld [smem:$0x3FAB]  }
0x29: {  	s4 =	sld [smem:$0x3FAD]  }
0x2a: {  	p0 =	seq.s32 s5, $0x0;
	s5 =	sld [smem:$0x3FAE]  }
0x2b: {  	s6 =	sld [smem:$0x3FAF]  }
0x2c: {  	s7 =	sld [smem:$0x3FB0]  }
0x2d: {  	s3 =	simm.s32 $0x108;
	s8 =	sld [smem:$0x3FB1]  }
0x2e: {  	s3 =	simm.s32 @!p0 $0x1082;
	s9 =	sld [smem:$0x3FB2]  }
0x2f: {  	lr =	sadd.s32 s0, s3;
	s0 =	sld [smem:$0x3FA9]  }
0x30: {  	s3 =	sld [smem:$0x3FAC]  }
0x31: {  	[smem:$0x3FB5] =	sst s10  }
0x32: {  	s10 =	sld [smem:$0x3FB3];
	_ =	sdelay $0x3  }
0x33: {  	p0 =	seq.s32 s10, $0x1;
	s10 =	sld [smem:$0x3FB5];
	_ =	sdelay $0x3  }
0x34: {  	[smem:$0x3FB5] =	sst s10  }
0x35: {  	s10 =	sld [smem:$0x3FB4];
	_ =	sdelay $0x3  }
0x36: {  	p1 =	seq.s32 s10, $0x1;
	s10 =	sld [smem:$0x3FB5];
	_ =	sdelay $0x3  }
0x37: {  	[smem:$0x3FB5] =	sst s10  }
0x38: {  	s10 =	sld [smem:$0x3FB6]  }
0x39: {  	_ = 	snop;
	(pc) =	sbr.ind lr, $3  }
0x3a: {  	_ = 	snop  }
0x3b: {  	_ = 	snop  }
0x3c: {  	p2 =	seq.s32 s10, $0x1;
	s10 =	sld [smem:$0x3FB5]  }
0x3d: {  	_ =	shalt  }
0x3e: {  	_ =	shalt  }
0x3f: {  	_ =	shalt  }
0x40: {  	_ =	shalt  }
0x41: {  	_ =	shalt  }
0x42: {  	_ =	shalt  }
0x43: {  	_ =	shalt  }
0x44: {  	_ =	shalt  }
0x45: {  	_ =	shalt  }
0x46: {  	_ =	shalt  }
0x47: {  	_ =	shalt  }
0x48: {  	_ =	shalt  }
0x49: {  	_ =	shalt  }
0x4a: {  	_ =	shalt  }
0x4b: {  	_ =	shalt  }
0x4c: {  	_ =	shalt  }
0x4d: {  	_ =	shalt  }
0x4e: {  	_ =	shalt  }
0x4f: {  	_ =	shalt  }
0x50: {  	_ =	shalt  }
0x51: {  	_ =	shalt  }
0x52: {  	_ =	shalt  }
0x53: {  	_ =	shalt  }
0x54: {  	_ =	shalt  }
0x55: {  	_ =	shalt  }
0x56: {  	_ =	shalt  }
0x57: {  	_ =	shalt  }
0x58: {  	_ =	shalt  }
0x59: {  	_ =	shalt  }
0x5a: {  	_ =	shalt  }
0x5b: {  	_ =	shalt  }
0x5c: {  	_ =	shalt  }
0x5d: {  	_ =	shalt  }
0x5e: {  	_ =	shalt  }
0x5f: {  	_ =	shalt  }
0x60: {  	_ =	shalt  }
0x61: {  	_ =	shalt  }
0x62: {  	_ =	shalt  }
0x63: {  	_ =	shalt  }
0x64: {  	_ =	shalt  }
0x65: {  	_ =	shalt  }
0x66: {  	_ =	shalt  }
0x67: {  	_ =	shalt  }
0x68: {  	_ =	shalt  }
0x69: {  	_ =	shalt  }
0x6a: {  	_ =	shalt  }
0x6b: {  	_ =	shalt  }
0x6c: {  	_ =	shalt  }
0x6d: {  	_ =	shalt  }
0x6e: {  	_ =	shalt  }
0x6f: {  	_ =	shalt  }
0x70: {  	_ =	shalt  }
0x71: {  	_ =	shalt  }
0x72: {  	_ =	shalt  }
0x73: {  	_ =	shalt  }
0x74: {  	_ =	shalt  }
0x75: {  	_ =	shalt  }
0x76: {  	_ =	shalt  }
0x77: {  	_ =	shalt  }
0x78: {  	_ =	shalt  }
0x79: {  	_ =	shalt  }
0x7a: {  	_ =	shalt  }
0x7b: {  	_ =	shalt  }
0x7c: {  	_ =	shalt  }
0x7d: {  	_ =	shalt  }
0x7e: {  	_ =	shalt  }
0x7f: {  	_ =	shalt  }
0x80: {  	_ =	shalt  }
0x81: {  	_ =	shalt  }
0x82: {  	_ =	shalt  }
0x83: {  	_ =	shalt  }
0x84: {  	_ =	shalt  }
0x85: {  	_ =	shalt  }
0x86: {  	_ =	shalt  }
0x87: {  	_ =	shalt  }
.Lfunc_end0:
.L_simem_size_0:
called_computation_lowered:
.L_overlay_start_0:
0x88: {  	s2 =	sld [smem:$0x3FD9]  }
0x89: {  	s3 =	sld [smem:$0x3FFE];
	_ =	sdelay $0x1  }
0x8a: {  	s1 =	srdreg.scid  }
0x8b: {  	s0 =	sand.u32 $0x1, s1  }
0x8c: {  	s17 =	sshll.u32 s0, $0xA;
	s2 =	sadd.s32 s3, s2  }
0x8d: {  	s2 =	sadd.s32 s2, s17  }
0x8e: {  	[smem:$0x3FC1] =	sst s2  }
0x8f: {  	_ = 	snop  }
0x90: {  	s2 =	sld [smem:$0x3FC9]  }
0x91: {  	s18 =	sld [smem:$0x3FC8]  }
0x92: {  	s4 =	sld [smem:$0x3FD0];
	(tm) =	ssettm $0x1  }
0x93: {  	s5 =	sld [smem:$0x3FFB];
	_ =	sdelay $0x3  }
0x94: {  	_ =	strace s5  }
0x95: {  	s5 =	sld [smem:$0x3FFC];
	_ =	sdelay $0x3  }
0x96: {  	_ =	strace s5  }
0x97: {  	s5 =	sld [smem:$0x3FFD];
	_ =	sdelay $0x3  }
0x98: {  	_ =	strace s5  }
0x99: {  	_ =	strace $0x8FFFFFFF  }
0x9a: {  	s19 =	sld [smem:$0x3FDB];
	_ =	sdelay $0x1  }
0x9b: {  	s6 =	simm.s32 $_scs_section_size  }
0x9c: {  	s7 =	simm.s32 $_size__tile_overlayer_lowered;
	s8 =	simm.s32 $_tile_overlayer_lowered  }
0x9d: {  	s22 =	simm.s32 $0x1BFF;
	s21 =	sshll.u32 s8, $0x1;
	s5 =	sadd.s32 s6, s19  }
0x9e: {  	s9 =	simm.s32 $0x0;
	s20 =	sshll.u32 s7, $0x1;
	s7 =	sadd.s32 s21, s5  }
0x9f: {  	[timem:s9], [sflag:s22] =	dma.local [hbm:s7], s20  }
0xa0: {  	_ =	swait.ge [sflag:s22], s20  }
0xa1: {  	s6 =	ssub.s32 $0x0, s20;
	[sflag:s22] =	ssyncset.done $0x0  }
0xa2: {  	[sflag:s22] =	ssyncadd.s32 s6;
	_ =	sdelay $0x1  }
0xa3: {  	s23 =	simm.s32 $0x1B8B  }
0xa4: {  	_ =	swait.ge [sflag:s23], $0x1  }
0xa5: {  	[sflag:s23] =	ssyncset.done $0x0  }
0xa6: {  	s25 =	simm.s32 $0x1B8E;
	s24 =	sld [smem:$0x3FFE];
	[sflag:s23] =	ssyncadd.s32 $0xFFFFFFFF  }
0xa7: {  	s26 =	simm.s32 $execute0_lowered;
	[smem:$0x3FD2] =	sst s25  }
0xa8: {  	s7 =	sshll.u32 s26, $0x1;
	_ =	strace $0x80000046;
	[dreg:$0x1] =	wrdreg $0xFFFFFFFF  }
0xa9: {  	s28 =	simm.s32 $_size_execute0_lowered;
	s5 =	sadd.s32 s5, s7;
	[dreg:$0x0] =	wrdreg $0x0  }
0xaa: {  	s7 =	sshll.u32 s28, $0x1;
	[dreg:$0x2] =	wrdreg s5  }
0xab: {  	[dreg:$0x3] =	wrdreg s7  }
0xac: {  	[dreg:$0x4] =	wrdreg $0xC0  }
0xad: {  	_ =	task [dreg:s9], $0x5FFFF  }
0xae: {  	[dreg:$0x1] =	wrdreg $0xFFFFFFFF  }
0xaf: {  	[dreg:$0x0] =	wrdreg $0x60  }
0xb0: {  	[dreg:$0x2] =	wrdreg s2  }
0xb1: {  	[dreg:$0x3] =	wrdreg s18  }
0xb2: {  	[dreg:$0x4] =	wrdreg s4  }
0xb3: {  	[dreg:$0x5] =	wrdreg s24  }
0xb4: {  	[dreg:$0x6] =	wrdreg $0x9  }
0xb5: {  	_ =	task.clear_ibuf [dreg:s9], $0x7FFFF;
	_ =	strace $0x90000046  }
0xb6: {  	s29 =	simm.s32 $0x9;
	_ =	strace $0x80000048  }
0xb7: {  	_ =	swait.ge [sflag:s29], $0x1  }
0xb8: {  	[sflag:s29] =	ssyncadd.s32 $0xFFFFFFFF  }
0xb9: {  	_ =	strace $0x90000048  }
0xba: {  	_ =	sfence  }
0xbb: {  	s30 =	sld [smem:$0x0];
	_ =	sdelay $0x2  }
0xbc: {  	s31 =	sshll.u32 s1, $0xD;
	s1 =	sshrl.u32 s1, $0x2  }
0xbd: {  	s3 =	sand.u32 $0x4000, s31;
	s1 =	sadd.s32 s1, s30  }
0xbe: {  	s0 =	sor.u32 s3, s0;
	s1 =	sshll.u32 s1, $0x11  }
0xbf: {  	s0 =	sor.u32 s1, s0  }
0xc0: {  	s0 =	sadd.s32 $0x8F2B, s0  }
0xc1: {  	[sflag:s0] =	ssyncadd.remote.s32 $0x1  }
0xc2: {  	_ =	sfence.sel $0xFFFF  }
0xc3: {  	[dreg:$0x0] =	wrdreg $0xFFFFFFFF;
	(pc) =	sbr.abs _section_cstart, $3  }
0xc4: {  	[dreg:$0x1] =	wrdreg $0xFFFFFFFF  }
0xc5: {  	_ =	task.clear_ibuf [dreg:s9], $0x2FFFF;
	_ =	strace $0x9FFFFFFF  }
0xc6: {  	(tm) =	ssettm $0x7FFFFFFF  }
0xc7: {  	_ =	shalt  }
tec
execute0_lowered:
.L_overlay_start_1:
0x0: {  	(tag) =	ssettag $0x1  }
0x1: {  	s1 =	rddreg [dreg:$0x0]  }
0x2: {  	s0 =	srdreg.scid;
	s2 =	rddreg [dreg:$0x1]  }
0x3: {  	s3 =	stileid.u32;
	s5 =	rddreg [dreg:$0x2]  }
0x4: {  	s6 =	rddreg [dreg:$0x3];
	s4 =	simm.s32 $0x0;
	s14 =	simm.s32 $0x7180  }
0x5: {  	s31 =	simm.s32 $0x2;
	s0 =	sand.u32 $0x1, s0;
	s3 =	sshll.u32 s3, $0x1  }
0x6: {  	s28 =	simm.s32 $0x4180;
	s29 =	simm.s32 $0x4980;
	s3 =	sor.u32 s0, s3  }
0x7: {  	s30 =	simm.s32 $0x5180;
	s8 =	simm.s32 $0x6180;
	s7 =	smul.u32 $0x23000, s3  }
0x8: {  	s9 =	simm.s32 $0xA980;
	s10 =	simm.s32 $0xB180;
	s3 =	smul.u32 $0x23, s3  }
0x9: {  	s11 =	simm.s32 $0xB980;
	s12 =	simm.s32 $0xC180;
	s7 =	sshrl.u32 s7, $0x3  }
0xa: {  	[smem:$0x7FF] =	sst s4;
	s3 =	sadd.s32 s5, s3;
	s6 =	sadd.s32 s7, s6  }
0xb: {  	_ =	strace $0x80000047;
	[dreg:$0x5] =	wrdreg s3;
	s16 =	sadd.s32 $0x2400, s6  }
0xc: {  	s13 =	simm.s32 $0xC980;
	s17 =	sadd.s32 $0x2500, s6;
	[dreg:$0x6] =	wrdreg s16  }
0xd: {  	s15 =	simm.s32 $0xD180;
	s18 =	sadd.s32 $0x3200, s6;
	[dreg:$0x7] =	wrdreg s17  }
0xe: {  	s0 =	ssub.s32 $0x2, s0;
	s19 =	sadd.s32 $0x3300, s6;
	[dreg:$0x8] =	wrdreg s18  }
0xf: {  	s24 =	sshrl.u32 s0, $0x1;
	s20 =	sadd.s32 $0x4000, s6;
	[dreg:$0x9] =	wrdreg s19  }
0x10: {  	s0 =	ssub.s32 s0, s24;
	s21 =	sadd.s32 $0x4100, s6;
	[dreg:$0xa] =	wrdreg s20  }
0x11: {  	s24 =	simm.s32 $0xA180;
	s22 =	sadd.s32 $0x4E00, s6;
	[dreg:$0xb] =	wrdreg s21  }
0x12: {  	s5 =	smax.u32 s0, $0x1;
	s23 =	sadd.s32 $0x4F00, s6;
	[dreg:$0xc] =	wrdreg s22  }
0x13: {  	s0 =	simm.s32 $0x3;
	s25 =	sadd.s32 $0x5C00, s6;
	[dreg:$0xd] =	wrdreg s23  }
0x14: {  	s7 =	simm.s32 $0x6980;
	s26 =	sadd.s32 $0x5D00, s6;
	[dreg:$0xe] =	wrdreg s25  }
0x15: {  	v2 =	vlaneseq.u32;
	[dreg:$0xf] =	wrdreg s26;
	s17 =	simm.s32 $0x180;
	s21 =	simm.s32 $0x1  }
0x16: {  	vm0 =	vmmov $0xffff;
	v1 =	vshrl.u32 v2, $0x3;
	s22 =	simm.s32 $0x800;
	s23 =	simm.s32 $0x1000;
	s18 =	simm.s32 $0x8980  }
0x17: {  	v0 =	vand.u32 $0x7, v2;
	v2 =	vor.u32 $0x8, v2;
	v1 =	vmul.u32 $0x8, v1;
	s19 =	simm.s32 $0x9180;
	s20 =	simm.s32 $0x9980;
	s16 =	simm.s32 $0xD980  }
.LBB2_1:
0x18: {  	s25 =	rddreg [dreg:$0x5];
	s6 =	simm.s32 $0x4  }
0x19: {  	[tilespmem:s4], [sflag:$0x4] =	stream.linear.gather [hbm4b:s25+s4], $0x118, $0x38;
	[tilespmem:$0xE180] =	vst v63  }
0x1a: {  	_ =	swait.ge [sflag:s6], $0x118  }
0x1b: {  	[sflag:s6] =	ssyncset.done $0x0  }
0x1c: {  	[sflag:s6] =	ssyncadd.s32 $0xFFFFFEE8  }
0x1d: {  	v3 =	vld [tilespmem:$0x0];
	_ =	sdelay $0x4  }
0x1e: {  	v4 =	vshll.u32 v3, $0x1  }
0x1f: {  	v3 =	vand.u32 $0x7, v3;
	v4 =	vand.u32 $0xFFFFFFF0, v4  }
0x20: {  	v3 =	vor.u32 v3, v4  }
0x21: {  	v4 =	vperm.xlane v3, v0;
	_ =	sdelay $0x1  }
0x22: {  	v3 =	vperm.xlane v3, v2;
	v4 =	vadd.s32 v1, v4;
	_ =	sdelay $0x1  }
0x23: {  	v3 =	vadd.s32 v1, v3;
	_ =	sdelay $0x2  }
0x24: {  	[tilespmem:s17], [sflag:$0x1] =	stream.indirect_vreg.gather [hbm4b:s1+s4], $0x80, v4, vm0, $0xb8;
	[tilespmem:$0xE180] =	vst v63  }
0x25: {  	s3 =	simm.s32 $0x980  }
0x26: {  	[tilespmem:s3], [sflag:$0x1] =	stream.indirect_vreg.gather [hbm4b:s1+s4], $0x80, v3, vm0, $0xb8;
	[tilespmem:$0xE180] =	vst v63  }
0x27: {  	v3 =	vld [tilespmem:$0x10];
	_ =	sdelay $0x4  }
0x28: {  	v25 =	vshll.u32 v3, $0x1  }
0x29: {  	v3 =	vand.u32 $0x7, v3;
	v4 =	vand.u32 $0xFFFFFFF0, v25  }
0x2a: {  	v3 =	vor.u32 v3, v4  }
0x2b: {  	v4 =	vperm.xlane v3, v0;
	_ =	sdelay $0x1  }
0x2c: {  	v3 =	vperm.xlane v3, v2;
	v4 =	vadd.s32 v1, v4;
	_ =	sdelay $0x1  }
0x2d: {  	v3 =	vadd.s32 v1, v3;
	_ =	sdelay $0x1  }
0x2e: {  	s26 =	simm.s32 $0x1180  }
0x2f: {  	[tilespmem:s26], [sflag:$0x1] =	stream.indirect_vreg.gather [hbm4b:s1+s4], $0x80, v4, vm0, $0xb8;
	[tilespmem:$0xE180] =	vst v63  }
0x30: {  	s6 =	simm.s32 $0x1980  }
0x31: {  	[tilespmem:s6], [sflag:$0x1] =	stream.indirect_vreg.gather [hbm4b:s1+s4], $0x80, v3, vm0, $0xb8;
	[tilespmem:$0xE180] =	vst v63  }
0x32: {  	v3 =	vld [tilespmem:$0x20];
	_ =	sdelay $0x4  }
0x33: {  	v26 =	vshll.u32 v3, $0x1  }
0x34: {  	v3 =	vand.u32 $0x7, v3;
	v4 =	vand.u32 $0xFFFFFFF0, v26  }
0x35: {  	v3 =	vor.u32 v3, v4  }
0x36: {  	v4 =	vperm.xlane v3, v0;
	_ =	sdelay $0x1  }
0x37: {  	v3 =	vperm.xlane v3, v2;
	v4 =	vadd.s32 v1, v4;
	_ =	sdelay $0x1  }
0x38: {  	v3 =	vadd.s32 v1, v3;
	_ =	sdelay $0x1  }
0x39: {  	s25 =	simm.s32 $0x2180  }
0x3a: {  	[tilespmem:s25], [sflag:$0x1] =	stream.indirect_vreg.gather [hbm4b:s1+s4], $0x80, v4, vm0, $0xb8;
	[tilespmem:$0xE180] =	vst v63  }
0x3b: {  	s26 =	simm.s32 $0x2980  }
0x3c: {  	[tilespmem:s26], [sflag:$0x1] =	stream.indirect_vreg.gather [hbm4b:s1+s4], $0x80, v3, vm0, $0xb8;
	[tilespmem:$0xE180] =	vst v63  }
0x3d: {  	v3 =	vld.msk [tilespmem:$0x30], $0xff;
	_ =	sdelay $0x4  }
0x3e: {  	v27 =	vshll.u32 v3, $0x1  }
0x3f: {  	v3 =	vand.u32 $0x7, v3;
	v4 =	vand.u32 $0xFFFFFFF0, v27  }
0x40: {  	v3 =	vor.u32 v3, v4  }
0x41: {  	v3 =	vperm.xlane v3, v0;
	_ =	sdelay $0x1  }
0x42: {  	v3 =	vadd.s32 v1, v3;
	_ =	sdelay $0x3  }
0x43: {  	s6 =	simm.s32 $0x3180  }
0x44: {  	[tilespmem:s6], [sflag:$0x1] =	stream.indirect_vreg.gather [hbm4b:s1+s4], $0x80, v3, vm0, $0xb8;
	[tilespmem:$0xE180] =	vst v63  }
0x45: {  	v3 =	vld [tilespmem:$0x0];
	_ =	sdelay $0x4  }
0x46: {  	v28 =	vshll.u32 v3, $0x1  }
0x47: {  	v3 =	vand.u32 $0x7, v3;
	v4 =	vand.u32 $0xFFFFFFF0, v28  }
0x48: {  	v3 =	vor.u32 v3, v4  }
0x49: {  	v4 =	vperm.xlane v3, v0;
	_ =	sdelay $0x1  }
0x4a: {  	v3 =	vperm.xlane v3, v2;
	v4 =	vadd.s32 v1, v4;
	_ =	sdelay $0x1  }
0x4b: {  	v3 =	vadd.s32 v1, v3;
	_ =	sdelay $0x2  }
0x4c: {  	[tilespmem:s14], [sflag:$0x1] =	stream.indirect_vreg.gather [hbm4b:s2+s4], $0x80, v4, vm0, $0xb8;
	[tilespmem:$0xE180] =	vst v63  }
0x4d: {  	s25 =	simm.s32 $0x7980  }
0x4e: {  	[tilespmem:s25], [sflag:$0x1] =	stream.indirect_vreg.gather [hbm4b:s2+s4], $0x80, v3, vm0, $0xb8;
	[tilespmem:$0xE180] =	vst v63  }
0x4f: {  	v3 =	vld [tilespmem:$0x10];
	_ =	sdelay $0x4  }
0x50: {  	v29 =	vshll.u32 v3, $0x1  }
0x51: {  	v3 =	vand.u32 $0x7, v3;
	v4 =	vand.u32 $0xFFFFFFF0, v29  }
0x52: {  	v3 =	vor.u32 v3, v4  }
0x53: {  	v4 =	vperm.xlane v3, v0;
	_ =	sdelay $0x1  }
0x54: {  	v3 =	vperm.xlane v3, v2;
	v4 =	vadd.s32 v1, v4;
	_ =	sdelay $0x1  }
0x55: {  	v3 =	vadd.s32 v1, v3;
	_ =	sdelay $0x1  }
0x56: {  	s26 =	simm.s32 $0x8180  }
0x57: {  	[tilespmem:s26], [sflag:$0x1] =	stream.indirect_vreg.gather [hbm4b:s2+s4], $0x80, v4, vm0, $0xb8;
	[tilespmem:$0xE180] =	vst v63  }
0x58: {  	_ = 	snop  }
0x59: {  	[tilespmem:s18], [sflag:$0x1] =	stream.indirect_vreg.gather [hbm4b:s2+s4], $0x80, v3, vm0, $0xb8;
	[tilespmem:$0xE180] =	vst v63  }
0x5a: {  	v3 =	vld [tilespmem:$0x20];
	_ =	sdelay $0x4  }
0x5b: {  	v30 =	vshll.u32 v3, $0x1  }
0x5c: {  	v3 =	vand.u32 $0x7, v3;
	v4 =	vand.u32 $0xFFFFFFF0, v30  }
0x5d: {  	v3 =	vor.u32 v3, v4  }
0x5e: {  	v4 =	vperm.xlane v3, v0;
	_ =	sdelay $0x1  }
0x5f: {  	v3 =	vperm.xlane v3, v2;
	v4 =	vadd.s32 v1, v4;
	_ =	sdelay $0x1  }
0x60: {  	v3 =	vadd.s32 v1, v3;
	_ =	sdelay $0x2  }
0x61: {  	[tilespmem:s19], [sflag:$0x1] =	stream.indirect_vreg.gather [hbm4b:s2+s4], $0x80, v4, vm0, $0xb8;
	[tilespmem:$0xE180] =	vst v63  }
0x62: {  	_ = 	snop  }
0x63: {  	[tilespmem:s20], [sflag:$0x1] =	stream.indirect_vreg.gather [hbm4b:s2+s4], $0x80, v3, vm0, $0xb8;
	[tilespmem:$0xE180] =	vst v63  }
0x64: {  	v3 =	vld.msk [tilespmem:$0x30], $0xff;
	_ =	sdelay $0x4  }
0x65: {  	v31 =	vshll.u32 v3, $0x1  }
0x66: {  	v3 =	vand.u32 $0x7, v3;
	v4 =	vand.u32 $0xFFFFFFF0, v31  }
0x67: {  	v3 =	vor.u32 v3, v4  }
0x68: {  	v3 =	vperm.xlane v3, v0;
	_ =	sdelay $0x1  }
0x69: {  	v3 =	vadd.s32 v1, v3;
	_ =	sdelay $0x4  }
0x6a: {  	[tilespmem:s24], [sflag:$0x1] =	stream.indirect_vreg.gather [hbm4b:s2+s4], $0x80, v3, vm0, $0xb8;
	[tilespmem:$0xE180] =	vst v63  }
0x6b: {  	_ =	swait.ge [sflag:s21], $0x3800  }
0x6c: {  	[sflag:s21] =	ssyncset.done $0x0  }
0x6d: {  	[sflag:s21] =	ssyncadd.s32 $0xFFFFC800  }
0x6e: {  	_ =	swait.ge [sflag:s21], $0x3800  }
0x6f: {  	[sflag:s21] =	ssyncset.done $0x0  }
0x70: {  	s6 =	rddreg [dreg:$0x6];
	[sflag:s21] =	ssyncadd.s32 $0xFFFFC800  }
0x71: {  	[hbm4b:s6+s22] =	stream.strided.scatter [tilespmem:s17], [sflag:$0x2], $0x3800, s23, s22, $0x38;
	[tilespmem:$0xE180] =	vst v63  }
0x72: {  	s26 =	rddreg [dreg:$0x7]  }
0x73: {  	[hbm4b:s26+s22] =	stream.strided.scatter [tilespmem:s14], [sflag:$0x2], $0x3800, s23, s22, $0x38;
	[tilespmem:$0xE180] =	vst v63  }
0x74: {  	v3 =	vld [tilespmem:$0x38];
	_ =	sdelay $0x4  }
0x75: {  	v32 =	vshll.u32 v3, $0x1  }
0x76: {  	v3 =	vand.u32 $0x7, v3;
	v4 =	vand.u32 $0xFFFFFFF0, v32  }
0x77: {  	v3 =	vor.u32 v3, v4  }
0x78: {  	v4 =	vperm.xlane v3, v0;
	_ =	sdelay $0x1  }
0x79: {  	v3 =	vperm.xlane v3, v2;
	v4 =	vadd.s32 v1, v4;
	_ =	sdelay $0x1  }
0x7a: {  	v3 =	vadd.s32 v1, v3;
	_ =	sdelay $0x1  }
0x7b: {  	s3 =	simm.s32 $0x3980  }
0x7c: {  	[tilespmem:s3], [sflag:$0x1] =	stream.indirect_vreg.gather [hbm4b:s1+s4], $0x80, v4, vm0, $0xb8;
	[tilespmem:$0xE180] =	vst v63  }
0x7d: {  	_ = 	snop  }
0x7e: {  	[tilespmem:s28], [sflag:$0x1] =	stream.indirect_vreg.gather [hbm4b:s1+s4], $0x80, v3, vm0, $0xb8;
	[tilespmem:$0xE180] =	vst v63  }
0x7f: {  	v3 =	vld [tilespmem:$0x48];
	_ =	sdelay $0x4  }
0x80: {  	v33 =	vshll.u32 v3, $0x1  }
0x81: {  	v3 =	vand.u32 $0x7, v3;
	v4 =	vand.u32 $0xFFFFFFF0, v33  }
0x82: {  	v3 =	vor.u32 v3, v4  }
0x83: {  	v4 =	vperm.xlane v3, v0;
	_ =	sdelay $0x1  }
0x84: {  	v3 =	vperm.xlane v3, v2;
	v4 =	vadd.s32 v1, v4;
	_ =	sdelay $0x1  }
0x85: {  	v3 =	vadd.s32 v1, v3;
	_ =	sdelay $0x2  }
0x86: {  	[tilespmem:s29], [sflag:$0x1] =	stream.indirect_vreg.gather [hbm4b:s1+s4], $0x80, v4, vm0, $0xb8;
	[tilespmem:$0xE180] =	vst v63  }
0x87: {  	_ = 	snop  }
0x88: {  	[tilespmem:s30], [sflag:$0x1] =	stream.indirect_vreg.gather [hbm4b:s1+s4], $0x80, v3, vm0, $0xb8;
	[tilespmem:$0xE180] =	vst v63  }
0x89: {  	v3 =	vld [tilespmem:$0x58];
	_ =	sdelay $0x4  }
0x8a: {  	v34 =	vshll.u32 v3, $0x1  }
0x8b: {  	v3 =	vand.u32 $0x7, v3;
	v4 =	vand.u32 $0xFFFFFFF0, v34  }
0x8c: {  	v3 =	vor.u32 v3, v4  }
0x8d: {  	v4 =	vperm.xlane v3, v0;
	_ =	sdelay $0x1  }
0x8e: {  	v3 =	vperm.xlane v3, v2;
	v4 =	vadd.s32 v1, v4;
	_ =	sdelay $0x1  }
0x8f: {  	v3 =	vadd.s32 v1, v3;
	_ =	sdelay $0x1  }
0x90: {  	s6 =	simm.s32 $0x5980  }
0x91: {  	[tilespmem:s6], [sflag:$0x1] =	stream.indirect_vreg.gather [hbm4b:s1+s4], $0x80, v4, vm0, $0xb8;
	[tilespmem:$0xE180] =	vst v63  }
0x92: {  	_ = 	snop  }
0x93: {  	[tilespmem:s8], [sflag:$0x1] =	stream.indirect_vreg.gather [hbm4b:s1+s4], $0x80, v3, vm0, $0xb8;
	[tilespmem:$0xE180] =	vst v63  }
0x94: {  	v3 =	vld.msk [tilespmem:$0x68], $0xff;
	_ =	sdelay $0x4  }
0x95: {  	v35 =	vshll.u32 v3, $0x1  }
0x96: {  	v3 =	vand.u32 $0x7, v3;
	v4 =	vand.u32 $0xFFFFFFF0, v35  }
0x97: {  	v3 =	vor.u32 v3, v4  }
0x98: {  	v3 =	vperm.xlane v3, v0;
	_ =	sdelay $0x1  }
0x99: {  	v3 =	vadd.s32 v1, v3;
	_ =	sdelay $0x4  }
0x9a: {  	[tilespmem:s7], [sflag:$0x1] =	stream.indirect_vreg.gather [hbm4b:s1+s4], $0x80, v3, vm0, $0xb8;
	[tilespmem:$0xE180] =	vst v63  }
0x9b: {  	v3 =	vld [tilespmem:$0x38];
	_ =	sdelay $0x4  }
0x9c: {  	v36 =	vshll.u32 v3, $0x1  }
0x9d: {  	v3 =	vand.u32 $0x7, v3;
	v4 =	vand.u32 $0xFFFFFFF0, v36  }
0x9e: {  	v3 =	vor.u32 v3, v4  }
0x9f: {  	v4 =	vperm.xlane v3, v0;
	_ =	sdelay $0x1  }
0xa0: {  	v3 =	vperm.xlane v3, v2;
	v4 =	vadd.s32 v1, v4;
	_ =	sdelay $0x1  }
0xa1: {  	v3 =	vadd.s32 v1, v3;
	_ =	sdelay $0x2  }
0xa2: {  	[tilespmem:s9], [sflag:$0x1] =	stream.indirect_vreg.gather [hbm4b:s2+s4], $0x80, v4, vm0, $0xb8;
	[tilespmem:$0xE180] =	vst v63  }
0xa3: {  	_ = 	snop  }
0xa4: {  	[tilespmem:s10], [sflag:$0x1] =	stream.indirect_vreg.gather [hbm4b:s2+s4], $0x80, v3, vm0, $0xb8;
	[tilespmem:$0xE180] =	vst v63  }
0xa5: {  	v3 =	vld [tilespmem:$0x48];
	_ =	sdelay $0x4  }
0xa6: {  	v37 =	vshll.u32 v3, $0x1  }
0xa7: {  	v3 =	vand.u32 $0x7, v3;
	v4 =	vand.u32 $0xFFFFFFF0, v37  }
0xa8: {  	v3 =	vor.u32 v3, v4  }
0xa9: {  	v4 =	vperm.xlane v3, v0;
	_ =	sdelay $0x1  }
0xaa: {  	v3 =	vperm.xlane v3, v2;
	v4 =	vadd.s32 v1, v4;
	_ =	sdelay $0x1  }
0xab: {  	v3 =	vadd.s32 v1, v3;
	_ =	sdelay $0x2  }
0xac: {  	[tilespmem:s11], [sflag:$0x1] =	stream.indirect_vreg.gather [hbm4b:s2+s4], $0x80, v4, vm0, $0xb8;
	[tilespmem:$0xE180] =	vst v63  }
0xad: {  	_ = 	snop  }
0xae: {  	[tilespmem:s12], [sflag:$0x1] =	stream.indirect_vreg.gather [hbm4b:s2+s4], $0x80, v3, vm0, $0xb8;
	[tilespmem:$0xE180] =	vst v63  }
0xaf: {  	v3 =	vld [tilespmem:$0x58];
	_ =	sdelay $0x4  }
0xb0: {  	v38 =	vshll.u32 v3, $0x1  }
0xb1: {  	v3 =	vand.u32 $0x7, v3;
	v4 =	vand.u32 $0xFFFFFFF0, v38  }
0xb2: {  	v3 =	vor.u32 v3, v4  }
0xb3: {  	v4 =	vperm.xlane v3, v0;
	_ =	sdelay $0x1  }
0xb4: {  	v3 =	vperm.xlane v3, v2;
	v4 =	vadd.s32 v1, v4;
	_ =	sdelay $0x1  }
0xb5: {  	v3 =	vadd.s32 v1, v3;
	_ =	sdelay $0x2  }
0xb6: {  	[tilespmem:s13], [sflag:$0x1] =	stream.indirect_vreg.gather [hbm4b:s2+s4], $0x80, v4, vm0, $0xb8;
	[tilespmem:$0xE180] =	vst v63  }
0xb7: {  	_ = 	snop  }
0xb8: {  	[tilespmem:s15], [sflag:$0x1] =	stream.indirect_vreg.gather [hbm4b:s2+s4], $0x80, v3, vm0, $0xb8;
	[tilespmem:$0xE180] =	vst v63  }
0xb9: {  	v3 =	vld.msk [tilespmem:$0x68], $0xff;
	_ =	sdelay $0x4  }
0xba: {  	v39 =	vshll.u32 v3, $0x1  }
0xbb: {  	v3 =	vand.u32 $0x7, v3;
	v4 =	vand.u32 $0xFFFFFFF0, v39  }
0xbc: {  	v3 =	vor.u32 v3, v4  }
0xbd: {  	v3 =	vperm.xlane v3, v0;
	_ =	sdelay $0x1  }
0xbe: {  	v3 =	vadd.s32 v1, v3;
	_ =	sdelay $0x4  }
0xbf: {  	[tilespmem:s16], [sflag:$0x1] =	stream.indirect_vreg.gather [hbm4b:s2+s4], $0x80, v3, vm0, $0xb8;
	[tilespmem:$0xE180] =	vst v63  }
0xc0: {  	_ =	swait.ge [sflag:s21], $0x3800  }
0xc1: {  	[sflag:s21] =	ssyncset.done $0x0  }
0xc2: {  	[sflag:s21] =	ssyncadd.s32 $0xFFFFC800  }
0xc3: {  	_ =	swait.ge [sflag:s21], $0x3800  }
0xc4: {  	[sflag:s21] =	ssyncset.done $0x0  }
0xc5: {  	s25 =	rddreg [dreg:$0x8];
	[sflag:s21] =	ssyncadd.s32 $0xFFFFC800  }
0xc6: {  	[hbm4b:s25+s22] =	stream.strided.scatter [tilespmem:s3], [sflag:$0x3], $0x3800, s23, s22, $0x38;
	[tilespmem:$0xE180] =	vst v63  }
0xc7: {  	s26 =	rddreg [dreg:$0x9]  }
0xc8: {  	[hbm4b:s26+s22] =	stream.strided.scatter [tilespmem:s9], [sflag:$0x3], $0x3800, s23, s22, $0x38;
	[tilespmem:$0xE180] =	vst v63  }
0xc9: {  	_ =	swait.ge [sflag:s31], $0x3800  }
0xca: {  	[sflag:s31] =	ssyncset.done $0x0  }
0xcb: {  	[sflag:s31] =	ssyncadd.s32 $0xFFFFC800  }
0xcc: {  	_ =	swait.ge [sflag:s31], $0x3800  }
0xcd: {  	[sflag:s31] =	ssyncset.done $0x0  }
0xce: {  	[sflag:s31] =	ssyncadd.s32 $0xFFFFC800  }
0xcf: {  	v3 =	vld [tilespmem:$0x70];
	_ =	sdelay $0x4  }
0xd0: {  	v40 =	vshll.u32 v3, $0x1  }
0xd1: {  	v3 =	vand.u32 $0x7, v3;
	v4 =	vand.u32 $0xFFFFFFF0, v40  }
0xd2: {  	v3 =	vor.u32 v3, v4  }
0xd3: {  	v4 =	vperm.xlane v3, v0;
	_ =	sdelay $0x1  }
0xd4: {  	v3 =	vperm.xlane v3, v2;
	v4 =	vadd.s32 v1, v4;
	_ =	sdelay $0x1  }
0xd5: {  	v3 =	vadd.s32 v1, v3;
	_ =	sdelay $0x2  }
0xd6: {  	[tilespmem:s17], [sflag:$0x1] =	stream.indirect_vreg.gather [hbm4b:s1+s4], $0x80, v4, vm0, $0xb8;
	[tilespmem:$0xE180] =	vst v63  }
0xd7: {  	s26 =	simm.s32 $0x980  }
0xd8: {  	[tilespmem:s26], [sflag:$0x1] =	stream.indirect_vreg.gather [hbm4b:s1+s4], $0x80, v3, vm0, $0xb8;
	[tilespmem:$0xE180] =	vst v63  }
0xd9: {  	v3 =	vld [tilespmem:$0x80];
	_ =	sdelay $0x4  }
0xda: {  	v41 =	vshll.u32 v3, $0x1  }
0xdb: {  	v3 =	vand.u32 $0x7, v3;
	v4 =	vand.u32 $0xFFFFFFF0, v41  }
0xdc: {  	v3 =	vor.u32 v3, v4  }
0xdd: {  	v4 =	vperm.xlane v3, v0;
	_ =	sdelay $0x1  }
0xde: {  	v3 =	vperm.xlane v3, v2;
	v4 =	vadd.s32 v1, v4;
	_ =	sdelay $0x1  }
0xdf: {  	v3 =	vadd.s32 v1, v3;
	_ =	sdelay $0x1  }
0xe0: {  	s26 =	simm.s32 $0x1180  }
0xe1: {  	[tilespmem:s26], [sflag:$0x1] =	stream.indirect_vreg.gather [hbm4b:s1+s4], $0x80, v4, vm0, $0xb8;
	[tilespmem:$0xE180] =	vst v63  }
0xe2: {  	s26 =	simm.s32 $0x1980  }
0xe3: {  	[tilespmem:s26], [sflag:$0x1] =	stream.indirect_vreg.gather [hbm4b:s1+s4], $0x80, v3, vm0, $0xb8;
	[tilespmem:$0xE180] =	vst v63  }
0xe4: {  	v3 =	vld [tilespmem:$0x90];
	_ =	sdelay $0x4  }
0xe5: {  	v42 =	vshll.u32 v3, $0x1  }
0xe6: {  	v3 =	vand.u32 $0x7, v3;
	v4 =	vand.u32 $0xFFFFFFF0, v42  }
0xe7: {  	v3 =	vor.u32 v3, v4  }
0xe8: {  	v4 =	vperm.xlane v3, v0;
	_ =	sdelay $0x1  }
0xe9: {  	v3 =	vperm.xlane v3, v2;
	v4 =	vadd.s32 v1, v4;
	_ =	sdelay $0x1  }
0xea: {  	v3 =	vadd.s32 v1, v3;
	_ =	sdelay $0x1  }
0xeb: {  	s26 =	simm.s32 $0x2180  }
0xec: {  	[tilespmem:s26], [sflag:$0x1] =	stream.indirect_vreg.gather [hbm4b:s1+s4], $0x80, v4, vm0, $0xb8;
	[tilespmem:$0xE180] =	vst v63  }
0xed: {  	s26 =	simm.s32 $0x2980  }
0xee: {  	[tilespmem:s26], [sflag:$0x1] =	stream.indirect_vreg.gather [hbm4b:s1+s4], $0x80, v3, vm0, $0xb8;
	[tilespmem:$0xE180] =	vst v63  }
0xef: {  	v3 =	vld.msk [tilespmem:$0xA0], $0xff;
	_ =	sdelay $0x4  }
0xf0: {  	v43 =	vshll.u32 v3, $0x1  }
0xf1: {  	v3 =	vand.u32 $0x7, v3;
	v4 =	vand.u32 $0xFFFFFFF0, v43  }
0xf2: {  	v3 =	vor.u32 v3, v4  }
0xf3: {  	v3 =	vperm.xlane v3, v0;
	_ =	sdelay $0x1  }
0xf4: {  	v3 =	vadd.s32 v1, v3;
	_ =	sdelay $0x3  }
0xf5: {  	s26 =	simm.s32 $0x3180  }
0xf6: {  	[tilespmem:s26], [sflag:$0x1] =	stream.indirect_vreg.gather [hbm4b:s1+s4], $0x80, v3, vm0, $0xb8;
	[tilespmem:$0xE180] =	vst v63  }
0xf7: {  	v3 =	vld [tilespmem:$0x70];
	_ =	sdelay $0x4  }
0xf8: {  	v44 =	vshll.u32 v3, $0x1  }
0xf9: {  	v3 =	vand.u32 $0x7, v3;
	v4 =	vand.u32 $0xFFFFFFF0, v44  }
0xfa: {  	v3 =	vor.u32 v3, v4  }
0xfb: {  	v4 =	vperm.xlane v3, v0;
	_ =	sdelay $0x1  }
0xfc: {  	v3 =	vperm.xlane v3, v2;
	v4 =	vadd.s32 v1, v4;
	_ =	sdelay $0x1  }
0xfd: {  	v3 =	vadd.s32 v1, v3;
	_ =	sdelay $0x2  }
0xfe: {  	[tilespmem:s14], [sflag:$0x1] =	stream.indirect_vreg.gather [hbm4b:s2+s4], $0x80, v4, vm0, $0xb8;
	[tilespmem:$0xE180] =	vst v63  }
0xff: {  	s26 =	simm.s32 $0x7980  }
0x100: {  	[tilespmem:s26], [sflag:$0x1] =	stream.indirect_vreg.gather [hbm4b:s2+s4], $0x80, v3, vm0, $0xb8;
	[tilespmem:$0xE180] =	vst v63  }
0x101: {  	v3 =	vld [tilespmem:$0x80];
	_ =	sdelay $0x4  }
0x102: {  	v45 =	vshll.u32 v3, $0x1  }
0x103: {  	v3 =	vand.u32 $0x7, v3;
	v4 =	vand.u32 $0xFFFFFFF0, v45  }
0x104: {  	v3 =	vor.u32 v3, v4  }
0x105: {  	v4 =	vperm.xlane v3, v0;
	_ =	sdelay $0x1  }
0x106: {  	v3 =	vperm.xlane v3, v2;
	v4 =	vadd.s32 v1, v4;
	_ =	sdelay $0x1  }
0x107: {  	v3 =	vadd.s32 v1, v3;
	_ =	sdelay $0x1  }
0x108: {  	s26 =	simm.s32 $0x8180  }
0x109: {  	[tilespmem:s26], [sflag:$0x1] =	stream.indirect_vreg.gather [hbm4b:s2+s4], $0x80, v4, vm0, $0xb8;
	[tilespmem:$0xE180] =	vst v63  }
0x10a: {  	_ = 	snop  }
0x10b: {  	[tilespmem:s18], [sflag:$0x1] =	stream.indirect_vreg.gather [hbm4b:s2+s4], $0x80, v3, vm0, $0xb8;
	[tilespmem:$0xE180] =	vst v63  }
0x10c: {  	v3 =	vld [tilespmem:$0x90];
	_ =	sdelay $0x4  }
0x10d: {  	v46 =	vshll.u32 v3, $0x1  }
0x10e: {  	v3 =	vand.u32 $0x7, v3;
	v4 =	vand.u32 $0xFFFFFFF0, v46  }
0x10f: {  	v3 =	vor.u32 v3, v4  }
0x110: {  	v4 =	vperm.xlane v3, v0;
	_ =	sdelay $0x1  }
0x111: {  	v3 =	vperm.xlane v3, v2;
	v4 =	vadd.s32 v1, v4;
	_ =	sdelay $0x1  }
0x112: {  	v3 =	vadd.s32 v1, v3;
	_ =	sdelay $0x2  }
0x113: {  	[tilespmem:s19], [sflag:$0x1] =	stream.indirect_vreg.gather [hbm4b:s2+s4], $0x80, v4, vm0, $0xb8;
	[tilespmem:$0xE180] =	vst v63  }
0x114: {  	_ = 	snop  }
0x115: {  	[tilespmem:s20], [sflag:$0x1] =	stream.indirect_vreg.gather [hbm4b:s2+s4], $0x80, v3, vm0, $0xb8;
	[tilespmem:$0xE180] =	vst v63  }
0x116: {  	v3 =	vld.msk [tilespmem:$0xA0], $0xff;
	_ =	sdelay $0x4  }
0x117: {  	v47 =	vshll.u32 v3, $0x1  }
0x118: {  	v3 =	vand.u32 $0x7, v3;
	v4 =	vand.u32 $0xFFFFFFF0, v47  }
0x119: {  	v3 =	vor.u32 v3, v4  }
0x11a: {  	v3 =	vperm.xlane v3, v0;
	_ =	sdelay $0x1  }
0x11b: {  	v3 =	vadd.s32 v1, v3;
	_ =	sdelay $0x4  }
0x11c: {  	[tilespmem:s24], [sflag:$0x1] =	stream.indirect_vreg.gather [hbm4b:s2+s4], $0x80, v3, vm0, $0xb8;
	[tilespmem:$0xE180] =	vst v63  }
0x11d: {  	_ =	swait.ge [sflag:s21], $0x3800  }
0x11e: {  	[sflag:s21] =	ssyncset.done $0x0  }
0x11f: {  	[sflag:s21] =	ssyncadd.s32 $0xFFFFC800  }
0x120: {  	_ =	swait.ge [sflag:s21], $0x3800  }
0x121: {  	[sflag:s21] =	ssyncset.done $0x0  }
0x122: {  	s25 =	rddreg [dreg:$0xa];
	[sflag:s21] =	ssyncadd.s32 $0xFFFFC800  }
0x123: {  	[hbm4b:s25+s22] =	stream.strided.scatter [tilespmem:s17], [sflag:$0x2], $0x3800, s23, s22, $0x38;
	[tilespmem:$0xE180] =	vst v63  }
0x124: {  	s26 =	rddreg [dreg:$0xb]  }
0x125: {  	[hbm4b:s26+s22] =	stream.strided.scatter [tilespmem:s14], [sflag:$0x2], $0x3800, s23, s22, $0x38;
	[tilespmem:$0xE180] =	vst v63  }
0x126: {  	_ =	swait.ge [sflag:s0], $0x3800  }
0x127: {  	[sflag:s0] =	ssyncset.done $0x0  }
0x128: {  	[sflag:s0] =	ssyncadd.s32 $0xFFFFC800  }
0x129: {  	_ =	swait.ge [sflag:s0], $0x3800  }
0x12a: {  	[sflag:s0] =	ssyncset.done $0x0  }
0x12b: {  	[sflag:s0] =	ssyncadd.s32 $0xFFFFC800  }
0x12c: {  	v3 =	vld [tilespmem:$0xA8];
	_ =	sdelay $0x4  }
0x12d: {  	v48 =	vshll.u32 v3, $0x1  }
0x12e: {  	v3 =	vand.u32 $0x7, v3;
	v4 =	vand.u32 $0xFFFFFFF0, v48  }
0x12f: {  	v3 =	vor.u32 v3, v4  }
0x130: {  	v4 =	vperm.xlane v3, v0;
	_ =	sdelay $0x1  }
0x131: {  	v3 =	vperm.xlane v3, v2;
	v4 =	vadd.s32 v1, v4;
	_ =	sdelay $0x1  }
0x132: {  	v3 =	vadd.s32 v1, v3;
	_ =	sdelay $0x2  }
0x133: {  	[tilespmem:s3], [sflag:$0x1] =	stream.indirect_vreg.gather [hbm4b:s1+s4], $0x80, v4, vm0, $0xb8;
	[tilespmem:$0xE180] =	vst v63  }
0x134: {  	_ = 	snop  }
0x135: {  	[tilespmem:s28], [sflag:$0x1] =	stream.indirect_vreg.gather [hbm4b:s1+s4], $0x80, v3, vm0, $0xb8;
	[tilespmem:$0xE180] =	vst v63  }
0x136: {  	v3 =	vld [tilespmem:$0xB8];
	_ =	sdelay $0x4  }
0x137: {  	v49 =	vshll.u32 v3, $0x1  }
0x138: {  	v3 =	vand.u32 $0x7, v3;
	v4 =	vand.u32 $0xFFFFFFF0, v49  }
0x139: {  	v3 =	vor.u32 v3, v4  }
0x13a: {  	v4 =	vperm.xlane v3, v0;
	_ =	sdelay $0x1  }
0x13b: {  	v3 =	vperm.xlane v3, v2;
	v4 =	vadd.s32 v1, v4;
	_ =	sdelay $0x1  }
0x13c: {  	v3 =	vadd.s32 v1, v3;
	_ =	sdelay $0x2  }
0x13d: {  	[tilespmem:s29], [sflag:$0x1] =	stream.indirect_vreg.gather [hbm4b:s1+s4], $0x80, v4, vm0, $0xb8;
	[tilespmem:$0xE180] =	vst v63  }
0x13e: {  	_ = 	snop  }
0x13f: {  	[tilespmem:s30], [sflag:$0x1] =	stream.indirect_vreg.gather [hbm4b:s1+s4], $0x80, v3, vm0, $0xb8;
	[tilespmem:$0xE180] =	vst v63  }
0x140: {  	v3 =	vld [tilespmem:$0xC8];
	_ =	sdelay $0x4  }
0x141: {  	v50 =	vshll.u32 v3, $0x1  }
0x142: {  	v3 =	vand.u32 $0x7, v3;
	v4 =	vand.u32 $0xFFFFFFF0, v50  }
0x143: {  	v3 =	vor.u32 v3, v4  }
0x144: {  	v4 =	vperm.xlane v3, v0;
	_ =	sdelay $0x1  }
0x145: {  	v3 =	vperm.xlane v3, v2;
	v4 =	vadd.s32 v1, v4;
	_ =	sdelay $0x1  }
0x146: {  	v3 =	vadd.s32 v1, v3;
	_ =	sdelay $0x2  }
0x147: {  	[tilespmem:s6], [sflag:$0x1] =	stream.indirect_vreg.gather [hbm4b:s1+s4], $0x80, v4, vm0, $0xb8;
	[tilespmem:$0xE180] =	vst v63  }
0x148: {  	_ = 	snop  }
0x149: {  	[tilespmem:s8], [sflag:$0x1] =	stream.indirect_vreg.gather [hbm4b:s1+s4], $0x80, v3, vm0, $0xb8;
	[tilespmem:$0xE180] =	vst v63  }
0x14a: {  	v3 =	vld.msk [tilespmem:$0xD8], $0xff;
	_ =	sdelay $0x4  }
0x14b: {  	v51 =	vshll.u32 v3, $0x1  }
0x14c: {  	v3 =	vand.u32 $0x7, v3;
	v4 =	vand.u32 $0xFFFFFFF0, v51  }
0x14d: {  	v3 =	vor.u32 v3, v4  }
0x14e: {  	v3 =	vperm.xlane v3, v0;
	_ =	sdelay $0x1  }
0x14f: {  	v3 =	vadd.s32 v1, v3;
	_ =	sdelay $0x4  }
0x150: {  	[tilespmem:s7], [sflag:$0x1] =	stream.indirect_vreg.gather [hbm4b:s1+s4], $0x80, v3, vm0, $0xb8;
	[tilespmem:$0xE180] =	vst v63  }
0x151: {  	v3 =	vld [tilespmem:$0xA8];
	_ =	sdelay $0x4  }
0x152: {  	v52 =	vshll.u32 v3, $0x1  }
0x153: {  	v3 =	vand.u32 $0x7, v3;
	v4 =	vand.u32 $0xFFFFFFF0, v52  }
0x154: {  	v3 =	vor.u32 v3, v4  }
0x155: {  	v4 =	vperm.xlane v3, v0;
	_ =	sdelay $0x1  }
0x156: {  	v3 =	vperm.xlane v3, v2;
	v4 =	vadd.s32 v1, v4;
	_ =	sdelay $0x1  }
0x157: {  	v3 =	vadd.s32 v1, v3;
	_ =	sdelay $0x2  }
0x158: {  	[tilespmem:s9], [sflag:$0x1] =	stream.indirect_vreg.gather [hbm4b:s2+s4], $0x80, v4, vm0, $0xb8;
	[tilespmem:$0xE180] =	vst v63  }
0x159: {  	_ = 	snop  }
0x15a: {  	[tilespmem:s10], [sflag:$0x1] =	stream.indirect_vreg.gather [hbm4b:s2+s4], $0x80, v3, vm0, $0xb8;
	[tilespmem:$0xE180] =	vst v63  }
0x15b: {  	v3 =	vld [tilespmem:$0xB8];
	_ =	sdelay $0x4  }
0x15c: {  	v53 =	vshll.u32 v3, $0x1  }
0x15d: {  	v3 =	vand.u32 $0x7, v3;
	v4 =	vand.u32 $0xFFFFFFF0, v53  }
0x15e: {  	v3 =	vor.u32 v3, v4  }
0x15f: {  	v4 =	vperm.xlane v3, v0;
	_ =	sdelay $0x1  }
0x160: {  	v3 =	vperm.xlane v3, v2;
	v4 =	vadd.s32 v1, v4;
	_ =	sdelay $0x1  }
0x161: {  	v3 =	vadd.s32 v1, v3;
	_ =	sdelay $0x2  }
0x162: {  	[tilespmem:s11], [sflag:$0x1] =	stream.indirect_vreg.gather [hbm4b:s2+s4], $0x80, v4, vm0, $0xb8;
	[tilespmem:$0xE180] =	vst v63  }
0x163: {  	_ = 	snop  }
0x164: {  	[tilespmem:s12], [sflag:$0x1] =	stream.indirect_vreg.gather [hbm4b:s2+s4], $0x80, v3, vm0, $0xb8;
	[tilespmem:$0xE180] =	vst v63  }
0x165: {  	v3 =	vld [tilespmem:$0xC8];
	_ =	sdelay $0x4  }
0x166: {  	v54 =	vshll.u32 v3, $0x1  }
0x167: {  	v3 =	vand.u32 $0x7, v3;
	v4 =	vand.u32 $0xFFFFFFF0, v54  }
0x168: {  	v3 =	vor.u32 v3, v4  }
0x169: {  	v4 =	vperm.xlane v3, v0;
	_ =	sdelay $0x1  }
0x16a: {  	v3 =	vperm.xlane v3, v2;
	v4 =	vadd.s32 v1, v4;
	_ =	sdelay $0x1  }
0x16b: {  	v3 =	vadd.s32 v1, v3;
	_ =	sdelay $0x2  }
0x16c: {  	[tilespmem:s13], [sflag:$0x1] =	stream.indirect_vreg.gather [hbm4b:s2+s4], $0x80, v4, vm0, $0xb8;
	[tilespmem:$0xE180] =	vst v63  }
0x16d: {  	_ = 	snop  }
0x16e: {  	[tilespmem:s15], [sflag:$0x1] =	stream.indirect_vreg.gather [hbm4b:s2+s4], $0x80, v3, vm0, $0xb8;
	[tilespmem:$0xE180] =	vst v63  }
0x16f: {  	v3 =	vld.msk [tilespmem:$0xD8], $0xff;
	_ =	sdelay $0x4  }
0x170: {  	v55 =	vshll.u32 v3, $0x1  }
0x171: {  	v3 =	vand.u32 $0x7, v3;
	v4 =	vand.u32 $0xFFFFFFF0, v55  }
0x172: {  	v3 =	vor.u32 v3, v4  }
0x173: {  	v3 =	vperm.xlane v3, v0;
	_ =	sdelay $0x1  }
0x174: {  	v3 =	vadd.s32 v1, v3;
	_ =	sdelay $0x4  }
0x175: {  	[tilespmem:s16], [sflag:$0x1] =	stream.indirect_vreg.gather [hbm4b:s2+s4], $0x80, v3, vm0, $0xb8;
	[tilespmem:$0xE180] =	vst v63  }
0x176: {  	_ =	swait.ge [sflag:s21], $0x3800  }
0x177: {  	[sflag:s21] =	ssyncset.done $0x0  }
0x178: {  	[sflag:s21] =	ssyncadd.s32 $0xFFFFC800  }
0x179: {  	_ =	swait.ge [sflag:s21], $0x3800  }
0x17a: {  	[sflag:s21] =	ssyncset.done $0x0  }
0x17b: {  	s26 =	rddreg [dreg:$0xc];
	[sflag:s21] =	ssyncadd.s32 $0xFFFFC800  }
0x17c: {  	[hbm4b:s26+s22] =	stream.strided.scatter [tilespmem:s3], [sflag:$0x3], $0x3800, s23, s22, $0x38;
	[tilespmem:$0xE180] =	vst v63  }
0x17d: {  	s6 =	rddreg [dreg:$0xd]  }
0x17e: {  	[hbm4b:s6+s22] =	stream.strided.scatter [tilespmem:s9], [sflag:$0x3], $0x3800, s23, s22, $0x38;
	[tilespmem:$0xE180] =	vst v63  }
0x17f: {  	_ =	swait.ge [sflag:s31], $0x3800  }
0x180: {  	[sflag:s31] =	ssyncset.done $0x0  }
0x181: {  	[sflag:s31] =	ssyncadd.s32 $0xFFFFC800  }
0x182: {  	_ =	swait.ge [sflag:s31], $0x3800  }
0x183: {  	[sflag:s31] =	ssyncset.done $0x0  }
0x184: {  	[sflag:s31] =	ssyncadd.s32 $0xFFFFC800  }
0x185: {  	v3 =	vld [tilespmem:$0xE0];
	_ =	sdelay $0x4  }
0x186: {  	v56 =	vshll.u32 v3, $0x1  }
0x187: {  	v3 =	vand.u32 $0x7, v3;
	v4 =	vand.u32 $0xFFFFFFF0, v56  }
0x188: {  	v3 =	vor.u32 v3, v4  }
0x189: {  	v4 =	vperm.xlane v3, v0;
	_ =	sdelay $0x1  }
0x18a: {  	v3 =	vperm.xlane v3, v2;
	v4 =	vadd.s32 v1, v4;
	_ =	sdelay $0x1  }
0x18b: {  	v3 =	vadd.s32 v1, v3;
	_ =	sdelay $0x2  }
0x18c: {  	[tilespmem:s17], [sflag:$0x1] =	stream.indirect_vreg.gather [hbm4b:s1+s4], $0x80, v4, vm0, $0xb8;
	[tilespmem:$0xE180] =	vst v63  }
0x18d: {  	s25 =	simm.s32 $0x980  }
0x18e: {  	[tilespmem:s25], [sflag:$0x1] =	stream.indirect_vreg.gather [hbm4b:s1+s4], $0x80, v3, vm0, $0xb8;
	[tilespmem:$0xE180] =	vst v63  }
0x18f: {  	v3 =	vld [tilespmem:$0xF0];
	_ =	sdelay $0x4  }
0x190: {  	v57 =	vshll.u32 v3, $0x1  }
0x191: {  	v3 =	vand.u32 $0x7, v3;
	v4 =	vand.u32 $0xFFFFFFF0, v57  }
0x192: {  	v3 =	vor.u32 v3, v4  }
0x193: {  	v4 =	vperm.xlane v3, v0;
	_ =	sdelay $0x1  }
0x194: {  	v3 =	vperm.xlane v3, v2;
	v4 =	vadd.s32 v1, v4;
	_ =	sdelay $0x1  }
0x195: {  	v3 =	vadd.s32 v1, v3;
	_ =	sdelay $0x1  }
0x196: {  	s26 =	simm.s32 $0x1180  }
0x197: {  	[tilespmem:s26], [sflag:$0x1] =	stream.indirect_vreg.gather [hbm4b:s1+s4], $0x80, v4, vm0, $0xb8;
	[tilespmem:$0xE180] =	vst v63  }
0x198: {  	s6 =	simm.s32 $0x1980  }
0x199: {  	[tilespmem:s6], [sflag:$0x1] =	stream.indirect_vreg.gather [hbm4b:s1+s4], $0x80, v3, vm0, $0xb8;
	[tilespmem:$0xE180] =	vst v63  }
0x19a: {  	v3 =	vld [tilespmem:$0x100];
	_ =	sdelay $0x4  }
0x19b: {  	v58 =	vshll.u32 v3, $0x1  }
0x19c: {  	v3 =	vand.u32 $0x7, v3;
	v4 =	vand.u32 $0xFFFFFFF0, v58  }
0x19d: {  	v3 =	vor.u32 v3, v4  }
0x19e: {  	v4 =	vperm.xlane v3, v0;
	_ =	sdelay $0x1  }
0x19f: {  	v3 =	vperm.xlane v3, v2;
	v4 =	vadd.s32 v1, v4;
	_ =	sdelay $0x1  }
0x1a0: {  	v3 =	vadd.s32 v1, v3;
	_ =	sdelay $0x1  }
0x1a1: {  	s25 =	simm.s32 $0x2180  }
0x1a2: {  	[tilespmem:s25], [sflag:$0x1] =	stream.indirect_vreg.gather [hbm4b:s1+s4], $0x80, v4, vm0, $0xb8;
	[tilespmem:$0xE180] =	vst v63  }
0x1a3: {  	s26 =	simm.s32 $0x2980  }
0x1a4: {  	[tilespmem:s26], [sflag:$0x1] =	stream.indirect_vreg.gather [hbm4b:s1+s4], $0x80, v3, vm0, $0xb8;
	[tilespmem:$0xE180] =	vst v63  }
0x1a5: {  	v3 =	vld.msk [tilespmem:$0x110], $0xff;
	_ =	sdelay $0x4  }
0x1a6: {  	v59 =	vshll.u32 v3, $0x1  }
0x1a7: {  	v3 =	vand.u32 $0x7, v3;
	v4 =	vand.u32 $0xFFFFFFF0, v59  }
0x1a8: {  	v3 =	vor.u32 v3, v4  }
0x1a9: {  	v3 =	vperm.xlane v3, v0;
	_ =	sdelay $0x1  }
0x1aa: {  	v3 =	vadd.s32 v1, v3;
	_ =	sdelay $0x3  }
0x1ab: {  	s6 =	simm.s32 $0x3180  }
0x1ac: {  	[tilespmem:s6], [sflag:$0x1] =	stream.indirect_vreg.gather [hbm4b:s1+s4], $0x80, v3, vm0, $0xb8;
	[tilespmem:$0xE180] =	vst v63  }
0x1ad: {  	v3 =	vld [tilespmem:$0xE0];
	_ =	sdelay $0x4  }
0x1ae: {  	v60 =	vshll.u32 v3, $0x1  }
0x1af: {  	v3 =	vand.u32 $0x7, v3;
	v4 =	vand.u32 $0xFFFFFFF0, v60  }
0x1b0: {  	v3 =	vor.u32 v3, v4  }
0x1b1: {  	v4 =	vperm.xlane v3, v0;
	_ =	sdelay $0x1  }
0x1b2: {  	v3 =	vperm.xlane v3, v2;
	v4 =	vadd.s32 v1, v4;
	_ =	sdelay $0x1  }
0x1b3: {  	v3 =	vadd.s32 v1, v3;
	_ =	sdelay $0x2  }
0x1b4: {  	[tilespmem:s14], [sflag:$0x1] =	stream.indirect_vreg.gather [hbm4b:s2+s4], $0x80, v4, vm0, $0xb8;
	[tilespmem:$0xE180] =	vst v63  }
0x1b5: {  	s25 =	simm.s32 $0x7980  }
0x1b6: {  	[tilespmem:s25], [sflag:$0x1] =	stream.indirect_vreg.gather [hbm4b:s2+s4], $0x80, v3, vm0, $0xb8;
	[tilespmem:$0xE180] =	vst v63  }
0x1b7: {  	v3 =	vld [tilespmem:$0xF0];
	_ =	sdelay $0x4  }
0x1b8: {  	v61 =	vshll.u32 v3, $0x1  }
0x1b9: {  	v3 =	vand.u32 $0x7, v3;
	v4 =	vand.u32 $0xFFFFFFF0, v61  }
0x1ba: {  	v3 =	vor.u32 v3, v4  }
0x1bb: {  	v4 =	vperm.xlane v3, v0;
	_ =	sdelay $0x1  }
0x1bc: {  	v3 =	vperm.xlane v3, v2;
	v4 =	vadd.s32 v1, v4;
	_ =	sdelay $0x1  }
0x1bd: {  	v3 =	vadd.s32 v1, v3;
	_ =	sdelay $0x1  }
0x1be: {  	s26 =	simm.s32 $0x8180  }
0x1bf: {  	[tilespmem:s26], [sflag:$0x1] =	stream.indirect_vreg.gather [hbm4b:s2+s4], $0x80, v4, vm0, $0xb8;
	[tilespmem:$0xE180] =	vst v63  }
0x1c0: {  	_ = 	snop  }
0x1c1: {  	[tilespmem:s18], [sflag:$0x1] =	stream.indirect_vreg.gather [hbm4b:s2+s4], $0x80, v3, vm0, $0xb8;
	[tilespmem:$0xE180] =	vst v63  }
0x1c2: {  	v3 =	vld [tilespmem:$0x100];
	_ =	sdelay $0x4  }
0x1c3: {  	v62 =	vshll.u32 v3, $0x1  }
0x1c4: {  	v3 =	vand.u32 $0x7, v3;
	v4 =	vand.u32 $0xFFFFFFF0, v62  }
0x1c5: {  	v3 =	vor.u32 v3, v4  }
0x1c6: {  	v4 =	vperm.xlane v3, v0;
	_ =	sdelay $0x1  }
0x1c7: {  	v3 =	vperm.xlane v3, v2;
	v4 =	vadd.s32 v1, v4;
	_ =	sdelay $0x1  }
0x1c8: {  	v3 =	vadd.s32 v1, v3;
	_ =	sdelay $0x2  }
0x1c9: {  	[tilespmem:s19], [sflag:$0x1] =	stream.indirect_vreg.gather [hbm4b:s2+s4], $0x80, v4, vm0, $0xb8;
	[tilespmem:$0xE180] =	vst v63  }
0x1ca: {  	_ = 	snop  }
0x1cb: {  	[tilespmem:s20], [sflag:$0x1] =	stream.indirect_vreg.gather [hbm4b:s2+s4], $0x80, v3, vm0, $0xb8;
	[tilespmem:$0xE180] =	vst v63  }
0x1cc: {  	v3 =	vld.msk [tilespmem:$0x110], $0xff;
	_ =	sdelay $0x4  }
0x1cd: {  	v63 =	vshll.u32 v3, $0x1  }
0x1ce: {  	v3 =	vand.u32 $0x7, v3;
	v4 =	vand.u32 $0xFFFFFFF0, v63  }
0x1cf: {  	v3 =	vor.u32 v3, v4  }
0x1d0: {  	v3 =	vperm.xlane v3, v0;
	_ =	sdelay $0x1  }
0x1d1: {  	v3 =	vadd.s32 v1, v3;
	_ =	sdelay $0x4  }
0x1d2: {  	[tilespmem:s24], [sflag:$0x1] =	stream.indirect_vreg.gather [hbm4b:s2+s4], $0x80, v3, vm0, $0xb8;
	[tilespmem:$0xE180] =	vst v63  }
0x1d3: {  	_ =	swait.ge [sflag:s21], $0x3800  }
0x1d4: {  	[sflag:s21] =	ssyncset.done $0x0  }
0x1d5: {  	[sflag:s21] =	ssyncadd.s32 $0xFFFFC800  }
0x1d6: {  	_ =	swait.ge [sflag:s21], $0x3800  }
0x1d7: {  	[sflag:s21] =	ssyncset.done $0x0  }
0x1d8: {  	s3 =	rddreg [dreg:$0xe];
	[sflag:s21] =	ssyncadd.s32 $0xFFFFC800  }
0x1d9: {  	[hbm4b:s3+s22] =	stream.strided.scatter [tilespmem:s17], [sflag:$0x2], $0x3800, s23, s22, $0x38;
	[tilespmem:$0xE180] =	vst v63  }
0x1da: {  	s6 =	rddreg [dreg:$0xf]  }
0x1db: {  	[hbm4b:s6+s22] =	stream.strided.scatter [tilespmem:s14], [sflag:$0x2], $0x3800, s23, s22, $0x38;
	[tilespmem:$0xE180] =	vst v63  }
0x1dc: {  	_ =	swait.ge [sflag:s0], $0x3800  }
0x1dd: {  	[sflag:s0] =	ssyncset.done $0x0  }
0x1de: {  	[sflag:s0] =	ssyncadd.s32 $0xFFFFC800  }
0x1df: {  	_ =	swait.ge [sflag:s0], $0x3800  }
0x1e0: {  	[sflag:s0] =	ssyncset.done $0x0  }
0x1e1: {  	[sflag:s0] =	ssyncadd.s32 $0xFFFFC800  }
0x1e2: {  	p0 =	sne.s32 s5, $0x1;
	_ =	swait.ge [sflag:s31], $0x3800  }
.Ltmp0:
0x1e3: {  	[sflag:s31] =	ssyncset.done $0x0;
	(pc) =	sbr.rel @p0 .LBB2_1-.Ltmp0, $4  }
0x1e4: {  	[sflag:s31] =	ssyncadd.s32 $0xFFFFC800  }
0x1e5: {  	_ =	swait.ge [sflag:s31], $0x3800  }
0x1e6: {  	[sflag:s31] =	ssyncset.done $0x0  }
0x1e7: {  	s5 =	sadd.s32 $0xFFFFFFFF, s5;
	[sflag:s31] =	ssyncadd.s32 $0xFFFFC800  }
0x1e8: {  	_ =	sfence.sel $0x180000  }
0x1e9: {  	[bflag:$0x0] =	sbarrier.arrive $0xFFFF  }
0x1ea: {  	_ =	strace $0x90000047  }
0x1eb: {  	s0 =	stileid.u32;
	[bflag:$0x2] =	sbarrier.arrive $0xFFFF  }
0x1ec: {  	p0 =	sne.s32 s0, $0x0;
	s0 =	rddreg [dreg:$0x4]  }
0x1ed: {  	s0 =	sadd.s32 @!p0 $0x100000, s0  }
0x1ee: {  	[sflag:s0] =	ssyncadd.tile.s32 @!p0 $0x1;
	_ =	shalt  }
.Lfunc_end2:
_tile_overlayer_lowered:
.L_overlay_start_2:
0x1ef: {  	(tag) =	ssettag $0x2  }
0x1f0: {  	s0 =	rddreg [dreg:$0x0];
	s2 =	stileid.u32  }
0x1f1: {  	s1 =	rddreg [dreg:$0x1];
	p0 =	sne.s32 s2, $0x0  }
0x1f2: {  	s3 =	rddreg [dreg:$0x2];
	[bflag:$0x3] =	sbarrier.arrive $0xFFFF;
	s2 =	simm.s32 @!p0 $0x1C04  }
0x1f3: {  	[timem:s3], [sflag:s2] =	dma.local @!p0 [hbm:s0], s1  }
0x1f4: {  	s0 =	simm.s32 @!p0 $0x4  }
0x1f5: {  	_ =	swait.ge @!p0 [sflag:s0], s1  }
0x1f6: {  	s1 =	ssub.s32 @!p0 $0x0, s1;
	[sflag:s0] =	ssyncset.done @!p0 $0x0  }
0x1f7: {  	[sflag:s0] =	ssyncadd.s32 @!p0 s1  }
0x1f8: {  	[bflag:$0x3] =	sbarrier.arrive $0xFFFF  }
0x1f9: {  	_ =	shalt  }

</sc_bundles>
